<compile_context>
chip_gen: v7x
topology: tpu7x:2x2x1
jax: 0.10.2.dev20260603
libtpu: 0.0.44.dev20260713+nightly
codegen_flags: <defaults>
</compile_context>

<pallas_src>
import functools

import jax
import jax.numpy as jnp
from jax import lax
from jax.experimental import pallas as pl
from jax.experimental.pallas import tpu as pltpu
from jax.experimental.pallas import tpu_sc as plsc

_PERM = (
    1, 3, 5, 0, 2, 6, 7, 4,
    10, 8, 12, 13, 15, 14, 11, 9,
    21, 23, 16, 17, 20, 18, 22, 19,
    28, 29, 27, 26, 31, 30, 24, 25,
    38, 37, 33, 35, 34, 39, 36, 32,
    43, 41, 47, 42, 44, 40, 45, 46,
    49, 55, 54, 48, 53, 51, 52, 50,
    61, 56, 58, 63, 57, 59, 60, 62,
)

_B, _C, _T = 128, 64, 4000
_NW = 32
_CH_PW = _C // _NW
_WORDS = tuple(_PERM[2 * w] | (_PERM[2 * w + 1] << 8) for w in range(_NW))

_CHUNK = 200
_NCHUNK = _T // _CHUNK
_NBUF = 4


def _make_sc_permute():
    mesh = plsc.VectorSubcoreMesh(core_axis_name="c", subcore_axis_name="s")

    @functools.partial(
        pl.kernel,
        mesh=mesh,
        out_type=jax.ShapeDtypeStruct((_C, 1, _T, _B), jnp.float32),
        scratch_types=(
            [pltpu.VMEM_SHARED((16, _NBUF, _CHUNK, _B), jnp.float32)]
            + [pltpu.SemaphoreType.DMA] * (2 * _NBUF)
        ),
    )
    def sc_permute(in_hbm, out_hbm, shared, *sems):
        sid = lax.axis_index("s")
        bufs = [
            shared.at[pl.ds(sid, 1), pl.ds(p, 1), :, :] for p in range(_NBUF)
        ]
        rsems = sems[:_NBUF]
        wsems = sems[_NBUF:]
        wid = sid * 2 + lax.axis_index("c")
        word = jnp.int32(0)
        for w in range(_NW):
            word = jnp.where(wid == w, jnp.int32(_WORDS[w]), word)
        srcs = (word & 0xFF, word >> 8)
        dsts = (wid * _CH_PW, wid * _CH_PW + 1)

        steps = [(ch, k) for ch in range(_CH_PW) for k in range(_NCHUNK)]
        n = len(steps)

        def read(i):
            ch, k = steps[i]
            p = i % _NBUF
            return pltpu.async_copy(
                in_hbm.at[pl.ds(srcs[ch], 1), :, pl.ds(k * _CHUNK, _CHUNK), :],
                bufs[p],
                rsems[p],
            )

        def write(i):
            ch, k = steps[i]
            p = i % _NBUF
            return pltpu.async_copy(
                bufs[p],
                out_hbm.at[pl.ds(dsts[ch], 1), :, pl.ds(k * _CHUNK, _CHUNK), :],
                wsems[p],
            )

        pending_reads = [None] * _NBUF
        pending_writes = [None] * _NBUF
        lag = 1
        for i in range(n + lag):
            if i < n:
                p = i % _NBUF
                if pending_writes[p] is not None:
                    pending_writes[p].wait()
                pending_reads[p] = read(i)
            if i >= lag:
                j = i - lag
                q = j % _NBUF
                pending_reads[q].wait()
                pending_writes[q] = write(j)
        for j in range(n - _NBUF, n):
            pending_writes[j % _NBUF].wait()

    return sc_permute


def kernel(data_tensor, domain_labels, aux_labels):
    del domain_labels, aux_labels
    x = jnp.transpose(data_tensor, (1, 2, 3, 0))
    y = _make_sc_permute()(x)
    return jnp.transpose(y, (3, 0, 1, 2))

# --- scband reference (transcript-rebuilt; emitter-appended) ---
"""Pipeline reference for scband-channelwise-data-augmentation-32590211842684 (READ-ONLY COPY).

The authoritative reference and input builder live on the scoring server;
editing this copy changes nothing except your own understanding.
"""

import jax, jax.numpy as jnp
import numpy as np

CHANNEL_NUM = 64
CORTICAL_REGIONS = [list(range(i * 8, (i + 1) * 8)) for i in range(8)]


def setup_inputs(seed: int = 0) -> dict:
    key = jax.random.key(seed)
    k1, k2, k3 = jax.random.split(key, 3)
    data_tensor = jax.random.normal(k1, (128, 64, 1, 4000), dtype=jnp.float32)
    domain_labels = jax.random.randint(k2, (128,), 0, 10, dtype=jnp.int64) if jax.config.jax_enable_x64 else jax.random.randint(k2, (128,), 0, 10).astype(jnp.int32)
    aux_labels = jax.random.randint(k3, (128,), 0, 10).astype(jnp.int32)
    return {"data_tensor": data_tensor, "domain_labels": domain_labels, "aux_labels": aux_labels}


def _build_channel_perm():
    # swap_probability_method == 'deterministic' -> swap_probabilities are all 1.0,
    # so every Bernoulli decision is True and every channel in each region with
    # >= 2 channels participates in the swap. The swap is a random permutation of
    # the selected channels within each cortical region (no cross-region mixing).
    perm = jnp.arange(CHANNEL_NUM)
    key = jax.random.key(42)
    for r, region in enumerate(CORTICAL_REGIONS):
        region_channels = [c for c in region if c < CHANNEL_NUM]
        if len(region_channels) < 2:
            continue
        # deterministic method: all decisions True -> swap_indices == region_channels
        idx = jnp.array(region_channels, dtype=jnp.int32)
        shuffled = jax.random.permutation(jax.random.fold_in(key, r), idx)
        perm = perm.at[idx].set(shuffled)
    return perm


def reference(data_tensor, domain_labels, aux_labels):
    # augmented_data = data_tensor.clone(); then per-region channel shuffle.
    # Equivalent to gathering along the channel axis with the composed permutation.
    perm = _build_channel_perm()
    augmented = jnp.take(data_tensor, perm, axis=1)
    return augmented

if __name__ == "__main__":
    import jax
    _d = setup_inputs()
    print(jax.jit(kernel)(*tuple(_d.values())))

</pallas_src>

<mosaic_0001>
#map = affine_map<(d0, d1) -> (0, 0, 0, 0)>
module attributes {stable_mosaic.version = 14 : i64} {
  func.func @sc_permute(%arg0: i32, %arg1: i32, %arg2: memref<64x1x4000x128xf32, #tpu.memory_space<hbm>>, %arg3: memref<64x1x4000x128xf32, #tpu.memory_space<hbm>>, %arg4: memref<16x4x200x128xf32, #tpu.memory_space<vmem_shared>>, %arg5: memref<!tpu.dma_semaphore, #tpu.memory_space<semaphore_mem>>, %arg6: memref<!tpu.dma_semaphore, #tpu.memory_space<semaphore_mem>>, %arg7: memref<!tpu.dma_semaphore, #tpu.memory_space<semaphore_mem>>, %arg8: memref<!tpu.dma_semaphore, #tpu.memory_space<semaphore_mem>>, %arg9: memref<!tpu.dma_semaphore, #tpu.memory_space<semaphore_mem>>, %arg10: memref<!tpu.dma_semaphore, #tpu.memory_space<semaphore_mem>>, %arg11: memref<!tpu.dma_semaphore, #tpu.memory_space<semaphore_mem>>, %arg12: memref<!tpu.dma_semaphore, #tpu.memory_space<semaphore_mem>>) attributes {dimension_semantics = [#tpu.dimension_semantics<core_parallel>, #tpu.dimension_semantics<subcore_parallel>], iteration_bounds = array<i64: 2, 16>, scalar_prefetch = 0 : i64, scratch_operands = 9 : i64, tpu.core_type = #tpu.core_type<sc_vector_subcore>, window_params = [{transform_indices = #map}, {transform_indices = #map}]} {
    %mul3A = arith.constant 2 : i32
    %mul3A_0 = arith.muli %arg1, %mul3A : i32
    %add3A = arith.addi %mul3A_0, %arg0 : i32
    %eq3A = arith.constant 0 : i32
    %eq3A_1 = arith.cmpi eq, %add3A, %eq3A : i32
    %jit3A = arith.constant 769 : i32
    %jit3A_2 = arith.constant 0 : i32
    %select_n3A = arith.select %eq3A_1, %jit3A, %jit3A_2 : i32
    %eq3A_3 = arith.constant 1 : i32
    %eq3A_4 = arith.cmpi eq, %add3A, %eq3A_3 : i32
    %jit3A_5 = arith.constant 5 : i32
    %select_n3A_6 = arith.select %eq3A_4, %jit3A_5, %select_n3A : i32
    %eq3A_7 = arith.constant 2 : i32
    %eq3A_8 = arith.cmpi eq, %add3A, %eq3A_7 : i32
    %jit3A_9 = arith.constant 1538 : i32
    %select_n3A_10 = arith.select %eq3A_8, %jit3A_9, %select_n3A_6 : i32
    %eq3A_11 = arith.constant 3 : i32
    %eq3A_12 = arith.cmpi eq, %add3A, %eq3A_11 : i32
    %jit3A_13 = arith.constant 1031 : i32
    %select_n3A_14 = arith.select %eq3A_12, %jit3A_13, %select_n3A_10 : i32
    %eq3A_15 = arith.constant 4 : i32
    %eq3A_16 = arith.cmpi eq, %add3A, %eq3A_15 : i32
    %jit3A_17 = arith.constant 2058 : i32
    %select_n3A_18 = arith.select %eq3A_16, %jit3A_17, %select_n3A_14 : i32
    %eq3A_19 = arith.constant 5 : i32
    %eq3A_20 = arith.cmpi eq, %add3A, %eq3A_19 : i32
    %jit3A_21 = arith.constant 3340 : i32
    %select_n3A_22 = arith.select %eq3A_20, %jit3A_21, %select_n3A_18 : i32
    %eq3A_23 = arith.constant 6 : i32
    %eq3A_24 = arith.cmpi eq, %add3A, %eq3A_23 : i32
    %jit3A_25 = arith.constant 3599 : i32
    %select_n3A_26 = arith.select %eq3A_24, %jit3A_25, %select_n3A_22 : i32
    %eq3A_27 = arith.constant 7 : i32
    %eq3A_28 = arith.cmpi eq, %add3A, %eq3A_27 : i32
    %jit3A_29 = arith.constant 2315 : i32
    %select_n3A_30 = arith.select %eq3A_28, %jit3A_29, %select_n3A_26 : i32
    %eq3A_31 = arith.constant 8 : i32
    %eq3A_32 = arith.cmpi eq, %add3A, %eq3A_31 : i32
    %jit3A_33 = arith.constant 5909 : i32
    %select_n3A_34 = arith.select %eq3A_32, %jit3A_33, %select_n3A_30 : i32
    %eq3A_35 = arith.constant 9 : i32
    %eq3A_36 = arith.cmpi eq, %add3A, %eq3A_35 : i32
    %jit3A_37 = arith.constant 4368 : i32
    %select_n3A_38 = arith.select %eq3A_36, %jit3A_37, %select_n3A_34 : i32
    %eq3A_39 = arith.constant 10 : i32
    %eq3A_40 = arith.cmpi eq, %add3A, %eq3A_39 : i32
    %jit3A_41 = arith.constant 4628 : i32
    %select_n3A_42 = arith.select %eq3A_40, %jit3A_41, %select_n3A_38 : i32
    %eq3A_43 = arith.constant 11 : i32
    %eq3A_44 = arith.cmpi eq, %add3A, %eq3A_43 : i32
    %jit3A_45 = arith.constant 4886 : i32
    %select_n3A_46 = arith.select %eq3A_44, %jit3A_45, %select_n3A_42 : i32
    %eq3A_47 = arith.constant 12 : i32
    %eq3A_48 = arith.cmpi eq, %add3A, %eq3A_47 : i32
    %jit3A_49 = arith.constant 7452 : i32
    %select_n3A_50 = arith.select %eq3A_48, %jit3A_49, %select_n3A_46 : i32
    %eq3A_51 = arith.constant 13 : i32
    %eq3A_52 = arith.cmpi eq, %add3A, %eq3A_51 : i32
    %jit3A_53 = arith.constant 6683 : i32
    %select_n3A_54 = arith.select %eq3A_52, %jit3A_53, %select_n3A_50 : i32
    %eq3A_55 = arith.constant 14 : i32
    %eq3A_56 = arith.cmpi eq, %add3A, %eq3A_55 : i32
    %jit3A_57 = arith.constant 7711 : i32
    %select_n3A_58 = arith.select %eq3A_56, %jit3A_57, %select_n3A_54 : i32
    %eq3A_59 = arith.constant 15 : i32
    %eq3A_60 = arith.cmpi eq, %add3A, %eq3A_59 : i32
    %jit3A_61 = arith.constant 6424 : i32
    %select_n3A_62 = arith.select %eq3A_60, %jit3A_61, %select_n3A_58 : i32
    %eq3A_63 = arith.constant 16 : i32
    %eq3A_64 = arith.cmpi eq, %add3A, %eq3A_63 : i32
    %jit3A_65 = arith.constant 9510 : i32
    %select_n3A_66 = arith.select %eq3A_64, %jit3A_65, %select_n3A_62 : i32
    %eq3A_67 = arith.constant 17 : i32
    %eq3A_68 = arith.cmpi eq, %add3A, %eq3A_67 : i32
    %jit3A_69 = arith.constant 8993 : i32
    %select_n3A_70 = arith.select %eq3A_68, %jit3A_69, %select_n3A_66 : i32
    %eq3A_71 = arith.constant 18 : i32
    %eq3A_72 = arith.cmpi eq, %add3A, %eq3A_71 : i32
    %jit3A_73 = arith.constant 10018 : i32
    %select_n3A_74 = arith.select %eq3A_72, %jit3A_73, %select_n3A_70 : i32
    %eq3A_75 = arith.constant 19 : i32
    %eq3A_76 = arith.cmpi eq, %add3A, %eq3A_75 : i32
    %jit3A_77 = arith.constant 8228 : i32
    %select_n3A_78 = arith.select %eq3A_76, %jit3A_77, %select_n3A_74 : i32
    %eq3A_79 = arith.constant 20 : i32
    %eq3A_80 = arith.cmpi eq, %add3A, %eq3A_79 : i32
    %jit3A_81 = arith.constant 10539 : i32
    %select_n3A_82 = arith.select %eq3A_80, %jit3A_81, %select_n3A_78 : i32
    %eq3A_83 = arith.constant 21 : i32
    %eq3A_84 = arith.cmpi eq, %add3A, %eq3A_83 : i32
    %jit3A_85 = arith.constant 10799 : i32
    %select_n3A_86 = arith.select %eq3A_84, %jit3A_85, %select_n3A_82 : i32
    %eq3A_87 = arith.constant 22 : i32
    %eq3A_88 = arith.cmpi eq, %add3A, %eq3A_87 : i32
    %jit3A_89 = arith.constant 10284 : i32
    %select_n3A_90 = arith.select %eq3A_88, %jit3A_89, %select_n3A_86 : i32
    %eq3A_91 = arith.constant 23 : i32
    %eq3A_92 = arith.cmpi eq, %add3A, %eq3A_91 : i32
    %jit3A_93 = arith.constant 11821 : i32
    %select_n3A_94 = arith.select %eq3A_92, %jit3A_93, %select_n3A_90 : i32
    %eq3A_95 = arith.constant 24 : i32
    %eq3A_96 = arith.cmpi eq, %add3A, %eq3A_95 : i32
    %jit3A_97 = arith.constant 14129 : i32
    %select_n3A_98 = arith.select %eq3A_96, %jit3A_97, %select_n3A_94 : i32
    %eq3A_99 = arith.constant 25 : i32
    %eq3A_100 = arith.cmpi eq, %add3A, %eq3A_99 : i32
    %jit3A_101 = arith.constant 12342 : i32
    %select_n3A_102 = arith.select %eq3A_100, %jit3A_101, %select_n3A_98 : i32
    %eq3A_103 = arith.constant 26 : i32
    %eq3A_104 = arith.cmpi eq, %add3A, %eq3A_103 : i32
    %jit3A_105 = arith.constant 13109 : i32
    %select_n3A_106 = arith.select %eq3A_104, %jit3A_105, %select_n3A_102 : i32
    %eq3A_107 = arith.constant 27 : i32
    %eq3A_108 = arith.cmpi eq, %add3A, %eq3A_107 : i32
    %jit3A_109 = arith.constant 12852 : i32
    %select_n3A_110 = arith.select %eq3A_108, %jit3A_109, %select_n3A_106 : i32
    %eq3A_111 = arith.constant 28 : i32
    %eq3A_112 = arith.cmpi eq, %add3A, %eq3A_111 : i32
    %jit3A_113 = arith.constant 14397 : i32
    %select_n3A_114 = arith.select %eq3A_112, %jit3A_113, %select_n3A_110 : i32
    %eq3A_115 = arith.constant 29 : i32
    %eq3A_116 = arith.cmpi eq, %add3A, %eq3A_115 : i32
    %jit3A_117 = arith.constant 16186 : i32
    %select_n3A_118 = arith.select %eq3A_116, %jit3A_117, %select_n3A_114 : i32
    %eq3A_119 = arith.constant 30 : i32
    %eq3A_120 = arith.cmpi eq, %add3A, %eq3A_119 : i32
    %jit3A_121 = arith.constant 15161 : i32
    %select_n3A_122 = arith.select %eq3A_120, %jit3A_121, %select_n3A_118 : i32
    %eq3A_123 = arith.constant 31 : i32
    %eq3A_124 = arith.cmpi eq, %add3A, %eq3A_123 : i32
    %jit3A_125 = arith.constant 15932 : i32
    %select_n3A_126 = arith.select %eq3A_124, %jit3A_125, %select_n3A_122 : i32
    %and3A = arith.constant 255 : i32
    %and3A_127 = arith.andi %select_n3A_126, %and3A : i32
    %shift_right_arithmetic3A = arith.constant 8 : i32
    %shift_right_arithmetic3A_128 = arith.shrsi %select_n3A_126, %shift_right_arithmetic3A : i32
    %mul3A_129 = arith.constant 2 : i32
    %mul3A_130 = arith.muli %add3A, %mul3A_129 : i32
    %mul3A_131 = arith.constant 2 : i32
    %mul3A_132 = arith.muli %add3A, %mul3A_131 : i32
    %add3A_133 = arith.constant 1 : i32
    %add3A_134 = arith.addi %mul3A_132, %add3A_133 : i32
    %dma_start3A = arith.constant 0 : i32
    %dma_start3A_135 = arith.constant 0 : i32
    %dma_start3A_136 = arith.constant 0 : i32
    %dma_start3A_137 = tpu.memref_slice %arg4[%arg1, %dma_start3A, %dma_start3A_135, %dma_start3A_136] : memref<16x4x200x128xf32, #tpu.memory_space<vmem_shared>> -> memref<1x1x200x128xf32, #tpu.memory_space<vmem_shared>>
    %dma_start3A_138 = arith.constant 0 : i32
    %dma_start3A_139 = arith.constant 0 : i32
    %dma_start3A_140 = arith.constant 0 : i32
    %dma_start3A_141 = tpu.memref_slice %arg2[%and3A_127, %dma_start3A_138, %dma_start3A_139, %dma_start3A_140] : memref<64x1x4000x128xf32, #tpu.memory_space<hbm>> -> memref<1x1x200x128xf32, #tpu.memory_space<hbm>>
    tpu.enqueue_dma source(%dma_start3A_141 : memref<1x1x200x128xf32, #tpu.memory_space<hbm>>) target(%dma_start3A_137 : memref<1x1x200x128xf32, #tpu.memory_space<vmem_shared>>) target_semaphore(%arg5 : memref<!tpu.dma_semaphore, #tpu.memory_space<semaphore_mem>>)
    %dma_start3A_142 = arith.constant 1 : i32
    %dma_start3A_143 = arith.constant 0 : i32
    %dma_start3A_144 = arith.constant 0 : i32
    %dma_start3A_145 = tpu.memref_slice %arg4[%arg1, %dma_start3A_142, %dma_start3A_143, %dma_start3A_144] : memref<16x4x200x128xf32, #tpu.memory_space<vmem_shared>> -> memref<1x1x200x128xf32, #tpu.memory_space<vmem_shared>>
    %dma_start3A_146 = arith.constant 0 : i32
    %dma_start3A_147 = arith.constant 200 : i32
    %dma_start3A_148 = arith.constant 0 : i32
    %dma_start3A_149 = tpu.memref_slice %arg2[%and3A_127, %dma_start3A_146, %dma_start3A_147, %dma_start3A_148] : memref<64x1x4000x128xf32, #tpu.memory_space<hbm>> -> memref<1x1x200x128xf32, #tpu.memory_space<hbm>>
    tpu.enqueue_dma source(%dma_start3A_149 : memref<1x1x200x128xf32, #tpu.memory_space<hbm>>) target(%dma_start3A_145 : memref<1x1x200x128xf32, #tpu.memory_space<vmem_shared>>) target_semaphore(%arg6 : memref<!tpu.dma_semaphore, #tpu.memory_space<semaphore_mem>>)
    %dma_wait3A = arith.constant 0 : i32
    %dma_wait3A_150 = arith.constant 0 : i32
    %dma_wait3A_151 = arith.constant 0 : i32
    %dma_wait3A_152 = tpu.memref_slice %arg4[%arg1, %dma_wait3A, %dma_wait3A_150, %dma_wait3A_151] : memref<16x4x200x128xf32, #tpu.memory_space<vmem_shared>> -> memref<1x1x200x128xf32, #tpu.memory_space<vmem_shared>>
    %dma_wait3A_153 = arith.constant 0 : i32
    %dma_wait3A_154 = arith.constant 0 : i32
    %dma_wait3A_155 = arith.constant 0 : i32
    %dma_wait3A_156 = tpu.memref_slice %arg2[%and3A_127, %dma_wait3A_153, %dma_wait3A_154, %dma_wait3A_155] : memref<64x1x4000x128xf32, #tpu.memory_space<hbm>> -> memref<1x1x200x128xf32, #tpu.memory_space<hbm>>
    tpu.wait_dma2 semaphore(%arg5 : memref<!tpu.dma_semaphore, #tpu.memory_space<semaphore_mem>>) src(%dma_wait3A_156 : memref<1x1x200x128xf32, #tpu.memory_space<hbm>>) dst(%dma_wait3A_152 : memref<1x1x200x128xf32, #tpu.memory_space<vmem_shared>>)
    %dma_start3A_157 = arith.constant 0 : i32
    %dma_start3A_158 = arith.constant 0 : i32
    %dma_start3A_159 = arith.constant 0 : i32
    %dma_start3A_160 = tpu.memref_slice %arg3[%mul3A_130, %dma_start3A_157, %dma_start3A_158, %dma_start3A_159] : memref<64x1x4000x128xf32, #tpu.memory_space<hbm>> -> memref<1x1x200x128xf32, #tpu.memory_space<hbm>>
    %dma_start3A_161 = arith.constant 0 : i32
    %dma_start3A_162 = arith.constant 0 : i32
    %dma_start3A_163 = arith.constant 0 : i32
    %dma_start3A_164 = tpu.memref_slice %arg4[%arg1, %dma_start3A_161, %dma_start3A_162, %dma_start3A_163] : memref<16x4x200x128xf32, #tpu.memory_space<vmem_shared>> -> memref<1x1x200x128xf32, #tpu.memory_space<vmem_shared>>
    tpu.enqueue_dma source(%dma_start3A_164 : memref<1x1x200x128xf32, #tpu.memory_space<vmem_shared>>) target(%dma_start3A_160 : memref<1x1x200x128xf32, #tpu.memory_space<hbm>>) target_semaphore(%arg9 : memref<!tpu.dma_semaphore, #tpu.memory_space<semaphore_mem>>)
    %dma_start3A_165 = arith.constant 2 : i32
    %dma_start3A_166 = arith.constant 0 : i32
    %dma_start3A_167 = arith.constant 0 : i32
    %dma_start3A_168 = tpu.memref_slice %arg4[%arg1, %dma_start3A_165, %dma_start3A_166, %dma_start3A_167] : memref<16x4x200x128xf32, #tpu.memory_space<vmem_shared>> -> memref<1x1x200x128xf32, #tpu.memory_space<vmem_shared>>
    %dma_start3A_169 = arith.constant 0 : i32
    %dma_start3A_170 = arith.constant 400 : i32
    %dma_start3A_171 = arith.constant 0 : i32
    %dma_start3A_172 = tpu.memref_slice %arg2[%and3A_127, %dma_start3A_169, %dma_start3A_170, %dma_start3A_171] : memref<64x1x4000x128xf32, #tpu.memory_space<hbm>> -> memref<1x1x200x128xf32, #tpu.memory_space<hbm>>
    tpu.enqueue_dma source(%dma_start3A_172 : memref<1x1x200x128xf32, #tpu.memory_space<hbm>>) target(%dma_start3A_168 : memref<1x1x200x128xf32, #tpu.memory_space<vmem_shared>>) target_semaphore(%arg7 : memref<!tpu.dma_semaphore, #tpu.memory_space<semaphore_mem>>)
    %dma_wait3A_173 = arith.constant 1 : i32
    %dma_wait3A_174 = arith.constant 0 : i32
    %dma_wait3A_175 = arith.constant 0 : i32
    %dma_wait3A_176 = tpu.memref_slice %arg4[%arg1, %dma_wait3A_173, %dma_wait3A_174, %dma_wait3A_175] : memref<16x4x200x128xf32, #tpu.memory_space<vmem_shared>> -> memref<1x1x200x128xf32, #tpu.memory_space<vmem_shared>>
    %dma_wait3A_177 = arith.constant 0 : i32
    %dma_wait3A_178 = arith.constant 200 : i32
    %dma_wait3A_179 = arith.constant 0 : i32
    %dma_wait3A_180 = tpu.memref_slice %arg2[%and3A_127, %dma_wait3A_177, %dma_wait3A_178, %dma_wait3A_179] : memref<64x1x4000x128xf32, #tpu.memory_space<hbm>> -> memref<1x1x200x128xf32, #tpu.memory_space<hbm>>
    tpu.wait_dma2 semaphore(%arg6 : memref<!tpu.dma_semaphore, #tpu.memory_space<semaphore_mem>>) src(%dma_wait3A_180 : memref<1x1x200x128xf32, #tpu.memory_space<hbm>>) dst(%dma_wait3A_176 : memref<1x1x200x128xf32, #tpu.memory_space<vmem_shared>>)
    %dma_start3A_181 = arith.constant 0 : i32
    %dma_start3A_182 = arith.constant 200 : i32
    %dma_start3A_183 = arith.constant 0 : i32
    %dma_start3A_184 = tpu.memref_slice %arg3[%mul3A_130, %dma_start3A_181, %dma_start3A_182, %dma_start3A_183] : memref<64x1x4000x128xf32, #tpu.memory_space<hbm>> -> memref<1x1x200x128xf32, #tpu.memory_space<hbm>>
    %dma_start3A_185 = arith.constant 1 : i32
    %dma_start3A_186 = arith.constant 0 : i32
    %dma_start3A_187 = arith.constant 0 : i32
    %dma_start3A_188 = tpu.memref_slice %arg4[%arg1, %dma_start3A_185, %dma_start3A_186, %dma_start3A_187] : memref<16x4x200x128xf32, #tpu.memory_space<vmem_shared>> -> memref<1x1x200x128xf32, #tpu.memory_space<vmem_shared>>
    tpu.enqueue_dma source(%dma_start3A_188 : memref<1x1x200x128xf32, #tpu.memory_space<vmem_shared>>) target(%dma_start3A_184 : memref<1x1x200x128xf32, #tpu.memory_space<hbm>>) target_semaphore(%arg10 : memref<!tpu.dma_semaphore, #tpu.memory_space<semaphore_mem>>)
    %dma_start3A_189 = arith.constant 3 : i32
    %dma_start3A_190 = arith.constant 0 : i32
    %dma_start3A_191 = arith.constant 0 : i32
    %dma_start3A_192 = tpu.memref_slice %arg4[%arg1, %dma_start3A_189, %dma_start3A_190, %dma_start3A_191] : memref<16x4x200x128xf32, #tpu.memory_space<vmem_shared>> -> memref<1x1x200x128xf32, #tpu.memory_space<vmem_shared>>
    %dma_start3A_193 = arith.constant 0 : i32
    %dma_start3A_194 = arith.constant 600 : i32
    %dma_start3A_195 = arith.constant 0 : i32
    %dma_start3A_196 = tpu.memref_slice %arg2[%and3A_127, %dma_start3A_193, %dma_start3A_194, %dma_start3A_195] : memref<64x1x4000x128xf32, #tpu.memory_space<hbm>> -> memref<1x1x200x128xf32, #tpu.memory_space<hbm>>
    tpu.enqueue_dma source(%dma_start3A_196 : memref<1x1x200x128xf32, #tpu.memory_space<hbm>>) target(%dma_start3A_192 : memref<1x1x200x128xf32, #tpu.memory_space<vmem_shared>>) target_semaphore(%arg8 : memref<!tpu.dma_semaphore, #tpu.memory_space<semaphore_mem>>)
    %dma_wait3A_197 = arith.constant 2 : i32
    %dma_wait3A_198 = arith.constant 0 : i32
    %dma_wait3A_199 = arith.constant 0 : i32
    %dma_wait3A_200 = tpu.memref_slice %arg4[%arg1, %dma_wait3A_197, %dma_wait3A_198, %dma_wait3A_199] : memref<16x4x200x128xf32, #tpu.memory_space<vmem_shared>> -> memref<1x1x200x128xf32, #tpu.memory_space<vmem_shared>>
    %dma_wait3A_201 = arith.constant 0 : i32
    %dma_wait3A_202 = arith.constant 400 : i32
    %dma_wait3A_203 = arith.constant 0 : i32
    %dma_wait3A_204 = tpu.memref_slice %arg2[%and3A_127, %dma_wait3A_201, %dma_wait3A_202, %dma_wait3A_203] : memref<64x1x4000x128xf32, #tpu.memory_space<hbm>> -> memref<1x1x200x128xf32, #tpu.memory_space<hbm>>
    tpu.wait_dma2 semaphore(%arg7 : memref<!tpu.dma_semaphore, #tpu.memory_space<semaphore_mem>>) src(%dma_wait3A_204 : memref<1x1x200x128xf32, #tpu.memory_space<hbm>>) dst(%dma_wait3A_200 : memref<1x1x200x128xf32, #tpu.memory_space<vmem_shared>>)
    %dma_start3A_205 = arith.constant 0 : i32
    %dma_start3A_206 = arith.constant 400 : i32
    %dma_start3A_207 = arith.constant 0 : i32
    %dma_start3A_208 = tpu.memref_slice %arg3[%mul3A_130, %dma_start3A_205, %dma_start3A_206, %dma_start3A_207] : memref<64x1x4000x128xf32, #tpu.memory_space<hbm>> -> memref<1x1x200x128xf32, #tpu.memory_space<hbm>>
    %dma_start3A_209 = arith.constant 2 : i32
    %dma_start3A_210 = arith.constant 0 : i32
    %dma_start3A_211 = arith.constant 0 : i32
    %dma_start3A_212 = tpu.memref_slice %arg4[%arg1, %dma_start3A_209, %dma_start3A_210, %dma_start3A_211] : memref<16x4x200x128xf32, #tpu.memory_space<vmem_shared>> -> memref<1x1x200x128xf32, #tpu.memory_space<vmem_shared>>
    tpu.enqueue_dma source(%dma_start3A_212 : memref<1x1x200x128xf32, #tpu.memory_space<vmem_shared>>) target(%dma_start3A_208 : memref<1x1x200x128xf32, #tpu.memory_space<hbm>>) target_semaphore(%arg11 : memref<!tpu.dma_semaphore, #tpu.memory_space<semaphore_mem>>)
    %dma_wait3A_213 = arith.constant 0 : i32
    %dma_wait3A_214 = arith.constant 0 : i32
    %dma_wait3A_215 = arith.constant 0 : i32
    %dma_wait3A_216 = tpu.memref_slice %arg3[%mul3A_130, %dma_wait3A_213, %dma_wait3A_214, %dma_wait3A_215] : memref<64x1x4000x128xf32, #tpu.memory_space<hbm>> -> memref<1x1x200x128xf32, #tpu.memory_space<hbm>>
    %dma_wait3A_217 = arith.constant 0 : i32
    %dma_wait3A_218 = arith.constant 0 : i32
    %dma_wait3A_219 = arith.constant 0 : i32
    %dma_wait3A_220 = tpu.memref_slice %arg4[%arg1, %dma_wait3A_217, %dma_wait3A_218, %dma_wait3A_219] : memref<16x4x200x128xf32, #tpu.memory_space<vmem_shared>> -> memref<1x1x200x128xf32, #tpu.memory_space<vmem_shared>>
    tpu.wait_dma2 semaphore(%arg9 : memref<!tpu.dma_semaphore, #tpu.memory_space<semaphore_mem>>) src(%dma_wait3A_220 : memref<1x1x200x128xf32, #tpu.memory_space<vmem_shared>>) dst(%dma_wait3A_216 : memref<1x1x200x128xf32, #tpu.memory_space<hbm>>)
    %dma_start3A_221 = arith.constant 0 : i32
    %dma_start3A_222 = arith.constant 0 : i32
    %dma_start3A_223 = arith.constant 0 : i32
    %dma_start3A_224 = tpu.memref_slice %arg4[%arg1, %dma_start3A_221, %dma_start3A_222, %dma_start3A_223] : memref<16x4x200x128xf32, #tpu.memory_space<vmem_shared>> -> memref<1x1x200x128xf32, #tpu.memory_space<vmem_shared>>
    %dma_start3A_225 = arith.constant 0 : i32
    %dma_start3A_226 = arith.constant 800 : i32
    %dma_start3A_227 = arith.constant 0 : i32
    %dma_start3A_228 = tpu.memref_slice %arg2[%and3A_127, %dma_start3A_225, %dma_start3A_226, %dma_start3A_227] : memref<64x1x4000x128xf32, #tpu.memory_space<hbm>> -> memref<1x1x200x128xf32, #tpu.memory_space<hbm>>
    tpu.enqueue_dma source(%dma_start3A_228 : memref<1x1x200x128xf32, #tpu.memory_space<hbm>>) target(%dma_start3A_224 : memref<1x1x200x128xf32, #tpu.memory_space<vmem_shared>>) target_semaphore(%arg5 : memref<!tpu.dma_semaphore, #tpu.memory_space<semaphore_mem>>)
    %dma_wait3A_229 = arith.constant 3 : i32
    %dma_wait3A_230 = arith.constant 0 : i32
    %dma_wait3A_231 = arith.constant 0 : i32
    %dma_wait3A_232 = tpu.memref_slice %arg4[%arg1, %dma_wait3A_229, %dma_wait3A_230, %dma_wait3A_231] : memref<16x4x200x128xf32, #tpu.memory_space<vmem_shared>> -> memref<1x1x200x128xf32, #tpu.memory_space<vmem_shared>>
    %dma_wait3A_233 = arith.constant 0 : i32
    %dma_wait3A_234 = arith.constant 600 : i32
    %dma_wait3A_235 = arith.constant 0 : i32
    %dma_wait3A_236 = tpu.memref_slice %arg2[%and3A_127, %dma_wait3A_233, %dma_wait3A_234, %dma_wait3A_235] : memref<64x1x4000x128xf32, #tpu.memory_space<hbm>> -> memref<1x1x200x128xf32, #tpu.memory_space<hbm>>
    tpu.wait_dma2 semaphore(%arg8 : memref<!tpu.dma_semaphore, #tpu.memory_space<semaphore_mem>>) src(%dma_wait3A_236 : memref<1x1x200x128xf32, #tpu.memory_space<hbm>>) dst(%dma_wait3A_232 : memref<1x1x200x128xf32, #tpu.memory_space<vmem_shared>>)
    %dma_start3A_237 = arith.constant 0 : i32
    %dma_start3A_238 = arith.constant 600 : i32
    %dma_start3A_239 = arith.constant 0 : i32
    %dma_start3A_240 = tpu.memref_slice %arg3[%mul3A_130, %dma_start3A_237, %dma_start3A_238, %dma_start3A_239] : memref<64x1x4000x128xf32, #tpu.memory_space<hbm>> -> memref<1x1x200x128xf32, #tpu.memory_space<hbm>>
    %dma_start3A_241 = arith.constant 3 : i32
    %dma_start3A_242 = arith.constant 0 : i32
    %dma_start3A_243 = arith.constant 0 : i32
    %dma_start3A_244 = tpu.memref_slice %arg4[%arg1, %dma_start3A_241, %dma_start3A_242, %dma_start3A_243] : memref<16x4x200x128xf32, #tpu.memory_space<vmem_shared>> -> memref<1x1x200x128xf32, #tpu.memory_space<vmem_shared>>
    tpu.enqueue_dma source(%dma_start3A_244 : memref<1x1x200x128xf32, #tpu.memory_space<vmem_shared>>) target(%dma_start3A_240 : memref<1x1x200x128xf32, #tpu.memory_space<hbm>>) target_semaphore(%arg12 : memref<!tpu.dma_semaphore, #tpu.memory_space<semaphore_mem>>)
    %dma_wait3A_245 = arith.constant 0 : i32
    %dma_wait3A_246 = arith.constant 200 : i32
    %dma_wait3A_247 = arith.constant 0 : i32
    %dma_wait3A_248 = tpu.memref_slice %arg3[%mul3A_130, %dma_wait3A_245, %dma_wait3A_246, %dma_wait3A_247] : memref<64x1x4000x128xf32, #tpu.memory_space<hbm>> -> memref<1x1x200x128xf32, #tpu.memory_space<hbm>>
    %dma_wait3A_249 = arith.constant 1 : i32
    %dma_wait3A_250 = arith.constant 0 : i32
    %dma_wait3A_251 = arith.constant 0 : i32
    %dma_wait3A_252 = tpu.memref_slice %arg4[%arg1, %dma_wait3A_249, %dma_wait3A_250, %dma_wait3A_251] : memref<16x4x200x128xf32, #tpu.memory_space<vmem_shared>> -> memref<1x1x200x128xf32, #tpu.memory_space<vmem_shared>>
    tpu.wait_dma2 semaphore(%arg10 : memref<!tpu.dma_semaphore, #tpu.memory_space<semaphore_mem>>) src(%dma_wait3A_252 : memref<1x1x200x128xf32, #tpu.memory_space<vmem_shared>>) dst(%dma_wait3A_248 : memref<1x1x200x128xf32, #tpu.memory_space<hbm>>)
    %dma_start3A_253 = arith.constant 1 : i32
    %dma_start3A_254 = arith.constant 0 : i32
    %dma_start3A_255 = arith.constant 0 : i32
    %dma_start3A_256 = tpu.memref_slice %arg4[%arg1, %dma_start3A_253, %dma_start3A_254, %dma_start3A_255] : memref<16x4x200x128xf32, #tpu.memory_space<vmem_shared>> -> memref<1x1x200x128xf32, #tpu.memory_space<vmem_shared>>
    %dma_start3A_257 = arith.constant 0 : i32
    %dma_start3A_258 = arith.constant 1000 : i32
    %dma_start3A_259 = arith.constant 0 : i32
    %dma_start3A_260 = tpu.memref_slice %arg2[%and3A_127, %dma_start3A_257, %dma_start3A_258, %dma_start3A_259] : memref<64x1x4000x128xf32, #tpu.memory_space<hbm>> -> memref<1x1x200x128xf32, #tpu.memory_space<hbm>>
    tpu.enqueue_dma source(%dma_start3A_260 : memref<1x1x200x128xf32, #tpu.memory_space<hbm>>) target(%dma_start3A_256 : memref<1x1x200x128xf32, #tpu.memory_space<vmem_shared>>) target_semaphore(%arg6 : memref<!tpu.dma_semaphore, #tpu.memory_space<semaphore_mem>>)
    %dma_wait3A_261 = arith.constant 0 : i32
    %dma_wait3A_262 = arith.constant 0 : i32
    %dma_wait3A_263 = arith.constant 0 : i32
    %dma_wait3A_264 = tpu.memref_slice %arg4[%arg1, %dma_wait3A_261, %dma_wait3A_262, %dma_wait3A_263] : memref<16x4x200x128xf32, #tpu.memory_space<vmem_shared>> -> memref<1x1x200x128xf32, #tpu.memory_space<vmem_shared>>
    %dma_wait3A_265 = arith.constant 0 : i32
    %dma_wait3A_266 = arith.constant 800 : i32
    %dma_wait3A_267 = arith.constant 0 : i32
    %dma_wait3A_268 = tpu.memref_slice %arg2[%and3A_127, %dma_wait3A_265, %dma_wait3A_266, %dma_wait3A_267] : memref<64x1x4000x128xf32, #tpu.memory_space<hbm>> -> memref<1x1x200x128xf32, #tpu.memory_space<hbm>>
    tpu.wait_dma2 semaphore(%arg5 : memref<!tpu.dma_semaphore, #tpu.memory_space<semaphore_mem>>) src(%dma_wait3A_268 : memref<1x1x200x128xf32, #tpu.memory_space<hbm>>) dst(%dma_wait3A_264 : memref<1x1x200x128xf32, #tpu.memory_space<vmem_shared>>)
    %dma_start3A_269 = arith.constant 0 : i32
    %dma_start3A_270 = arith.constant 800 : i32
    %dma_start3A_271 = arith.constant 0 : i32
    %dma_start3A_272 = tpu.memref_slice %arg3[%mul3A_130, %dma_start3A_269, %dma_start3A_270, %dma_start3A_271] : memref<64x1x4000x128xf32, #tpu.memory_space<hbm>> -> memref<1x1x200x128xf32, #tpu.memory_space<hbm>>
    %dma_start3A_273 = arith.constant 0 : i32
    %dma_start3A_274 = arith.constant 0 : i32
    %dma_start3A_275 = arith.constant 0 : i32
    %dma_start3A_276 = tpu.memref_slice %arg4[%arg1, %dma_start3A_273, %dma_start3A_274, %dma_start3A_275] : memref<16x4x200x128xf32, #tpu.memory_space<vmem_shared>> -> memref<1x1x200x128xf32, #tpu.memory_space<vmem_shared>>
    tpu.enqueue_dma source(%dma_start3A_276 : memref<1x1x200x128xf32, #tpu.memory_space<vmem_shared>>) target(%dma_start3A_272 : memref<1x1x200x128xf32, #tpu.memory_space<hbm>>) target_semaphore(%arg9 : memref<!tpu.dma_semaphore, #tpu.memory_space<semaphore_mem>>)
    %dma_wait3A_277 = arith.constant 0 : i32
    %dma_wait3A_278 = arith.constant 400 : i32
    %dma_wait3A_279 = arith.constant 0 : i32
    %dma_wait3A_280 = tpu.memref_slice %arg3[%mul3A_130, %dma_wait3A_277, %dma_wait3A_278, %dma_wait3A_279] : memref<64x1x4000x128xf32, #tpu.memory_space<hbm>> -> memref<1x1x200x128xf32, #tpu.memory_space<hbm>>
    %dma_wait3A_281 = arith.constant 2 : i32
    %dma_wait3A_282 = arith.constant 0 : i32
    %dma_wait3A_283 = arith.constant 0 : i32
    %dma_wait3A_284 = tpu.memref_slice %arg4[%arg1, %dma_wait3A_281, %dma_wait3A_282, %dma_wait3A_283] : memref<16x4x200x128xf32, #tpu.memory_space<vmem_shared>> -> memref<1x1x200x128xf32, #tpu.memory_space<vmem_shared>>
    tpu.wait_dma2 semaphore(%arg11 : memref<!tpu.dma_semaphore, #tpu.memory_space<semaphore_mem>>) src(%dma_wait3A_284 : memref<1x1x200x128xf32, #tpu.memory_space<vmem_shared>>) dst(%dma_wait3A_280 : memref<1x1x200x128xf32, #tpu.memory_space<hbm>>)
    %dma_start3A_285 = arith.constant 2 : i32
    %dma_start3A_286 = arith.constant 0 : i32
    %dma_start3A_287 = arith.constant 0 : i32
    %dma_start3A_288 = tpu.memref_slice %arg4[%arg1, %dma_start3A_285, %dma_start3A_286, %dma_start3A_287] : memref<16x4x200x128xf32, #tpu.memory_space<vmem_shared>> -> memref<1x1x200x128xf32, #tpu.memory_space<vmem_shared>>
    %dma_start3A_289 = arith.constant 0 : i32
    %dma_start3A_290 = arith.constant 1200 : i32
    %dma_start3A_291 = arith.constant 0 : i32
    %dma_start3A_292 = tpu.memref_slice %arg2[%and3A_127, %dma_start3A_289, %dma_start3A_290, %dma_start3A_291] : memref<64x1x4000x128xf32, #tpu.memory_space<hbm>> -> memref<1x1x200x128xf32, #tpu.memory_space<hbm>>
    tpu.enqueue_dma source(%dma_start3A_292 : memref<1x1x200x128xf32, #tpu.memory_space<hbm>>) target(%dma_start3A_288 : memref<1x1x200x128xf32, #tpu.memory_space<vmem_shared>>) target_semaphore(%arg7 : memref<!tpu.dma_semaphore, #tpu.memory_space<semaphore_mem>>)
    %dma_wait3A_293 = arith.constant 1 : i32
    %dma_wait3A_294 = arith.constant 0 : i32
    %dma_wait3A_295 = arith.constant 0 : i32
    %dma_wait3A_296 = tpu.memref_slice %arg4[%arg1, %dma_wait3A_293, %dma_wait3A_294, %dma_wait3A_295] : memref<16x4x200x128xf32, #tpu.memory_space<vmem_shared>> -> memref<1x1x200x128xf32, #tpu.memory_space<vmem_shared>>
    %dma_wait3A_297 = arith.constant 0 : i32
    %dma_wait3A_298 = arith.constant 1000 : i32
    %dma_wait3A_299 = arith.constant 0 : i32
    %dma_wait3A_300 = tpu.memref_slice %arg2[%and3A_127, %dma_wait3A_297, %dma_wait3A_298, %dma_wait3A_299] : memref<64x1x4000x128xf32, #tpu.memory_space<hbm>> -> memref<1x1x200x128xf32, #tpu.memory_space<hbm>>
    tpu.wait_dma2 semaphore(%arg6 : memref<!tpu.dma_semaphore, #tpu.memory_space<semaphore_mem>>) src(%dma_wait3A_300 : memref<1x1x200x128xf32, #tpu.memory_space<hbm>>) dst(%dma_wait3A_296 : memref<1x1x200x128xf32, #tpu.memory_space<vmem_shared>>)
    %dma_start3A_301 = arith.constant 0 : i32
    %dma_start3A_302 = arith.constant 1000 : i32
    %dma_start3A_303 = arith.constant 0 : i32
    %dma_start3A_304 = tpu.memref_slice %arg3[%mul3A_130, %dma_start3A_301, %dma_start3A_302, %dma_start3A_303] : memref<64x1x4000x128xf32, #tpu.memory_space<hbm>> -> memref<1x1x200x128xf32, #tpu.memory_space<hbm>>
    %dma_start3A_305 = arith.constant 1 : i32
    %dma_start3A_306 = arith.constant 0 : i32
    %dma_start3A_307 = arith.constant 0 : i32
    %dma_start3A_308 = tpu.memref_slice %arg4[%arg1, %dma_start3A_305, %dma_start3A_306, %dma_start3A_307] : memref<16x4x200x128xf32, #tpu.memory_space<vmem_shared>> -> memref<1x1x200x128xf32, #tpu.memory_space<vmem_shared>>
    tpu.enqueue_dma source(%dma_start3A_308 : memref<1x1x200x128xf32, #tpu.memory_space<vmem_shared>>) target(%dma_start3A_304 : memref<1x1x200x128xf32, #tpu.memory_space<hbm>>) target_semaphore(%arg10 : memref<!tpu.dma_semaphore, #tpu.memory_space<semaphore_mem>>)
    %dma_wait3A_309 = arith.constant 0 : i32
    %dma_wait3A_310 = arith.constant 600 : i32
    %dma_wait3A_311 = arith.constant 0 : i32
    %dma_wait3A_312 = tpu.memref_slice %arg3[%mul3A_130, %dma_wait3A_309, %dma_wait3A_310, %dma_wait3A_311] : memref<64x1x4000x128xf32, #tpu.memory_space<hbm>> -> memref<1x1x200x128xf32, #tpu.memory_space<hbm>>
    %dma_wait3A_313 = arith.constant 3 : i32
    %dma_wait3A_314 = arith.constant 0 : i32
    %dma_wait3A_315 = arith.constant 0 : i32
    %dma_wait3A_316 = tpu.memref_slice %arg4[%arg1, %dma_wait3A_313, %dma_wait3A_314, %dma_wait3A_315] : memref<16x4x200x128xf32, #tpu.memory_space<vmem_shared>> -> memref<1x1x200x128xf32, #tpu.memory_space<vmem_shared>>
    tpu.wait_dma2 semaphore(%arg12 : memref<!tpu.dma_semaphore, #tpu.memory_space<semaphore_mem>>) src(%dma_wait3A_316 : memref<1x1x200x128xf32, #tpu.memory_space<vmem_shared>>) dst(%dma_wait3A_312 : memref<1x1x200x128xf32, #tpu.memory_space<hbm>>)
    %dma_start3A_317 = arith.constant 3 : i32
    %dma_start3A_318 = arith.constant 0 : i32
    %dma_start3A_319 = arith.constant 0 : i32
    %dma_start3A_320 = tpu.memref_slice %arg4[%arg1, %dma_start3A_317, %dma_start3A_318, %dma_start3A_319] : memref<16x4x200x128xf32, #tpu.memory_space<vmem_shared>> -> memref<1x1x200x128xf32, #tpu.memory_space<vmem_shared>>
    %dma_start3A_321 = arith.constant 0 : i32
    %dma_start3A_322 = arith.constant 1400 : i32
    %dma_start3A_323 = arith.constant 0 : i32
    %dma_start3A_324 = tpu.memref_slice %arg2[%and3A_127, %dma_start3A_321, %dma_start3A_322, %dma_start3A_323] : memref<64x1x4000x128xf32, #tpu.memory_space<hbm>> -> memref<1x1x200x128xf32, #tpu.memory_space<hbm>>
    tpu.enqueue_dma source(%dma_start3A_324 : memref<1x1x200x128xf32, #tpu.memory_space<hbm>>) target(%dma_start3A_320 : memref<1x1x200x128xf32, #tpu.memory_space<vmem_shared>>) target_semaphore(%arg8 : memref<!tpu.dma_semaphore, #tpu.memory_space<semaphore_mem>>)
    %dma_wait3A_325 = arith.constant 2 : i32
    %dma_wait3A_326 = arith.constant 0 : i32
    %dma_wait3A_327 = arith.constant 0 : i32
    %dma_wait3A_328 = tpu.memref_slice %arg4[%arg1, %dma_wait3A_325, %dma_wait3A_326, %dma_wait3A_327] : memref<16x4x200x128xf32, #tpu.memory_space<vmem_shared>> -> memref<1x1x200x128xf32, #tpu.memory_space<vmem_shared>>
    %dma_wait3A_329 = arith.constant 0 : i32
    %dma_wait3A_330 = arith.constant 1200 : i32
    %dma_wait3A_331 = arith.constant 0 : i32
    %dma_wait3A_332 = tpu.memref_slice %arg2[%and3A_127, %dma_wait3A_329, %dma_wait3A_330, %dma_wait3A_331] : memref<64x1x4000x128xf32, #tpu.memory_space<hbm>> -> memref<1x1x200x128xf32, #tpu.memory_space<hbm>>
    tpu.wait_dma2 semaphore(%arg7 : memref<!tpu.dma_semaphore, #tpu.memory_space<semaphore_mem>>) src(%dma_wait3A_332 : memref<1x1x200x128xf32, #tpu.memory_space<hbm>>) dst(%dma_wait3A_328 : memref<1x1x200x128xf32, #tpu.memory_space<vmem_shared>>)
    %dma_start3A_333 = arith.constant 0 : i32
    %dma_start3A_334 = arith.constant 1200 : i32
    %dma_start3A_335 = arith.constant 0 : i32
    %dma_start3A_336 = tpu.memref_slice %arg3[%mul3A_130, %dma_start3A_333, %dma_start3A_334, %dma_start3A_335] : memref<64x1x4000x128xf32, #tpu.memory_space<hbm>> -> memref<1x1x200x128xf32, #tpu.memory_space<hbm>>
    %dma_start3A_337 = arith.constant 2 : i32
    %dma_start3A_338 = arith.constant 0 : i32
    %dma_start3A_339 = arith.constant 0 : i32
    %dma_start3A_340 = tpu.memref_slice %arg4[%arg1, %dma_start3A_337, %dma_start3A_338, %dma_start3A_339] : memref<16x4x200x128xf32, #tpu.memory_space<vmem_shared>> -> memref<1x1x200x128xf32, #tpu.memory_space<vmem_shared>>
    tpu.enqueue_dma source(%dma_start3A_340 : memref<1x1x200x128xf32, #tpu.memory_space<vmem_shared>>) target(%dma_start3A_336 : memref<1x1x200x128xf32, #tpu.memory_space<hbm>>) target_semaphore(%arg11 : memref<!tpu.dma_semaphore, #tpu.memory_space<semaphore_mem>>)
    %dma_wait3A_341 = arith.constant 0 : i32
    %dma_wait3A_342 = arith.constant 800 : i32
    %dma_wait3A_343 = arith.constant 0 : i32
    %dma_wait3A_344 = tpu.memref_slice %arg3[%mul3A_130, %dma_wait3A_341, %dma_wait3A_342, %dma_wait3A_343] : memref<64x1x4000x128xf32, #tpu.memory_space<hbm>> -> memref<1x1x200x128xf32, #tpu.memory_space<hbm>>
    %dma_wait3A_345 = arith.constant 0 : i32
    %dma_wait3A_346 = arith.constant 0 : i32
    %dma_wait3A_347 = arith.constant 0 : i32
    %dma_wait3A_348 = tpu.memref_slice %arg4[%arg1, %dma_wait3A_345, %dma_wait3A_346, %dma_wait3A_347] : memref<16x4x200x128xf32, #tpu.memory_space<vmem_shared>> -> memref<1x1x200x128xf32, #tpu.memory_space<vmem_shared>>
    tpu.wait_dma2 semaphore(%arg9 : memref<!tpu.dma_semaphore, #tpu.memory_space<semaphore_mem>>) src(%dma_wait3A_348 : memref<1x1x200x128xf32, #tpu.memory_space<vmem_shared>>) dst(%dma_wait3A_344 : memref<1x1x200x128xf32, #tpu.memory_space<hbm>>)
    %dma_start3A_349 = arith.constant 0 : i32
    %dma_start3A_350 = arith.constant 0 : i32
    %dma_start3A_351 = arith.constant 0 : i32
    %dma_start3A_352 = tpu.memref_slice %arg4[%arg1, %dma_start3A_349, %dma_start3A_350, %dma_start3A_351] : memref<16x4x200x128xf32, #tpu.memory_space<vmem_shared>> -> memref<1x1x200x128xf32, #tpu.memory_space<vmem_shared>>
    %dma_start3A_353 = arith.constant 0 : i32
    %dma_start3A_354 = arith.constant 1600 : i32
    %dma_start3A_355 = arith.constant 0 : i32
    %dma_start3A_356 = tpu.memref_slice %arg2[%and3A_127, %dma_start3A_353, %dma_start3A_354, %dma_start3A_355] : memref<64x1x4000x128xf32, #tpu.memory_space<hbm>> -> memref<1x1x200x128xf32, #tpu.memory_space<hbm>>
    tpu.enqueue_dma source(%dma_start3A_356 : memref<1x1x200x128xf32, #tpu.memory_space<hbm>>) target(%dma_start3A_352 : memref<1x1x200x128xf32, #tpu.memory_space<vmem_shared>>) target_semaphore(%arg5 : memref<!tpu.dma_semaphore, #tpu.memory_space<semaphore_mem>>)
    %dma_wait3A_357 = arith.constant 3 : i32
    %dma_wait3A_358 = arith.constant 0 : i32
    %dma_wait3A_359 = arith.constant 0 : i32
    %dma_wait3A_360 = tpu.memref_slice %arg4[%arg1, %dma_wait3A_357, %dma_wait3A_358, %dma_wait3A_359] : memref<16x4x200x128xf32, #tpu.memory_space<vmem_shared>> -> memref<1x1x200x128xf32, #tpu.memory_space<vmem_shared>>
    %dma_wait3A_361 = arith.constant 0 : i32
    %dma_wait3A_362 = arith.constant 1400 : i32
    %dma_wait3A_363 = arith.constant 0 : i32
    %dma_wait3A_364 = tpu.memref_slice %arg2[%and3A_127, %dma_wait3A_361, %dma_wait3A_362, %dma_wait3A_363] : memref<64x1x4000x128xf32, #tpu.memory_space<hbm>> -> memref<1x1x200x128xf32, #tpu.memory_space<hbm>>
    tpu.wait_dma2 semaphore(%arg8 : memref<!tpu.dma_semaphore, #tpu.memory_space<semaphore_mem>>) src(%dma_wait3A_364 : memref<1x1x200x128xf32, #tpu.memory_space<hbm>>) dst(%dma_wait3A_360 : memref<1x1x200x128xf32, #tpu.memory_space<vmem_shared>>)
    %dma_start3A_365 = arith.constant 0 : i32
    %dma_start3A_366 = arith.constant 1400 : i32
    %dma_start3A_367 = arith.constant 0 : i32
    %dma_start3A_368 = tpu.memref_slice %arg3[%mul3A_130, %dma_start3A_365, %dma_start3A_366, %dma_start3A_367] : memref<64x1x4000x128xf32, #tpu.memory_space<hbm>> -> memref<1x1x200x128xf32, #tpu.memory_space<hbm>>
    %dma_start3A_369 = arith.constant 3 : i32
    %dma_start3A_370 = arith.constant 0 : i32
    %dma_start3A_371 = arith.constant 0 : i32
    %dma_start3A_372 = tpu.memref_slice %arg4[%arg1, %dma_start3A_369, %dma_start3A_370, %dma_start3A_371] : memref<16x4x200x128xf32, #tpu.memory_space<vmem_shared>> -> memref<1x1x200x128xf32, #tpu.memory_space<vmem_shared>>
    tpu.enqueue_dma source(%dma_start3A_372 : memref<1x1x200x128xf32, #tpu.memory_space<vmem_shared>>) target(%dma_start3A_368 : memref<1x1x200x128xf32, #tpu.memory_space<hbm>>) target_semaphore(%arg12 : memref<!tpu.dma_semaphore, #tpu.memory_space<semaphore_mem>>)
    %dma_wait3A_373 = arith.constant 0 : i32
    %dma_wait3A_374 = arith.constant 1000 : i32
    %dma_wait3A_375 = arith.constant 0 : i32
    %dma_wait3A_376 = tpu.memref_slice %arg3[%mul3A_130, %dma_wait3A_373, %dma_wait3A_374, %dma_wait3A_375] : memref<64x1x4000x128xf32, #tpu.memory_space<hbm>> -> memref<1x1x200x128xf32, #tpu.memory_space<hbm>>
    %dma_wait3A_377 = arith.constant 1 : i32
    %dma_wait3A_378 = arith.constant 0 : i32
    %dma_wait3A_379 = arith.constant 0 : i32
    %dma_wait3A_380 = tpu.memref_slice %arg4[%arg1, %dma_wait3A_377, %dma_wait3A_378, %dma_wait3A_379] : memref<16x4x200x128xf32, #tpu.memory_space<vmem_shared>> -> memref<1x1x200x128xf32, #tpu.memory_space<vmem_shared>>
    tpu.wait_dma2 semaphore(%arg10 : memref<!tpu.dma_semaphore, #tpu.memory_space<semaphore_mem>>) src(%dma_wait3A_380 : memref<1x1x200x128xf32, #tpu.memory_space<vmem_shared>>) dst(%dma_wait3A_376 : memref<1x1x200x128xf32, #tpu.memory_space<hbm>>)
    %dma_start3A_381 = arith.constant 1 : i32
    %dma_start3A_382 = arith.constant 0 : i32
    %dma_start3A_383 = arith.constant 0 : i32
    %dma_start3A_384 = tpu.memref_slice %arg4[%arg1, %dma_start3A_381, %dma_start3A_382, %dma_start3A_383] : memref<16x4x200x128xf32, #tpu.memory_space<vmem_shared>> -> memref<1x1x200x128xf32, #tpu.memory_space<vmem_shared>>
    %dma_start3A_385 = arith.constant 0 : i32
    %dma_start3A_386 = arith.constant 1800 : i32
    %dma_start3A_387 = arith.constant 0 : i32
    %dma_start3A_388 = tpu.memref_slice %arg2[%and3A_127, %dma_start3A_385, %dma_start3A_386, %dma_start3A_387] : memref<64x1x4000x128xf32, #tpu.memory_space<hbm>> -> memref<1x1x200x128xf32, #tpu.memory_space<hbm>>
    tpu.enqueue_dma source(%dma_start3A_388 : memref<1x1x200x128xf32, #tpu.memory_space<hbm>>) target(%dma_start3A_384 : memref<1x1x200x128xf32, #tpu.memory_space<vmem_shared>>) target_semaphore(%arg6 : memref<!tpu.dma_semaphore, #tpu.memory_space<semaphore_mem>>)
    %dma_wait3A_389 = arith.constant 0 : i32
    %dma_wait3A_390 = arith.constant 0 : i32
    %dma_wait3A_391 = arith.constant 0 : i32
    %dma_wait3A_392 = tpu.memref_slice %arg4[%arg1, %dma_wait3A_389, %dma_wait3A_390, %dma_wait3A_391] : memref<16x4x200x128xf32, #tpu.memory_space<vmem_shared>> -> memref<1x1x200x128xf32, #tpu.memory_space<vmem_shared>>
    %dma_wait3A_393 = arith.constant 0 : i32
    %dma_wait3A_394 = arith.constant 1600 : i32
    %dma_wait3A_395 = arith.constant 0 : i32
    %dma_wait3A_396 = tpu.memref_slice %arg2[%and3A_127, %dma_wait3A_393, %dma_wait3A_394, %dma_wait3A_395] : memref<64x1x4000x128xf32, #tpu.memory_space<hbm>> -> memref<1x1x200x128xf32, #tpu.memory_space<hbm>>
    tpu.wait_dma2 semaphore(%arg5 : memref<!tpu.dma_semaphore, #tpu.memory_space<semaphore_mem>>) src(%dma_wait3A_396 : memref<1x1x200x128xf32, #tpu.memory_space<hbm>>) dst(%dma_wait3A_392 : memref<1x1x200x128xf32, #tpu.memory_space<vmem_shared>>)
    %dma_start3A_397 = arith.constant 0 : i32
    %dma_start3A_398 = arith.constant 1600 : i32
    %dma_start3A_399 = arith.constant 0 : i32
    %dma_start3A_400 = tpu.memref_slice %arg3[%mul3A_130, %dma_start3A_397, %dma_start3A_398, %dma_start3A_399] : memref<64x1x4000x128xf32, #tpu.memory_space<hbm>> -> memref<1x1x200x128xf32, #tpu.memory_space<hbm>>
    %dma_start3A_401 = arith.constant 0 : i32
    %dma_start3A_402 = arith.constant 0 : i32
    %dma_start3A_403 = arith.constant 0 : i32
    %dma_start3A_404 = tpu.memref_slice %arg4[%arg1, %dma_start3A_401, %dma_start3A_402, %dma_start3A_403] : memref<16x4x200x128xf32, #tpu.memory_space<vmem_shared>> -> memref<1x1x200x128xf32, #tpu.memory_space<vmem_shared>>
    tpu.enqueue_dma source(%dma_start3A_404 : memref<1x1x200x128xf32, #tpu.memory_space<vmem_shared>>) target(%dma_start3A_400 : memref<1x1x200x128xf32, #tpu.memory_space<hbm>>) target_semaphore(%arg9 : memref<!tpu.dma_semaphore, #tpu.memory_space<semaphore_mem>>)
    %dma_wait3A_405 = arith.constant 0 : i32
    %dma_wait3A_406 = arith.constant 1200 : i32
    %dma_wait3A_407 = arith.constant 0 : i32
    %dma_wait3A_408 = tpu.memref_slice %arg3[%mul3A_130, %dma_wait3A_405, %dma_wait3A_406, %dma_wait3A_407] : memref<64x1x4000x128xf32, #tpu.memory_space<hbm>> -> memref<1x1x200x128xf32, #tpu.memory_space<hbm>>
    %dma_wait3A_409 = arith.constant 2 : i32
    %dma_wait3A_410 = arith.constant 0 : i32
    %dma_wait3A_411 = arith.constant 0 : i32
    %dma_wait3A_412 = tpu.memref_slice %arg4[%arg1, %dma_wait3A_409, %dma_wait3A_410, %dma_wait3A_411] : memref<16x4x200x128xf32, #tpu.memory_space<vmem_shared>> -> memref<1x1x200x128xf32, #tpu.memory_space<vmem_shared>>
    tpu.wait_dma2 semaphore(%arg11 : memref<!tpu.dma_semaphore, #tpu.memory_space<semaphore_mem>>) src(%dma_wait3A_412 : memref<1x1x200x128xf32, #tpu.memory_space<vmem_shared>>) dst(%dma_wait3A_408 : memref<1x1x200x128xf32, #tpu.memory_space<hbm>>)
    %dma_start3A_413 = arith.constant 2 : i32
    %dma_start3A_414 = arith.constant 0 : i32
    %dma_start3A_415 = arith.constant 0 : i32
    %dma_start3A_416 = tpu.memref_slice %arg4[%arg1, %dma_start3A_413, %dma_start3A_414, %dma_start3A_415] : memref<16x4x200x128xf32, #tpu.memory_space<vmem_shared>> -> memref<1x1x200x128xf32, #tpu.memory_space<vmem_shared>>
    %dma_start3A_417 = arith.constant 0 : i32
    %dma_start3A_418 = arith.constant 2000 : i32
    %dma_start3A_419 = arith.constant 0 : i32
    %dma_start3A_420 = tpu.memref_slice %arg2[%and3A_127, %dma_start3A_417, %dma_start3A_418, %dma_start3A_419] : memref<64x1x4000x128xf32, #tpu.memory_space<hbm>> -> memref<1x1x200x128xf32, #tpu.memory_space<hbm>>
    tpu.enqueue_dma source(%dma_start3A_420 : memref<1x1x200x128xf32, #tpu.memory_space<hbm>>) target(%dma_start3A_416 : memref<1x1x200x128xf32, #tpu.memory_space<vmem_shared>>) target_semaphore(%arg7 : memref<!tpu.dma_semaphore, #tpu.memory_space<semaphore_mem>>)
    %dma_wait3A_421 = arith.constant 1 : i32
    %dma_wait3A_422 = arith.constant 0 : i32
    %dma_wait3A_423 = arith.constant 0 : i32
    %dma_wait3A_424 = tpu.memref_slice %arg4[%arg1, %dma_wait3A_421, %dma_wait3A_422, %dma_wait3A_423] : memref<16x4x200x128xf32, #tpu.memory_space<vmem_shared>> -> memref<1x1x200x128xf32, #tpu.memory_space<vmem_shared>>
    %dma_wait3A_425 = arith.constant 0 : i32
    %dma_wait3A_426 = arith.constant 1800 : i32
    %dma_wait3A_427 = arith.constant 0 : i32
    %dma_wait3A_428 = tpu.memref_slice %arg2[%and3A_127, %dma_wait3A_425, %dma_wait3A_426, %dma_wait3A_427] : memref<64x1x4000x128xf32, #tpu.memory_space<hbm>> -> memref<1x1x200x128xf32, #tpu.memory_space<hbm>>
    tpu.wait_dma2 semaphore(%arg6 : memref<!tpu.dma_semaphore, #tpu.memory_space<semaphore_mem>>) src(%dma_wait3A_428 : memref<1x1x200x128xf32, #tpu.memory_space<hbm>>) dst(%dma_wait3A_424 : memref<1x1x200x128xf32, #tpu.memory_space<vmem_shared>>)
    %dma_start3A_429 = arith.constant 0 : i32
    %dma_start3A_430 = arith.constant 1800 : i32
    %dma_start3A_431 = arith.constant 0 : i32
    %dma_start3A_432 = tpu.memref_slice %arg3[%mul3A_130, %dma_start3A_429, %dma_start3A_430, %dma_start3A_431] : memref<64x1x4000x128xf32, #tpu.memory_space<hbm>> -> memref<1x1x200x128xf32, #tpu.memory_space<hbm>>
    %dma_start3A_433 = arith.constant 1 : i32
    %dma_start3A_434 = arith.constant 0 : i32
    %dma_start3A_435 = arith.constant 0 : i32
    %dma_start3A_436 = tpu.memref_slice %arg4[%arg1, %dma_start3A_433, %dma_start3A_434, %dma_start3A_435] : memref<16x4x200x128xf32, #tpu.memory_space<vmem_shared>> -> memref<1x1x200x128xf32, #tpu.memory_space<vmem_shared>>
    tpu.enqueue_dma source(%dma_start3A_436 : memref<1x1x200x128xf32, #tpu.memory_space<vmem_shared>>) target(%dma_start3A_432 : memref<1x1x200x128xf32, #tpu.memory_space<hbm>>) target_semaphore(%arg10 : memref<!tpu.dma_semaphore, #tpu.memory_space<semaphore_mem>>)
    %dma_wait3A_437 = arith.constant 0 : i32
    %dma_wait3A_438 = arith.constant 1400 : i32
    %dma_wait3A_439 = arith.constant 0 : i32
    %dma_wait3A_440 = tpu.memref_slice %arg3[%mul3A_130, %dma_wait3A_437, %dma_wait3A_438, %dma_wait3A_439] : memref<64x1x4000x128xf32, #tpu.memory_space<hbm>> -> memref<1x1x200x128xf32, #tpu.memory_space<hbm>>
    %dma_wait3A_441 = arith.constant 3 : i32
    %dma_wait3A_442 = arith.constant 0 : i32
    %dma_wait3A_443 = arith.constant 0 : i32
    %dma_wait3A_444 = tpu.memref_slice %arg4[%arg1, %dma_wait3A_441, %dma_wait3A_442, %dma_wait3A_443] : memref<16x4x200x128xf32, #tpu.memory_space<vmem_shared>> -> memref<1x1x200x128xf32, #tpu.memory_space<vmem_shared>>
    tpu.wait_dma2 semaphore(%arg12 : memref<!tpu.dma_semaphore, #tpu.memory_space<semaphore_mem>>) src(%dma_wait3A_444 : memref<1x1x200x128xf32, #tpu.memory_space<vmem_shared>>) dst(%dma_wait3A_440 : memref<1x1x200x128xf32, #tpu.memory_space<hbm>>)
    %dma_start3A_445 = arith.constant 3 : i32
    %dma_start3A_446 = arith.constant 0 : i32
    %dma_start3A_447 = arith.constant 0 : i32
    %dma_start3A_448 = tpu.memref_slice %arg4[%arg1, %dma_start3A_445, %dma_start3A_446, %dma_start3A_447] : memref<16x4x200x128xf32, #tpu.memory_space<vmem_shared>> -> memref<1x1x200x128xf32, #tpu.memory_space<vmem_shared>>
    %dma_start3A_449 = arith.constant 0 : i32
    %dma_start3A_450 = arith.constant 2200 : i32
    %dma_start3A_451 = arith.constant 0 : i32
    %dma_start3A_452 = tpu.memref_slice %arg2[%and3A_127, %dma_start3A_449, %dma_start3A_450, %dma_start3A_451] : memref<64x1x4000x128xf32, #tpu.memory_space<hbm>> -> memref<1x1x200x128xf32, #tpu.memory_space<hbm>>
    tpu.enqueue_dma source(%dma_start3A_452 : memref<1x1x200x128xf32, #tpu.memory_space<hbm>>) target(%dma_start3A_448 : memref<1x1x200x128xf32, #tpu.memory_space<vmem_shared>>) target_semaphore(%arg8 : memref<!tpu.dma_semaphore, #tpu.memory_space<semaphore_mem>>)
    %dma_wait3A_453 = arith.constant 2 : i32
    %dma_wait3A_454 = arith.constant 0 : i32
    %dma_wait3A_455 = arith.constant 0 : i32
    %dma_wait3A_456 = tpu.memref_slice %arg4[%arg1, %dma_wait3A_453, %dma_wait3A_454, %dma_wait3A_455] : memref<16x4x200x128xf32, #tpu.memory_space<vmem_shared>> -> memref<1x1x200x128xf32, #tpu.memory_space<vmem_shared>>
    %dma_wait3A_457 = arith.constant 0 : i32
    %dma_wait3A_458 = arith.constant 2000 : i32
    %dma_wait3A_459 = arith.constant 0 : i32
    %dma_wait3A_460 = tpu.memref_slice %arg2[%and3A_127, %dma_wait3A_457, %dma_wait3A_458, %dma_wait3A_459] : memref<64x1x4000x128xf32, #tpu.memory_space<hbm>> -> memref<1x1x200x128xf32, #tpu.memory_space<hbm>>
    tpu.wait_dma2 semaphore(%arg7 : memref<!tpu.dma_semaphore, #tpu.memory_space<semaphore_mem>>) src(%dma_wait3A_460 : memref<1x1x200x128xf32, #tpu.memory_space<hbm>>) dst(%dma_wait3A_456 : memref<1x1x200x128xf32, #tpu.memory_space<vmem_shared>>)
    %dma_start3A_461 = arith.constant 0 : i32
    %dma_start3A_462 = arith.constant 2000 : i32
    %dma_start3A_463 = arith.constant 0 : i32
    %dma_start3A_464 = tpu.memref_slice %arg3[%mul3A_130, %dma_start3A_461, %dma_start3A_462, %dma_start3A_463] : memref<64x1x4000x128xf32, #tpu.memory_space<hbm>> -> memref<1x1x200x128xf32, #tpu.memory_space<hbm>>
    %dma_start3A_465 = arith.constant 2 : i32
    %dma_start3A_466 = arith.constant 0 : i32
    %dma_start3A_467 = arith.constant 0 : i32
    %dma_start3A_468 = tpu.memref_slice %arg4[%arg1, %dma_start3A_465, %dma_start3A_466, %dma_start3A_467] : memref<16x4x200x128xf32, #tpu.memory_space<vmem_shared>> -> memref<1x1x200x128xf32, #tpu.memory_space<vmem_shared>>
    tpu.enqueue_dma source(%dma_start3A_468 : memref<1x1x200x128xf32, #tpu.memory_space<vmem_shared>>) target(%dma_start3A_464 : memref<1x1x200x128xf32, #tpu.memory_space<hbm>>) target_semaphore(%arg11 : memref<!tpu.dma_semaphore, #tpu.memory_space<semaphore_mem>>)
    %dma_wait3A_469 = arith.constant 0 : i32
    %dma_wait3A_470 = arith.constant 1600 : i32
    %dma_wait3A_471 = arith.constant 0 : i32
    %dma_wait3A_472 = tpu.memref_slice %arg3[%mul3A_130, %dma_wait3A_469, %dma_wait3A_470, %dma_wait3A_471] : memref<64x1x4000x128xf32, #tpu.memory_space<hbm>> -> memref<1x1x200x128xf32, #tpu.memory_space<hbm>>
    %dma_wait3A_473 = arith.constant 0 : i32
    %dma_wait3A_474 = arith.constant 0 : i32
    %dma_wait3A_475 = arith.constant 0 : i32
    %dma_wait3A_476 = tpu.memref_slice %arg4[%arg1, %dma_wait3A_473, %dma_wait3A_474, %dma_wait3A_475] : memref<16x4x200x128xf32, #tpu.memory_space<vmem_shared>> -> memref<1x1x200x128xf32, #tpu.memory_space<vmem_shared>>
    tpu.wait_dma2 semaphore(%arg9 : memref<!tpu.dma_semaphore, #tpu.memory_space<semaphore_mem>>) src(%dma_wait3A_476 : memref<1x1x200x128xf32, #tpu.memory_space<vmem_shared>>) dst(%dma_wait3A_472 : memref<1x1x200x128xf32, #tpu.memory_space<hbm>>)
    %dma_start3A_477 = arith.constant 0 : i32
    %dma_start3A_478 = arith.constant 0 : i32
    %dma_start3A_479 = arith.constant 0 : i32
    %dma_start3A_480 = tpu.memref_slice %arg4[%arg1, %dma_start3A_477, %dma_start3A_478, %dma_start3A_479] : memref<16x4x200x128xf32, #tpu.memory_space<vmem_shared>> -> memref<1x1x200x128xf32, #tpu.memory_space<vmem_shared>>
    %dma_start3A_481 = arith.constant 0 : i32
    %dma_start3A_482 = arith.constant 2400 : i32
    %dma_start3A_483 = arith.constant 0 : i32
    %dma_start3A_484 = tpu.memref_slice %arg2[%and3A_127, %dma_start3A_481, %dma_start3A_482, %dma_start3A_483] : memref<64x1x4000x128xf32, #tpu.memory_space<hbm>> -> memref<1x1x200x128xf32, #tpu.memory_space<hbm>>
    tpu.enqueue_dma source(%dma_start3A_484 : memref<1x1x200x128xf32, #tpu.memory_space<hbm>>) target(%dma_start3A_480 : memref<1x1x200x128xf32, #tpu.memory_space<vmem_shared>>) target_semaphore(%arg5 : memref<!tpu.dma_semaphore, #tpu.memory_space<semaphore_mem>>)
    %dma_wait3A_485 = arith.constant 3 : i32
    %dma_wait3A_486 = arith.constant 0 : i32
    %dma_wait3A_487 = arith.constant 0 : i32
    %dma_wait3A_488 = tpu.memref_slice %arg4[%arg1, %dma_wait3A_485, %dma_wait3A_486, %dma_wait3A_487] : memref<16x4x200x128xf32, #tpu.memory_space<vmem_shared>> -> memref<1x1x200x128xf32, #tpu.memory_space<vmem_shared>>
    %dma_wait3A_489 = arith.constant 0 : i32
    %dma_wait3A_490 = arith.constant 2200 : i32
    %dma_wait3A_491 = arith.constant 0 : i32
    %dma_wait3A_492 = tpu.memref_slice %arg2[%and3A_127, %dma_wait3A_489, %dma_wait3A_490, %dma_wait3A_491] : memref<64x1x4000x128xf32, #tpu.memory_space<hbm>> -> memref<1x1x200x128xf32, #tpu.memory_space<hbm>>
    tpu.wait_dma2 semaphore(%arg8 : memref<!tpu.dma_semaphore, #tpu.memory_space<semaphore_mem>>) src(%dma_wait3A_492 : memref<1x1x200x128xf32, #tpu.memory_space<hbm>>) dst(%dma_wait3A_488 : memref<1x1x200x128xf32, #tpu.memory_space<vmem_shared>>)
    %dma_start3A_493 = arith.constant 0 : i32
    %dma_start3A_494 = arith.constant 2200 : i32
    %dma_start3A_495 = arith.constant 0 : i32
    %dma_start3A_496 = tpu.memref_slice %arg3[%mul3A_130, %dma_start3A_493, %dma_start3A_494, %dma_start3A_495] : memref<64x1x4000x128xf32, #tpu.memory_space<hbm>> -> memref<1x1x200x128xf32, #tpu.memory_space<hbm>>
    %dma_start3A_497 = arith.constant 3 : i32
    %dma_start3A_498 = arith.constant 0 : i32
    %dma_start3A_499 = arith.constant 0 : i32
    %dma_start3A_500 = tpu.memref_slice %arg4[%arg1, %dma_start3A_497, %dma_start3A_498, %dma_start3A_499] : memref<16x4x200x128xf32, #tpu.memory_space<vmem_shared>> -> memref<1x1x200x128xf32, #tpu.memory_space<vmem_shared>>
    tpu.enqueue_dma source(%dma_start3A_500 : memref<1x1x200x128xf32, #tpu.memory_space<vmem_shared>>) target(%dma_start3A_496 : memref<1x1x200x128xf32, #tpu.memory_space<hbm>>) target_semaphore(%arg12 : memref<!tpu.dma_semaphore, #tpu.memory_space<semaphore_mem>>)
    %dma_wait3A_501 = arith.constant 0 : i32
    %dma_wait3A_502 = arith.constant 1800 : i32
    %dma_wait3A_503 = arith.constant 0 : i32
    %dma_wait3A_504 = tpu.memref_slice %arg3[%mul3A_130, %dma_wait3A_501, %dma_wait3A_502, %dma_wait3A_503] : memref<64x1x4000x128xf32, #tpu.memory_space<hbm>> -> memref<1x1x200x128xf32, #tpu.memory_space<hbm>>
    %dma_wait3A_505 = arith.constant 1 : i32
    %dma_wait3A_506 = arith.constant 0 : i32
    %dma_wait3A_507 = arith.constant 0 : i32
    %dma_wait3A_508 = tpu.memref_slice %arg4[%arg1, %dma_wait3A_505, %dma_wait3A_506, %dma_wait3A_507] : memref<16x4x200x128xf32, #tpu.memory_space<vmem_shared>> -> memref<1x1x200x128xf32, #tpu.memory_space<vmem_shared>>
    tpu.wait_dma2 semaphore(%arg10 : memref<!tpu.dma_semaphore, #tpu.memory_space<semaphore_mem>>) src(%dma_wait3A_508 : memref<1x1x200x128xf32, #tpu.memory_space<vmem_shared>>) dst(%dma_wait3A_504 : memref<1x1x200x128xf32, #tpu.memory_space<hbm>>)
    %dma_start3A_509 = arith.constant 1 : i32
    %dma_start3A_510 = arith.constant 0 : i32
    %dma_start3A_511 = arith.constant 0 : i32
    %dma_start3A_512 = tpu.memref_slice %arg4[%arg1, %dma_start3A_509, %dma_start3A_510, %dma_start3A_511] : memref<16x4x200x128xf32, #tpu.memory_space<vmem_shared>> -> memref<1x1x200x128xf32, #tpu.memory_space<vmem_shared>>
    %dma_start3A_513 = arith.constant 0 : i32
    %dma_start3A_514 = arith.constant 2600 : i32
    %dma_start3A_515 = arith.constant 0 : i32
    %dma_start3A_516 = tpu.memref_slice %arg2[%and3A_127, %dma_start3A_513, %dma_start3A_514, %dma_start3A_515] : memref<64x1x4000x128xf32, #tpu.memory_space<hbm>> -> memref<1x1x200x128xf32, #tpu.memory_space<hbm>>
    tpu.enqueue_dma source(%dma_start3A_516 : memref<1x1x200x128xf32, #tpu.memory_space<hbm>>) target(%dma_start3A_512 : memref<1x1x200x128xf32, #tpu.memory_space<vmem_shared>>) target_semaphore(%arg6 : memref<!tpu.dma_semaphore, #tpu.memory_space<semaphore_mem>>)
    %dma_wait3A_517 = arith.constant 0 : i32
    %dma_wait3A_518 = arith.constant 0 : i32
    %dma_wait3A_519 = arith.constant 0 : i32
    %dma_wait3A_520 = tpu.memref_slice %arg4[%arg1, %dma_wait3A_517, %dma_wait3A_518, %dma_wait3A_519] : memref<16x4x200x128xf32, #tpu.memory_space<vmem_shared>> -> memref<1x1x200x128xf32, #tpu.memory_space<vmem_shared>>
    %dma_wait3A_521 = arith.constant 0 : i32
    %dma_wait3A_522 = arith.constant 2400 : i32
    %dma_wait3A_523 = arith.constant 0 : i32
    %dma_wait3A_524 = tpu.memref_slice %arg2[%and3A_127, %dma_wait3A_521, %dma_wait3A_522, %dma_wait3A_523] : memref<64x1x4000x128xf32, #tpu.memory_space<hbm>> -> memref<1x1x200x128xf32, #tpu.memory_space<hbm>>
    tpu.wait_dma2 semaphore(%arg5 : memref<!tpu.dma_semaphore, #tpu.memory_space<semaphore_mem>>) src(%dma_wait3A_524 : memref<1x1x200x128xf32, #tpu.memory_space<hbm>>) dst(%dma_wait3A_520 : memref<1x1x200x128xf32, #tpu.memory_space<vmem_shared>>)
    %dma_start3A_525 = arith.constant 0 : i32
    %dma_start3A_526 = arith.constant 2400 : i32
    %dma_start3A_527 = arith.constant 0 : i32
    %dma_start3A_528 = tpu.memref_slice %arg3[%mul3A_130, %dma_start3A_525, %dma_start3A_526, %dma_start3A_527] : memref<64x1x4000x128xf32, #tpu.memory_space<hbm>> -> memref<1x1x200x128xf32, #tpu.memory_space<hbm>>
    %dma_start3A_529 = arith.constant 0 : i32
    %dma_start3A_530 = arith.constant 0 : i32
    %dma_start3A_531 = arith.constant 0 : i32
    %dma_start3A_532 = tpu.memref_slice %arg4[%arg1, %dma_start3A_529, %dma_start3A_530, %dma_start3A_531] : memref<16x4x200x128xf32, #tpu.memory_space<vmem_shared>> -> memref<1x1x200x128xf32, #tpu.memory_space<vmem_shared>>
    tpu.enqueue_dma source(%dma_start3A_532 : memref<1x1x200x128xf32, #tpu.memory_space<vmem_shared>>) target(%dma_start3A_528 : memref<1x1x200x128xf32, #tpu.memory_space<hbm>>) target_semaphore(%arg9 : memref<!tpu.dma_semaphore, #tpu.memory_space<semaphore_mem>>)
    %dma_wait3A_533 = arith.constant 0 : i32
    %dma_wait3A_534 = arith.constant 2000 : i32
    %dma_wait3A_535 = arith.constant 0 : i32
    %dma_wait3A_536 = tpu.memref_slice %arg3[%mul3A_130, %dma_wait3A_533, %dma_wait3A_534, %dma_wait3A_535] : memref<64x1x4000x128xf32, #tpu.memory_space<hbm>> -> memref<1x1x200x128xf32, #tpu.memory_space<hbm>>
    %dma_wait3A_537 = arith.constant 2 : i32
    %dma_wait3A_538 = arith.constant 0 : i32
    %dma_wait3A_539 = arith.constant 0 : i32
    %dma_wait3A_540 = tpu.memref_slice %arg4[%arg1, %dma_wait3A_537, %dma_wait3A_538, %dma_wait3A_539] : memref<16x4x200x128xf32, #tpu.memory_space<vmem_shared>> -> memref<1x1x200x128xf32, #tpu.memory_space<vmem_shared>>
    tpu.wait_dma2 semaphore(%arg11 : memref<!tpu.dma_semaphore, #tpu.memory_space<semaphore_mem>>) src(%dma_wait3A_540 : memref<1x1x200x128xf32, #tpu.memory_space<vmem_shared>>) dst(%dma_wait3A_536 : memref<1x1x200x128xf32, #tpu.memory_space<hbm>>)
    %dma_start3A_541 = arith.constant 2 : i32
    %dma_start3A_542 = arith.constant 0 : i32
    %dma_start3A_543 = arith.constant 0 : i32
    %dma_start3A_544 = tpu.memref_slice %arg4[%arg1, %dma_start3A_541, %dma_start3A_542, %dma_start3A_543] : memref<16x4x200x128xf32, #tpu.memory_space<vmem_shared>> -> memref<1x1x200x128xf32, #tpu.memory_space<vmem_shared>>
    %dma_start3A_545 = arith.constant 0 : i32
    %dma_start3A_546 = arith.constant 2800 : i32
    %dma_start3A_547 = arith.constant 0 : i32
    %dma_start3A_548 = tpu.memref_slice %arg2[%and3A_127, %dma_start3A_545, %dma_start3A_546, %dma_start3A_547] : memref<64x1x4000x128xf32, #tpu.memory_space<hbm>> -> memref<1x1x200x128xf32, #tpu.memory_space<hbm>>
    tpu.enqueue_dma source(%dma_start3A_548 : memref<1x1x200x128xf32, #tpu.memory_space<hbm>>) target(%dma_start3A_544 : memref<1x1x200x128xf32, #tpu.memory_space<vmem_shared>>) target_semaphore(%arg7 : memref<!tpu.dma_semaphore, #tpu.memory_space<semaphore_mem>>)
    %dma_wait3A_549 = arith.constant 1 : i32
    %dma_wait3A_550 = arith.constant 0 : i32
    %dma_wait3A_551 = arith.constant 0 : i32
    %dma_wait3A_552 = tpu.memref_slice %arg4[%arg1, %dma_wait3A_549, %dma_wait3A_550, %dma_wait3A_551] : memref<16x4x200x128xf32, #tpu.memory_space<vmem_shared>> -> memref<1x1x200x128xf32, #tpu.memory_space<vmem_shared>>
    %dma_wait3A_553 = arith.constant 0 : i32
    %dma_wait3A_554 = arith.constant 2600 : i32
    %dma_wait3A_555 = arith.constant 0 : i32
    %dma_wait3A_556 = tpu.memref_slice %arg2[%and3A_127, %dma_wait3A_553, %dma_wait3A_554, %dma_wait3A_555] : memref<64x1x4000x128xf32, #tpu.memory_space<hbm>> -> memref<1x1x200x128xf32, #tpu.memory_space<hbm>>
    tpu.wait_dma2 semaphore(%arg6 : memref<!tpu.dma_semaphore, #tpu.memory_space<semaphore_mem>>) src(%dma_wait3A_556 : memref<1x1x200x128xf32, #tpu.memory_space<hbm>>) dst(%dma_wait3A_552 : memref<1x1x200x128xf32, #tpu.memory_space<vmem_shared>>)
    %dma_start3A_557 = arith.constant 0 : i32
    %dma_start3A_558 = arith.constant 2600 : i32
    %dma_start3A_559 = arith.constant 0 : i32
    %dma_start3A_560 = tpu.memref_slice %arg3[%mul3A_130, %dma_start3A_557, %dma_start3A_558, %dma_start3A_559] : memref<64x1x4000x128xf32, #tpu.memory_space<hbm>> -> memref<1x1x200x128xf32, #tpu.memory_space<hbm>>
    %dma_start3A_561 = arith.constant 1 : i32
    %dma_start3A_562 = arith.constant 0 : i32
    %dma_start3A_563 = arith.constant 0 : i32
    %dma_start3A_564 = tpu.memref_slice %arg4[%arg1, %dma_start3A_561, %dma_start3A_562, %dma_start3A_563] : memref<16x4x200x128xf32, #tpu.memory_space<vmem_shared>> -> memref<1x1x200x128xf32, #tpu.memory_space<vmem_shared>>
    tpu.enqueue_dma source(%dma_start3A_564 : memref<1x1x200x128xf32, #tpu.memory_space<vmem_shared>>) target(%dma_start3A_560 : memref<1x1x200x128xf32, #tpu.memory_space<hbm>>) target_semaphore(%arg10 : memref<!tpu.dma_semaphore, #tpu.memory_space<semaphore_mem>>)
    %dma_wait3A_565 = arith.constant 0 : i32
    %dma_wait3A_566 = arith.constant 2200 : i32
    %dma_wait3A_567 = arith.constant 0 : i32
    %dma_wait3A_568 = tpu.memref_slice %arg3[%mul3A_130, %dma_wait3A_565, %dma_wait3A_566, %dma_wait3A_567] : memref<64x1x4000x128xf32, #tpu.memory_space<hbm>> -> memref<1x1x200x128xf32, #tpu.memory_space<hbm>>
    %dma_wait3A_569 = arith.constant 3 : i32
    %dma_wait3A_570 = arith.constant 0 : i32
    %dma_wait3A_571 = arith.constant 0 : i32
    %dma_wait3A_572 = tpu.memref_slice %arg4[%arg1, %dma_wait3A_569, %dma_wait3A_570, %dma_wait3A_571] : memref<16x4x200x128xf32, #tpu.memory_space<vmem_shared>> -> memref<1x1x200x128xf32, #tpu.memory_space<vmem_shared>>
    tpu.wait_dma2 semaphore(%arg12 : memref<!tpu.dma_semaphore, #tpu.memory_space<semaphore_mem>>) src(%dma_wait3A_572 : memref<1x1x200x128xf32, #tpu.memory_space<vmem_shared>>) dst(%dma_wait3A_568 : memref<1x1x200x128xf32, #tpu.memory_space<hbm>>)
    %dma_start3A_573 = arith.constant 3 : i32
    %dma_start3A_574 = arith.constant 0 : i32
    %dma_start3A_575 = arith.constant 0 : i32
    %dma_start3A_576 = tpu.memref_slice %arg4[%arg1, %dma_start3A_573, %dma_start3A_574, %dma_start3A_575] : memref<16x4x200x128xf32, #tpu.memory_space<vmem_shared>> -> memref<1x1x200x128xf32, #tpu.memory_space<vmem_shared>>
    %dma_start3A_577 = arith.constant 0 : i32
    %dma_start3A_578 = arith.constant 3000 : i32
    %dma_start3A_579 = arith.constant 0 : i32
    %dma_start3A_580 = tpu.memref_slice %arg2[%and3A_127, %dma_start3A_577, %dma_start3A_578, %dma_start3A_579] : memref<64x1x4000x128xf32, #tpu.memory_space<hbm>> -> memref<1x1x200x128xf32, #tpu.memory_space<hbm>>
    tpu.enqueue_dma source(%dma_start3A_580 : memref<1x1x200x128xf32, #tpu.memory_space<hbm>>) target(%dma_start3A_576 : memref<1x1x200x128xf32, #tpu.memory_space<vmem_shared>>) target_semaphore(%arg8 : memref<!tpu.dma_semaphore, #tpu.memory_space<semaphore_mem>>)
    %dma_wait3A_581 = arith.constant 2 : i32
    %dma_wait3A_582 = arith.constant 0 : i32
    %dma_wait3A_583 = arith.constant 0 : i32
    %dma_wait3A_584 = tpu.memref_slice %arg4[%arg1, %dma_wait3A_581, %dma_wait3A_582, %dma_wait3A_583] : memref<16x4x200x128xf32, #tpu.memory_space<vmem_shared>> -> memref<1x1x200x128xf32, #tpu.memory_space<vmem_shared>>
    %dma_wait3A_585 = arith.constant 0 : i32
    %dma_wait3A_586 = arith.constant 2800 : i32
    %dma_wait3A_587 = arith.constant 0 : i32
    %dma_wait3A_588 = tpu.memref_slice %arg2[%and3A_127, %dma_wait3A_585, %dma_wait3A_586, %dma_wait3A_587] : memref<64x1x4000x128xf32, #tpu.memory_space<hbm>> -> memref<1x1x200x128xf32, #tpu.memory_space<hbm>>
    tpu.wait_dma2 semaphore(%arg7 : memref<!tpu.dma_semaphore, #tpu.memory_space<semaphore_mem>>) src(%dma_wait3A_588 : memref<1x1x200x128xf32, #tpu.memory_space<hbm>>) dst(%dma_wait3A_584 : memref<1x1x200x128xf32, #tpu.memory_space<vmem_shared>>)
    %dma_start3A_589 = arith.constant 0 : i32
    %dma_start3A_590 = arith.constant 2800 : i32
    %dma_start3A_591 = arith.constant 0 : i32
    %dma_start3A_592 = tpu.memref_slice %arg3[%mul3A_130, %dma_start3A_589, %dma_start3A_590, %dma_start3A_591] : memref<64x1x4000x128xf32, #tpu.memory_space<hbm>> -> memref<1x1x200x128xf32, #tpu.memory_space<hbm>>
    %dma_start3A_593 = arith.constant 2 : i32
    %dma_start3A_594 = arith.constant 0 : i32
    %dma_start3A_595 = arith.constant 0 : i32
    %dma_start3A_596 = tpu.memref_slice %arg4[%arg1, %dma_start3A_593, %dma_start3A_594, %dma_start3A_595] : memref<16x4x200x128xf32, #tpu.memory_space<vmem_shared>> -> memref<1x1x200x128xf32, #tpu.memory_space<vmem_shared>>
    tpu.enqueue_dma source(%dma_start3A_596 : memref<1x1x200x128xf32, #tpu.memory_space<vmem_shared>>) target(%dma_start3A_592 : memref<1x1x200x128xf32, #tpu.memory_space<hbm>>) target_semaphore(%arg11 : memref<!tpu.dma_semaphore, #tpu.memory_space<semaphore_mem>>)
    %dma_wait3A_597 = arith.constant 0 : i32
    %dma_wait3A_598 = arith.constant 2400 : i32
    %dma_wait3A_599 = arith.constant 0 : i32
    %dma_wait3A_600 = tpu.memref_slice %arg3[%mul3A_130, %dma_wait3A_597, %dma_wait3A_598, %dma_wait3A_599] : memref<64x1x4000x128xf32, #tpu.memory_space<hbm>> -> memref<1x1x200x128xf32, #tpu.memory_space<hbm>>
    %dma_wait3A_601 = arith.constant 0 : i32
    %dma_wait3A_602 = arith.constant 0 : i32
    %dma_wait3A_603 = arith.constant 0 : i32
    %dma_wait3A_604 = tpu.memref_slice %arg4[%arg1, %dma_wait3A_601, %dma_wait3A_602, %dma_wait3A_603] : memref<16x4x200x128xf32, #tpu.memory_space<vmem_shared>> -> memref<1x1x200x128xf32, #tpu.memory_space<vmem_shared>>
    tpu.wait_dma2 semaphore(%arg9 : memref<!tpu.dma_semaphore, #tpu.memory_space<semaphore_mem>>) src(%dma_wait3A_604 : memref<1x1x200x128xf32, #tpu.memory_space<vmem_shared>>) dst(%dma_wait3A_600 : memref<1x1x200x128xf32, #tpu.memory_space<hbm>>)
    %dma_start3A_605 = arith.constant 0 : i32
    %dma_start3A_606 = arith.constant 0 : i32
    %dma_start3A_607 = arith.constant 0 : i32
    %dma_start3A_608 = tpu.memref_slice %arg4[%arg1, %dma_start3A_605, %dma_start3A_606, %dma_start3A_607] : memref<16x4x200x128xf32, #tpu.memory_space<vmem_shared>> -> memref<1x1x200x128xf32, #tpu.memory_space<vmem_shared>>
    %dma_start3A_609 = arith.constant 0 : i32
    %dma_start3A_610 = arith.constant 3200 : i32
    %dma_start3A_611 = arith.constant 0 : i32
    %dma_start3A_612 = tpu.memref_slice %arg2[%and3A_127, %dma_start3A_609, %dma_start3A_610, %dma_start3A_611] : memref<64x1x4000x128xf32, #tpu.memory_space<hbm>> -> memref<1x1x200x128xf32, #tpu.memory_space<hbm>>
    tpu.enqueue_dma source(%dma_start3A_612 : memref<1x1x200x128xf32, #tpu.memory_space<hbm>>) target(%dma_start3A_608 : memref<1x1x200x128xf32, #tpu.memory_space<vmem_shared>>) target_semaphore(%arg5 : memref<!tpu.dma_semaphore, #tpu.memory_space<semaphore_mem>>)
    %dma_wait3A_613 = arith.constant 3 : i32
    %dma_wait3A_614 = arith.constant 0 : i32
    %dma_wait3A_615 = arith.constant 0 : i32
    %dma_wait3A_616 = tpu.memref_slice %arg4[%arg1, %dma_wait3A_613, %dma_wait3A_614, %dma_wait3A_615] : memref<16x4x200x128xf32, #tpu.memory_space<vmem_shared>> -> memref<1x1x200x128xf32, #tpu.memory_space<vmem_shared>>
    %dma_wait3A_617 = arith.constant 0 : i32
    %dma_wait3A_618 = arith.constant 3000 : i32
    %dma_wait3A_619 = arith.constant 0 : i32
    %dma_wait3A_620 = tpu.memref_slice %arg2[%and3A_127, %dma_wait3A_617, %dma_wait3A_618, %dma_wait3A_619] : memref<64x1x4000x128xf32, #tpu.memory_space<hbm>> -> memref<1x1x200x128xf32, #tpu.memory_space<hbm>>
    tpu.wait_dma2 semaphore(%arg8 : memref<!tpu.dma_semaphore, #tpu.memory_space<semaphore_mem>>) src(%dma_wait3A_620 : memref<1x1x200x128xf32, #tpu.memory_space<hbm>>) dst(%dma_wait3A_616 : memref<1x1x200x128xf32, #tpu.memory_space<vmem_shared>>)
    %dma_start3A_621 = arith.constant 0 : i32
    %dma_start3A_622 = arith.constant 3000 : i32
    %dma_start3A_623 = arith.constant 0 : i32
    %dma_start3A_624 = tpu.memref_slice %arg3[%mul3A_130, %dma_start3A_621, %dma_start3A_622, %dma_start3A_623] : memref<64x1x4000x128xf32, #tpu.memory_space<hbm>> -> memref<1x1x200x128xf32, #tpu.memory_space<hbm>>
    %dma_start3A_625 = arith.constant 3 : i32
    %dma_start3A_626 = arith.constant 0 : i32
    %dma_start3A_627 = arith.constant 0 : i32
    %dma_start3A_628 = tpu.memref_slice %arg4[%arg1, %dma_start3A_625, %dma_start3A_626, %dma_start3A_627] : memref<16x4x200x128xf32, #tpu.memory_space<vmem_shared>> -> memref<1x1x200x128xf32, #tpu.memory_space<vmem_shared>>
    tpu.enqueue_dma source(%dma_start3A_628 : memref<1x1x200x128xf32, #tpu.memory_space<vmem_shared>>) target(%dma_start3A_624 : memref<1x1x200x128xf32, #tpu.memory_space<hbm>>) target_semaphore(%arg12 : memref<!tpu.dma_semaphore, #tpu.memory_space<semaphore_mem>>)
    %dma_wait3A_629 = arith.constant 0 : i32
    %dma_wait3A_630 = arith.constant 2600 : i32
    %dma_wait3A_631 = arith.constant 0 : i32
    %dma_wait3A_632 = tpu.memref_slice %arg3[%mul3A_130, %dma_wait3A_629, %dma_wait3A_630, %dma_wait3A_631] : memref<64x1x4000x128xf32, #tpu.memory_space<hbm>> -> memref<1x1x200x128xf32, #tpu.memory_space<hbm>>
    %dma_wait3A_633 = arith.constant 1 : i32
    %dma_wait3A_634 = arith.constant 0 : i32
    %dma_wait3A_635 = arith.constant 0 : i32
    %dma_wait3A_636 = tpu.memref_slice %arg4[%arg1, %dma_wait3A_633, %dma_wait3A_634, %dma_wait3A_635] : memref<16x4x200x128xf32, #tpu.memory_space<vmem_shared>> -> memref<1x1x200x128xf32, #tpu.memory_space<vmem_shared>>
    tpu.wait_dma2 semaphore(%arg10 : memref<!tpu.dma_semaphore, #tpu.memory_space<semaphore_mem>>) src(%dma_wait3A_636 : memref<1x1x200x128xf32, #tpu.memory_space<vmem_shared>>) dst(%dma_wait3A_632 : memref<1x1x200x128xf32, #tpu.memory_space<hbm>>)
    %dma_start3A_637 = arith.constant 1 : i32
    %dma_start3A_638 = arith.constant 0 : i32
    %dma_start3A_639 = arith.constant 0 : i32
    %dma_start3A_640 = tpu.memref_slice %arg4[%arg1, %dma_start3A_637, %dma_start3A_638, %dma_start3A_639] : memref<16x4x200x128xf32, #tpu.memory_space<vmem_shared>> -> memref<1x1x200x128xf32, #tpu.memory_space<vmem_shared>>
    %dma_start3A_641 = arith.constant 0 : i32
    %dma_start3A_642 = arith.constant 3400 : i32
    %dma_start3A_643 = arith.constant 0 : i32
    %dma_start3A_644 = tpu.memref_slice %arg2[%and3A_127, %dma_start3A_641, %dma_start3A_642, %dma_start3A_643] : memref<64x1x4000x128xf32, #tpu.memory_space<hbm>> -> memref<1x1x200x128xf32, #tpu.memory_space<hbm>>
    tpu.enqueue_dma source(%dma_start3A_644 : memref<1x1x200x128xf32, #tpu.memory_space<hbm>>) target(%dma_start3A_640 : memref<1x1x200x128xf32, #tpu.memory_space<vmem_shared>>) target_semaphore(%arg6 : memref<!tpu.dma_semaphore, #tpu.memory_space<semaphore_mem>>)
    %dma_wait3A_645 = arith.constant 0 : i32
    %dma_wait3A_646 = arith.constant 0 : i32
    %dma_wait3A_647 = arith.constant 0 : i32
    %dma_wait3A_648 = tpu.memref_slice %arg4[%arg1, %dma_wait3A_645, %dma_wait3A_646, %dma_wait3A_647] : memref<16x4x200x128xf32, #tpu.memory_space<vmem_shared>> -> memref<1x1x200x128xf32, #tpu.memory_space<vmem_shared>>
    %dma_wait3A_649 = arith.constant 0 : i32
    %dma_wait3A_650 = arith.constant 3200 : i32
    %dma_wait3A_651 = arith.constant 0 : i32
    %dma_wait3A_652 = tpu.memref_slice %arg2[%and3A_127, %dma_wait3A_649, %dma_wait3A_650, %dma_wait3A_651] : memref<64x1x4000x128xf32, #tpu.memory_space<hbm>> -> memref<1x1x200x128xf32, #tpu.memory_space<hbm>>
    tpu.wait_dma2 semaphore(%arg5 : memref<!tpu.dma_semaphore, #tpu.memory_space<semaphore_mem>>) src(%dma_wait3A_652 : memref<1x1x200x128xf32, #tpu.memory_space<hbm>>) dst(%dma_wait3A_648 : memref<1x1x200x128xf32, #tpu.memory_space<vmem_shared>>)
    %dma_start3A_653 = arith.constant 0 : i32
    %dma_start3A_654 = arith.constant 3200 : i32
    %dma_start3A_655 = arith.constant 0 : i32
    %dma_start3A_656 = tpu.memref_slice %arg3[%mul3A_130, %dma_start3A_653, %dma_start3A_654, %dma_start3A_655] : memref<64x1x4000x128xf32, #tpu.memory_space<hbm>> -> memref<1x1x200x128xf32, #tpu.memory_space<hbm>>
    %dma_start3A_657 = arith.constant 0 : i32
    %dma_start3A_658 = arith.constant 0 : i32
    %dma_start3A_659 = arith.constant 0 : i32
    %dma_start3A_660 = tpu.memref_slice %arg4[%arg1, %dma_start3A_657, %dma_start3A_658, %dma_start3A_659] : memref<16x4x200x128xf32, #tpu.memory_space<vmem_shared>> -> memref<1x1x200x128xf32, #tpu.memory_space<vmem_shared>>
    tpu.enqueue_dma source(%dma_start3A_660 : memref<1x1x200x128xf32, #tpu.memory_space<vmem_shared>>) target(%dma_start3A_656 : memref<1x1x200x128xf32, #tpu.memory_space<hbm>>) target_semaphore(%arg9 : memref<!tpu.dma_semaphore, #tpu.memory_space<semaphore_mem>>)
    %dma_wait3A_661 = arith.constant 0 : i32
    %dma_wait3A_662 = arith.constant 2800 : i32
    %dma_wait3A_663 = arith.constant 0 : i32
    %dma_wait3A_664 = tpu.memref_slice %arg3[%mul3A_130, %dma_wait3A_661, %dma_wait3A_662, %dma_wait3A_663] : memref<64x1x4000x128xf32, #tpu.memory_space<hbm>> -> memref<1x1x200x128xf32, #tpu.memory_space<hbm>>
    %dma_wait3A_665 = arith.constant 2 : i32
    %dma_wait3A_666 = arith.constant 0 : i32
    %dma_wait3A_667 = arith.constant 0 : i32
    %dma_wait3A_668 = tpu.memref_slice %arg4[%arg1, %dma_wait3A_665, %dma_wait3A_666, %dma_wait3A_667] : memref<16x4x200x128xf32, #tpu.memory_space<vmem_shared>> -> memref<1x1x200x128xf32, #tpu.memory_space<vmem_shared>>
    tpu.wait_dma2 semaphore(%arg11 : memref<!tpu.dma_semaphore, #tpu.memory_space<semaphore_mem>>) src(%dma_wait3A_668 : memref<1x1x200x128xf32, #tpu.memory_space<vmem_shared>>) dst(%dma_wait3A_664 : memref<1x1x200x128xf32, #tpu.memory_space<hbm>>)
    %dma_start3A_669 = arith.constant 2 : i32
    %dma_start3A_670 = arith.constant 0 : i32
    %dma_start3A_671 = arith.constant 0 : i32
    %dma_start3A_672 = tpu.memref_slice %arg4[%arg1, %dma_start3A_669, %dma_start3A_670, %dma_start3A_671] : memref<16x4x200x128xf32, #tpu.memory_space<vmem_shared>> -> memref<1x1x200x128xf32, #tpu.memory_space<vmem_shared>>
    %dma_start3A_673 = arith.constant 0 : i32
    %dma_start3A_674 = arith.constant 3600 : i32
    %dma_start3A_675 = arith.constant 0 : i32
    %dma_start3A_676 = tpu.memref_slice %arg2[%and3A_127, %dma_start3A_673, %dma_start3A_674, %dma_start3A_675] : memref<64x1x4000x128xf32, #tpu.memory_space<hbm>> -> memref<1x1x200x128xf32, #tpu.memory_space<hbm>>
    tpu.enqueue_dma source(%dma_start3A_676 : memref<1x1x200x128xf32, #tpu.memory_space<hbm>>) target(%dma_start3A_672 : memref<1x1x200x128xf32, #tpu.memory_space<vmem_shared>>) target_semaphore(%arg7 : memref<!tpu.dma_semaphore, #tpu.memory_space<semaphore_mem>>)
    %dma_wait3A_677 = arith.constant 1 : i32
    %dma_wait3A_678 = arith.constant 0 : i32
    %dma_wait3A_679 = arith.constant 0 : i32
    %dma_wait3A_680 = tpu.memref_slice %arg4[%arg1, %dma_wait3A_677, %dma_wait3A_678, %dma_wait3A_679] : memref<16x4x200x128xf32, #tpu.memory_space<vmem_shared>> -> memref<1x1x200x128xf32, #tpu.memory_space<vmem_shared>>
    %dma_wait3A_681 = arith.constant 0 : i32
    %dma_wait3A_682 = arith.constant 3400 : i32
    %dma_wait3A_683 = arith.constant 0 : i32
    %dma_wait3A_684 = tpu.memref_slice %arg2[%and3A_127, %dma_wait3A_681, %dma_wait3A_682, %dma_wait3A_683] : memref<64x1x4000x128xf32, #tpu.memory_space<hbm>> -> memref<1x1x200x128xf32, #tpu.memory_space<hbm>>
    tpu.wait_dma2 semaphore(%arg6 : memref<!tpu.dma_semaphore, #tpu.memory_space<semaphore_mem>>) src(%dma_wait3A_684 : memref<1x1x200x128xf32, #tpu.memory_space<hbm>>) dst(%dma_wait3A_680 : memref<1x1x200x128xf32, #tpu.memory_space<vmem_shared>>)
    %dma_start3A_685 = arith.constant 0 : i32
    %dma_start3A_686 = arith.constant 3400 : i32
    %dma_start3A_687 = arith.constant 0 : i32
    %dma_start3A_688 = tpu.memref_slice %arg3[%mul3A_130, %dma_start3A_685, %dma_start3A_686, %dma_start3A_687] : memref<64x1x4000x128xf32, #tpu.memory_space<hbm>> -> memref<1x1x200x128xf32, #tpu.memory_space<hbm>>
    %dma_start3A_689 = arith.constant 1 : i32
    %dma_start3A_690 = arith.constant 0 : i32
    %dma_start3A_691 = arith.constant 0 : i32
    %dma_start3A_692 = tpu.memref_slice %arg4[%arg1, %dma_start3A_689, %dma_start3A_690, %dma_start3A_691] : memref<16x4x200x128xf32, #tpu.memory_space<vmem_shared>> -> memref<1x1x200x128xf32, #tpu.memory_space<vmem_shared>>
    tpu.enqueue_dma source(%dma_start3A_692 : memref<1x1x200x128xf32, #tpu.memory_space<vmem_shared>>) target(%dma_start3A_688 : memref<1x1x200x128xf32, #tpu.memory_space<hbm>>) target_semaphore(%arg10 : memref<!tpu.dma_semaphore, #tpu.memory_space<semaphore_mem>>)
    %dma_wait3A_693 = arith.constant 0 : i32
    %dma_wait3A_694 = arith.constant 3000 : i32
    %dma_wait3A_695 = arith.constant 0 : i32
    %dma_wait3A_696 = tpu.memref_slice %arg3[%mul3A_130, %dma_wait3A_693, %dma_wait3A_694, %dma_wait3A_695] : memref<64x1x4000x128xf32, #tpu.memory_space<hbm>> -> memref<1x1x200x128xf32, #tpu.memory_space<hbm>>
    %dma_wait3A_697 = arith.constant 3 : i32
    %dma_wait3A_698 = arith.constant 0 : i32
    %dma_wait3A_699 = arith.constant 0 : i32
    %dma_wait3A_700 = tpu.memref_slice %arg4[%arg1, %dma_wait3A_697, %dma_wait3A_698, %dma_wait3A_699] : memref<16x4x200x128xf32, #tpu.memory_space<vmem_shared>> -> memref<1x1x200x128xf32, #tpu.memory_space<vmem_shared>>
    tpu.wait_dma2 semaphore(%arg12 : memref<!tpu.dma_semaphore, #tpu.memory_space<semaphore_mem>>) src(%dma_wait3A_700 : memref<1x1x200x128xf32, #tpu.memory_space<vmem_shared>>) dst(%dma_wait3A_696 : memref<1x1x200x128xf32, #tpu.memory_space<hbm>>)
    %dma_start3A_701 = arith.constant 3 : i32
    %dma_start3A_702 = arith.constant 0 : i32
    %dma_start3A_703 = arith.constant 0 : i32
    %dma_start3A_704 = tpu.memref_slice %arg4[%arg1, %dma_start3A_701, %dma_start3A_702, %dma_start3A_703] : memref<16x4x200x128xf32, #tpu.memory_space<vmem_shared>> -> memref<1x1x200x128xf32, #tpu.memory_space<vmem_shared>>
    %dma_start3A_705 = arith.constant 0 : i32
    %dma_start3A_706 = arith.constant 3800 : i32
    %dma_start3A_707 = arith.constant 0 : i32
    %dma_start3A_708 = tpu.memref_slice %arg2[%and3A_127, %dma_start3A_705, %dma_start3A_706, %dma_start3A_707] : memref<64x1x4000x128xf32, #tpu.memory_space<hbm>> -> memref<1x1x200x128xf32, #tpu.memory_space<hbm>>
    tpu.enqueue_dma source(%dma_start3A_708 : memref<1x1x200x128xf32, #tpu.memory_space<hbm>>) target(%dma_start3A_704 : memref<1x1x200x128xf32, #tpu.memory_space<vmem_shared>>) target_semaphore(%arg8 : memref<!tpu.dma_semaphore, #tpu.memory_space<semaphore_mem>>)
    %dma_wait3A_709 = arith.constant 2 : i32
    %dma_wait3A_710 = arith.constant 0 : i32
    %dma_wait3A_711 = arith.constant 0 : i32
    %dma_wait3A_712 = tpu.memref_slice %arg4[%arg1, %dma_wait3A_709, %dma_wait3A_710, %dma_wait3A_711] : memref<16x4x200x128xf32, #tpu.memory_space<vmem_shared>> -> memref<1x1x200x128xf32, #tpu.memory_space<vmem_shared>>
    %dma_wait3A_713 = arith.constant 0 : i32
    %dma_wait3A_714 = arith.constant 3600 : i32
    %dma_wait3A_715 = arith.constant 0 : i32
    %dma_wait3A_716 = tpu.memref_slice %arg2[%and3A_127, %dma_wait3A_713, %dma_wait3A_714, %dma_wait3A_715] : memref<64x1x4000x128xf32, #tpu.memory_space<hbm>> -> memref<1x1x200x128xf32, #tpu.memory_space<hbm>>
    tpu.wait_dma2 semaphore(%arg7 : memref<!tpu.dma_semaphore, #tpu.memory_space<semaphore_mem>>) src(%dma_wait3A_716 : memref<1x1x200x128xf32, #tpu.memory_space<hbm>>) dst(%dma_wait3A_712 : memref<1x1x200x128xf32, #tpu.memory_space<vmem_shared>>)
    %dma_start3A_717 = arith.constant 0 : i32
    %dma_start3A_718 = arith.constant 3600 : i32
    %dma_start3A_719 = arith.constant 0 : i32
    %dma_start3A_720 = tpu.memref_slice %arg3[%mul3A_130, %dma_start3A_717, %dma_start3A_718, %dma_start3A_719] : memref<64x1x4000x128xf32, #tpu.memory_space<hbm>> -> memref<1x1x200x128xf32, #tpu.memory_space<hbm>>
    %dma_start3A_721 = arith.constant 2 : i32
    %dma_start3A_722 = arith.constant 0 : i32
    %dma_start3A_723 = arith.constant 0 : i32
    %dma_start3A_724 = tpu.memref_slice %arg4[%arg1, %dma_start3A_721, %dma_start3A_722, %dma_start3A_723] : memref<16x4x200x128xf32, #tpu.memory_space<vmem_shared>> -> memref<1x1x200x128xf32, #tpu.memory_space<vmem_shared>>
    tpu.enqueue_dma source(%dma_start3A_724 : memref<1x1x200x128xf32, #tpu.memory_space<vmem_shared>>) target(%dma_start3A_720 : memref<1x1x200x128xf32, #tpu.memory_space<hbm>>) target_semaphore(%arg11 : memref<!tpu.dma_semaphore, #tpu.memory_space<semaphore_mem>>)
    %dma_wait3A_725 = arith.constant 0 : i32
    %dma_wait3A_726 = arith.constant 3200 : i32
    %dma_wait3A_727 = arith.constant 0 : i32
    %dma_wait3A_728 = tpu.memref_slice %arg3[%mul3A_130, %dma_wait3A_725, %dma_wait3A_726, %dma_wait3A_727] : memref<64x1x4000x128xf32, #tpu.memory_space<hbm>> -> memref<1x1x200x128xf32, #tpu.memory_space<hbm>>
    %dma_wait3A_729 = arith.constant 0 : i32
    %dma_wait3A_730 = arith.constant 0 : i32
    %dma_wait3A_731 = arith.constant 0 : i32
    %dma_wait3A_732 = tpu.memref_slice %arg4[%arg1, %dma_wait3A_729, %dma_wait3A_730, %dma_wait3A_731] : memref<16x4x200x128xf32, #tpu.memory_space<vmem_shared>> -> memref<1x1x200x128xf32, #tpu.memory_space<vmem_shared>>
    tpu.wait_dma2 semaphore(%arg9 : memref<!tpu.dma_semaphore, #tpu.memory_space<semaphore_mem>>) src(%dma_wait3A_732 : memref<1x1x200x128xf32, #tpu.memory_space<vmem_shared>>) dst(%dma_wait3A_728 : memref<1x1x200x128xf32, #tpu.memory_space<hbm>>)
    %dma_start3A_733 = arith.constant 0 : i32
    %dma_start3A_734 = arith.constant 0 : i32
    %dma_start3A_735 = arith.constant 0 : i32
    %dma_start3A_736 = tpu.memref_slice %arg4[%arg1, %dma_start3A_733, %dma_start3A_734, %dma_start3A_735] : memref<16x4x200x128xf32, #tpu.memory_space<vmem_shared>> -> memref<1x1x200x128xf32, #tpu.memory_space<vmem_shared>>
    %dma_start3A_737 = arith.constant 0 : i32
    %dma_start3A_738 = arith.constant 0 : i32
    %dma_start3A_739 = arith.constant 0 : i32
    %dma_start3A_740 = tpu.memref_slice %arg2[%shift_right_arithmetic3A_128, %dma_start3A_737, %dma_start3A_738, %dma_start3A_739] : memref<64x1x4000x128xf32, #tpu.memory_space<hbm>> -> memref<1x1x200x128xf32, #tpu.memory_space<hbm>>
    tpu.enqueue_dma source(%dma_start3A_740 : memref<1x1x200x128xf32, #tpu.memory_space<hbm>>) target(%dma_start3A_736 : memref<1x1x200x128xf32, #tpu.memory_space<vmem_shared>>) target_semaphore(%arg5 : memref<!tpu.dma_semaphore, #tpu.memory_space<semaphore_mem>>)
    %dma_wait3A_741 = arith.constant 3 : i32
    %dma_wait3A_742 = arith.constant 0 : i32
    %dma_wait3A_743 = arith.constant 0 : i32
    %dma_wait3A_744 = tpu.memref_slice %arg4[%arg1, %dma_wait3A_741, %dma_wait3A_742, %dma_wait3A_743] : memref<16x4x200x128xf32, #tpu.memory_space<vmem_shared>> -> memref<1x1x200x128xf32, #tpu.memory_space<vmem_shared>>
    %dma_wait3A_745 = arith.constant 0 : i32
    %dma_wait3A_746 = arith.constant 3800 : i32
    %dma_wait3A_747 = arith.constant 0 : i32
    %dma_wait3A_748 = tpu.memref_slice %arg2[%and3A_127, %dma_wait3A_745, %dma_wait3A_746, %dma_wait3A_747] : memref<64x1x4000x128xf32, #tpu.memory_space<hbm>> -> memref<1x1x200x128xf32, #tpu.memory_space<hbm>>
    tpu.wait_dma2 semaphore(%arg8 : memref<!tpu.dma_semaphore, #tpu.memory_space<semaphore_mem>>) src(%dma_wait3A_748 : memref<1x1x200x128xf32, #tpu.memory_space<hbm>>) dst(%dma_wait3A_744 : memref<1x1x200x128xf32, #tpu.memory_space<vmem_shared>>)
    %dma_start3A_749 = arith.constant 0 : i32
    %dma_start3A_750 = arith.constant 3800 : i32
    %dma_start3A_751 = arith.constant 0 : i32
    %dma_start3A_752 = tpu.memref_slice %arg3[%mul3A_130, %dma_start3A_749, %dma_start3A_750, %dma_start3A_751] : memref<64x1x4000x128xf32, #tpu.memory_space<hbm>> -> memref<1x1x200x128xf32, #tpu.memory_space<hbm>>
    %dma_start3A_753 = arith.constant 3 : i32
    %dma_start3A_754 = arith.constant 0 : i32
    %dma_start3A_755 = arith.constant 0 : i32
    %dma_start3A_756 = tpu.memref_slice %arg4[%arg1, %dma_start3A_753, %dma_start3A_754, %dma_start3A_755] : memref<16x4x200x128xf32, #tpu.memory_space<vmem_shared>> -> memref<1x1x200x128xf32, #tpu.memory_space<vmem_shared>>
    tpu.enqueue_dma source(%dma_start3A_756 : memref<1x1x200x128xf32, #tpu.memory_space<vmem_shared>>) target(%dma_start3A_752 : memref<1x1x200x128xf32, #tpu.memory_space<hbm>>) target_semaphore(%arg12 : memref<!tpu.dma_semaphore, #tpu.memory_space<semaphore_mem>>)
    %dma_wait3A_757 = arith.constant 0 : i32
    %dma_wait3A_758 = arith.constant 3400 : i32
    %dma_wait3A_759 = arith.constant 0 : i32
    %dma_wait3A_760 = tpu.memref_slice %arg3[%mul3A_130, %dma_wait3A_757, %dma_wait3A_758, %dma_wait3A_759] : memref<64x1x4000x128xf32, #tpu.memory_space<hbm>> -> memref<1x1x200x128xf32, #tpu.memory_space<hbm>>
    %dma_wait3A_761 = arith.constant 1 : i32
    %dma_wait3A_762 = arith.constant 0 : i32
    %dma_wait3A_763 = arith.constant 0 : i32
    %dma_wait3A_764 = tpu.memref_slice %arg4[%arg1, %dma_wait3A_761, %dma_wait3A_762, %dma_wait3A_763] : memref<16x4x200x128xf32, #tpu.memory_space<vmem_shared>> -> memref<1x1x200x128xf32, #tpu.memory_space<vmem_shared>>
    tpu.wait_dma2 semaphore(%arg10 : memref<!tpu.dma_semaphore, #tpu.memory_space<semaphore_mem>>) src(%dma_wait3A_764 : memref<1x1x200x128xf32, #tpu.memory_space<vmem_shared>>) dst(%dma_wait3A_760 : memref<1x1x200x128xf32, #tpu.memory_space<hbm>>)
    %dma_start3A_765 = arith.constant 1 : i32
    %dma_start3A_766 = arith.constant 0 : i32
    %dma_start3A_767 = arith.constant 0 : i32
    %dma_start3A_768 = tpu.memref_slice %arg4[%arg1, %dma_start3A_765, %dma_start3A_766, %dma_start3A_767] : memref<16x4x200x128xf32, #tpu.memory_space<vmem_shared>> -> memref<1x1x200x128xf32, #tpu.memory_space<vmem_shared>>
    %dma_start3A_769 = arith.constant 0 : i32
    %dma_start3A_770 = arith.constant 200 : i32
    %dma_start3A_771 = arith.constant 0 : i32
    %dma_start3A_772 = tpu.memref_slice %arg2[%shift_right_arithmetic3A_128, %dma_start3A_769, %dma_start3A_770, %dma_start3A_771] : memref<64x1x4000x128xf32, #tpu.memory_space<hbm>> -> memref<1x1x200x128xf32, #tpu.memory_space<hbm>>
    tpu.enqueue_dma source(%dma_start3A_772 : memref<1x1x200x128xf32, #tpu.memory_space<hbm>>) target(%dma_start3A_768 : memref<1x1x200x128xf32, #tpu.memory_space<vmem_shared>>) target_semaphore(%arg6 : memref<!tpu.dma_semaphore, #tpu.memory_space<semaphore_mem>>)
    %dma_wait3A_773 = arith.constant 0 : i32
    %dma_wait3A_774 = arith.constant 0 : i32
    %dma_wait3A_775 = arith.constant 0 : i32
    %dma_wait3A_776 = tpu.memref_slice %arg4[%arg1, %dma_wait3A_773, %dma_wait3A_774, %dma_wait3A_775] : memref<16x4x200x128xf32, #tpu.memory_space<vmem_shared>> -> memref<1x1x200x128xf32, #tpu.memory_space<vmem_shared>>
    %dma_wait3A_777 = arith.constant 0 : i32
    %dma_wait3A_778 = arith.constant 0 : i32
    %dma_wait3A_779 = arith.constant 0 : i32
    %dma_wait3A_780 = tpu.memref_slice %arg2[%shift_right_arithmetic3A_128, %dma_wait3A_777, %dma_wait3A_778, %dma_wait3A_779] : memref<64x1x4000x128xf32, #tpu.memory_space<hbm>> -> memref<1x1x200x128xf32, #tpu.memory_space<hbm>>
    tpu.wait_dma2 semaphore(%arg5 : memref<!tpu.dma_semaphore, #tpu.memory_space<semaphore_mem>>) src(%dma_wait3A_780 : memref<1x1x200x128xf32, #tpu.memory_space<hbm>>) dst(%dma_wait3A_776 : memref<1x1x200x128xf32, #tpu.memory_space<vmem_shared>>)
    %dma_start3A_781 = arith.constant 0 : i32
    %dma_start3A_782 = arith.constant 0 : i32
    %dma_start3A_783 = arith.constant 0 : i32
    %dma_start3A_784 = tpu.memref_slice %arg3[%add3A_134, %dma_start3A_781, %dma_start3A_782, %dma_start3A_783] : memref<64x1x4000x128xf32, #tpu.memory_space<hbm>> -> memref<1x1x200x128xf32, #tpu.memory_space<hbm>>
    %dma_start3A_785 = arith.constant 0 : i32
    %dma_start3A_786 = arith.constant 0 : i32
    %dma_start3A_787 = arith.constant 0 : i32
    %dma_start3A_788 = tpu.memref_slice %arg4[%arg1, %dma_start3A_785, %dma_start3A_786, %dma_start3A_787] : memref<16x4x200x128xf32, #tpu.memory_space<vmem_shared>> -> memref<1x1x200x128xf32, #tpu.memory_space<vmem_shared>>
    tpu.enqueue_dma source(%dma_start3A_788 : memref<1x1x200x128xf32, #tpu.memory_space<vmem_shared>>) target(%dma_start3A_784 : memref<1x1x200x128xf32, #tpu.memory_space<hbm>>) target_semaphore(%arg9 : memref<!tpu.dma_semaphore, #tpu.memory_space<semaphore_mem>>)
    %dma_wait3A_789 = arith.constant 0 : i32
    %dma_wait3A_790 = arith.constant 3600 : i32
    %dma_wait3A_791 = arith.constant 0 : i32
    %dma_wait3A_792 = tpu.memref_slice %arg3[%mul3A_130, %dma_wait3A_789, %dma_wait3A_790, %dma_wait3A_791] : memref<64x1x4000x128xf32, #tpu.memory_space<hbm>> -> memref<1x1x200x128xf32, #tpu.memory_space<hbm>>
    %dma_wait3A_793 = arith.constant 2 : i32
    %dma_wait3A_794 = arith.constant 0 : i32
    %dma_wait3A_795 = arith.constant 0 : i32
    %dma_wait3A_796 = tpu.memref_slice %arg4[%arg1, %dma_wait3A_793, %dma_wait3A_794, %dma_wait3A_795] : memref<16x4x200x128xf32, #tpu.memory_space<vmem_shared>> -> memref<1x1x200x128xf32, #tpu.memory_space<vmem_shared>>
    tpu.wait_dma2 semaphore(%arg11 : memref<!tpu.dma_semaphore, #tpu.memory_space<semaphore_mem>>) src(%dma_wait3A_796 : memref<1x1x200x128xf32, #tpu.memory_space<vmem_shared>>) dst(%dma_wait3A_792 : memref<1x1x200x128xf32, #tpu.memory_space<hbm>>)
    %dma_start3A_797 = arith.constant 2 : i32
    %dma_start3A_798 = arith.constant 0 : i32
    %dma_start3A_799 = arith.constant 0 : i32
    %dma_start3A_800 = tpu.memref_slice %arg4[%arg1, %dma_start3A_797, %dma_start3A_798, %dma_start3A_799] : memref<16x4x200x128xf32, #tpu.memory_space<vmem_shared>> -> memref<1x1x200x128xf32, #tpu.memory_space<vmem_shared>>
    %dma_start3A_801 = arith.constant 0 : i32
    %dma_start3A_802 = arith.constant 400 : i32
    %dma_start3A_803 = arith.constant 0 : i32
    %dma_start3A_804 = tpu.memref_slice %arg2[%shift_right_arithmetic3A_128, %dma_start3A_801, %dma_start3A_802, %dma_start3A_803] : memref<64x1x4000x128xf32, #tpu.memory_space<hbm>> -> memref<1x1x200x128xf32, #tpu.memory_space<hbm>>
    tpu.enqueue_dma source(%dma_start3A_804 : memref<1x1x200x128xf32, #tpu.memory_space<hbm>>) target(%dma_start3A_800 : memref<1x1x200x128xf32, #tpu.memory_space<vmem_shared>>) target_semaphore(%arg7 : memref<!tpu.dma_semaphore, #tpu.memory_space<semaphore_mem>>)
    %dma_wait3A_805 = arith.constant 1 : i32
    %dma_wait3A_806 = arith.constant 0 : i32
    %dma_wait3A_807 = arith.constant 0 : i32
    %dma_wait3A_808 = tpu.memref_slice %arg4[%arg1, %dma_wait3A_805, %dma_wait3A_806, %dma_wait3A_807] : memref<16x4x200x128xf32, #tpu.memory_space<vmem_shared>> -> memref<1x1x200x128xf32, #tpu.memory_space<vmem_shared>>
    %dma_wait3A_809 = arith.constant 0 : i32
    %dma_wait3A_810 = arith.constant 200 : i32
    %dma_wait3A_811 = arith.constant 0 : i32
    %dma_wait3A_812 = tpu.memref_slice %arg2[%shift_right_arithmetic3A_128, %dma_wait3A_809, %dma_wait3A_810, %dma_wait3A_811] : memref<64x1x4000x128xf32, #tpu.memory_space<hbm>> -> memref<1x1x200x128xf32, #tpu.memory_space<hbm>>
    tpu.wait_dma2 semaphore(%arg6 : memref<!tpu.dma_semaphore, #tpu.memory_space<semaphore_mem>>) src(%dma_wait3A_812 : memref<1x1x200x128xf32, #tpu.memory_space<hbm>>) dst(%dma_wait3A_808 : memref<1x1x200x128xf32, #tpu.memory_space<vmem_shared>>)
    %dma_start3A_813 = arith.constant 0 : i32
    %dma_start3A_814 = arith.constant 200 : i32
    %dma_start3A_815 = arith.constant 0 : i32
    %dma_start3A_816 = tpu.memref_slice %arg3[%add3A_134, %dma_start3A_813, %dma_start3A_814, %dma_start3A_815] : memref<64x1x4000x128xf32, #tpu.memory_space<hbm>> -> memref<1x1x200x128xf32, #tpu.memory_space<hbm>>
    %dma_start3A_817 = arith.constant 1 : i32
    %dma_start3A_818 = arith.constant 0 : i32
    %dma_start3A_819 = arith.constant 0 : i32
    %dma_start3A_820 = tpu.memref_slice %arg4[%arg1, %dma_start3A_817, %dma_start3A_818, %dma_start3A_819] : memref<16x4x200x128xf32, #tpu.memory_space<vmem_shared>> -> memref<1x1x200x128xf32, #tpu.memory_space<vmem_shared>>
    tpu.enqueue_dma source(%dma_start3A_820 : memref<1x1x200x128xf32, #tpu.memory_space<vmem_shared>>) target(%dma_start3A_816 : memref<1x1x200x128xf32, #tpu.memory_space<hbm>>) target_semaphore(%arg10 : memref<!tpu.dma_semaphore, #tpu.memory_space<semaphore_mem>>)
    %dma_wait3A_821 = arith.constant 0 : i32
    %dma_wait3A_822 = arith.constant 3800 : i32
    %dma_wait3A_823 = arith.constant 0 : i32
    %dma_wait3A_824 = tpu.memref_slice %arg3[%mul3A_130, %dma_wait3A_821, %dma_wait3A_822, %dma_wait3A_823] : memref<64x1x4000x128xf32, #tpu.memory_space<hbm>> -> memref<1x1x200x128xf32, #tpu.memory_space<hbm>>
    %dma_wait3A_825 = arith.constant 3 : i32
    %dma_wait3A_826 = arith.constant 0 : i32
    %dma_wait3A_827 = arith.constant 0 : i32
    %dma_wait3A_828 = tpu.memref_slice %arg4[%arg1, %dma_wait3A_825, %dma_wait3A_826, %dma_wait3A_827] : memref<16x4x200x128xf32, #tpu.memory_space<vmem_shared>> -> memref<1x1x200x128xf32, #tpu.memory_space<vmem_shared>>
    tpu.wait_dma2 semaphore(%arg12 : memref<!tpu.dma_semaphore, #tpu.memory_space<semaphore_mem>>) src(%dma_wait3A_828 : memref<1x1x200x128xf32, #tpu.memory_space<vmem_shared>>) dst(%dma_wait3A_824 : memref<1x1x200x128xf32, #tpu.memory_space<hbm>>)
    %dma_start3A_829 = arith.constant 3 : i32
    %dma_start3A_830 = arith.constant 0 : i32
    %dma_start3A_831 = arith.constant 0 : i32
    %dma_start3A_832 = tpu.memref_slice %arg4[%arg1, %dma_start3A_829, %dma_start3A_830, %dma_start3A_831] : memref<16x4x200x128xf32, #tpu.memory_space<vmem_shared>> -> memref<1x1x200x128xf32, #tpu.memory_space<vmem_shared>>
    %dma_start3A_833 = arith.constant 0 : i32
    %dma_start3A_834 = arith.constant 600 : i32
    %dma_start3A_835 = arith.constant 0 : i32
    %dma_start3A_836 = tpu.memref_slice %arg2[%shift_right_arithmetic3A_128, %dma_start3A_833, %dma_start3A_834, %dma_start3A_835] : memref<64x1x4000x128xf32, #tpu.memory_space<hbm>> -> memref<1x1x200x128xf32, #tpu.memory_space<hbm>>
    tpu.enqueue_dma source(%dma_start3A_836 : memref<1x1x200x128xf32, #tpu.memory_space<hbm>>) target(%dma_start3A_832 : memref<1x1x200x128xf32, #tpu.memory_space<vmem_shared>>) target_semaphore(%arg8 : memref<!tpu.dma_semaphore, #tpu.memory_space<semaphore_mem>>)
    %dma_wait3A_837 = arith.constant 2 : i32
    %dma_wait3A_838 = arith.constant 0 : i32
    %dma_wait3A_839 = arith.constant 0 : i32
    %dma_wait3A_840 = tpu.memref_slice %arg4[%arg1, %dma_wait3A_837, %dma_wait3A_838, %dma_wait3A_839] : memref<16x4x200x128xf32, #tpu.memory_space<vmem_shared>> -> memref<1x1x200x128xf32, #tpu.memory_space<vmem_shared>>
    %dma_wait3A_841 = arith.constant 0 : i32
    %dma_wait3A_842 = arith.constant 400 : i32
    %dma_wait3A_843 = arith.constant 0 : i32
    %dma_wait3A_844 = tpu.memref_slice %arg2[%shift_right_arithmetic3A_128, %dma_wait3A_841, %dma_wait3A_842, %dma_wait3A_843] : memref<64x1x4000x128xf32, #tpu.memory_space<hbm>> -> memref<1x1x200x128xf32, #tpu.memory_space<hbm>>
    tpu.wait_dma2 semaphore(%arg7 : memref<!tpu.dma_semaphore, #tpu.memory_space<semaphore_mem>>) src(%dma_wait3A_844 : memref<1x1x200x128xf32, #tpu.memory_space<hbm>>) dst(%dma_wait3A_840 : memref<1x1x200x128xf32, #tpu.memory_space<vmem_shared>>)
    %dma_start3A_845 = arith.constant 0 : i32
    %dma_start3A_846 = arith.constant 400 : i32
    %dma_start3A_847 = arith.constant 0 : i32
    %dma_start3A_848 = tpu.memref_slice %arg3[%add3A_134, %dma_start3A_845, %dma_start3A_846, %dma_start3A_847] : memref<64x1x4000x128xf32, #tpu.memory_space<hbm>> -> memref<1x1x200x128xf32, #tpu.memory_space<hbm>>
    %dma_start3A_849 = arith.constant 2 : i32
    %dma_start3A_850 = arith.constant 0 : i32
    %dma_start3A_851 = arith.constant 0 : i32
    %dma_start3A_852 = tpu.memref_slice %arg4[%arg1, %dma_start3A_849, %dma_start3A_850, %dma_start3A_851] : memref<16x4x200x128xf32, #tpu.memory_space<vmem_shared>> -> memref<1x1x200x128xf32, #tpu.memory_space<vmem_shared>>
    tpu.enqueue_dma source(%dma_start3A_852 : memref<1x1x200x128xf32, #tpu.memory_space<vmem_shared>>) target(%dma_start3A_848 : memref<1x1x200x128xf32, #tpu.memory_space<hbm>>) target_semaphore(%arg11 : memref<!tpu.dma_semaphore, #tpu.memory_space<semaphore_mem>>)
    %dma_wait3A_853 = arith.constant 0 : i32
    %dma_wait3A_854 = arith.constant 0 : i32
    %dma_wait3A_855 = arith.constant 0 : i32
    %dma_wait3A_856 = tpu.memref_slice %arg3[%add3A_134, %dma_wait3A_853, %dma_wait3A_854, %dma_wait3A_855] : memref<64x1x4000x128xf32, #tpu.memory_space<hbm>> -> memref<1x1x200x128xf32, #tpu.memory_space<hbm>>
    %dma_wait3A_857 = arith.constant 0 : i32
    %dma_wait3A_858 = arith.constant 0 : i32
    %dma_wait3A_859 = arith.constant 0 : i32
    %dma_wait3A_860 = tpu.memref_slice %arg4[%arg1, %dma_wait3A_857, %dma_wait3A_858, %dma_wait3A_859] : memref<16x4x200x128xf32, #tpu.memory_space<vmem_shared>> -> memref<1x1x200x128xf32, #tpu.memory_space<vmem_shared>>
    tpu.wait_dma2 semaphore(%arg9 : memref<!tpu.dma_semaphore, #tpu.memory_space<semaphore_mem>>) src(%dma_wait3A_860 : memref<1x1x200x128xf32, #tpu.memory_space<vmem_shared>>) dst(%dma_wait3A_856 : memref<1x1x200x128xf32, #tpu.memory_space<hbm>>)
    %dma_start3A_861 = arith.constant 0 : i32
    %dma_start3A_862 = arith.constant 0 : i32
    %dma_start3A_863 = arith.constant 0 : i32
    %dma_start3A_864 = tpu.memref_slice %arg4[%arg1, %dma_start3A_861, %dma_start3A_862, %dma_start3A_863] : memref<16x4x200x128xf32, #tpu.memory_space<vmem_shared>> -> memref<1x1x200x128xf32, #tpu.memory_space<vmem_shared>>
    %dma_start3A_865 = arith.constant 0 : i32
    %dma_start3A_866 = arith.constant 800 : i32
    %dma_start3A_867 = arith.constant 0 : i32
    %dma_start3A_868 = tpu.memref_slice %arg2[%shift_right_arithmetic3A_128, %dma_start3A_865, %dma_start3A_866, %dma_start3A_867] : memref<64x1x4000x128xf32, #tpu.memory_space<hbm>> -> memref<1x1x200x128xf32, #tpu.memory_space<hbm>>
    tpu.enqueue_dma source(%dma_start3A_868 : memref<1x1x200x128xf32, #tpu.memory_space<hbm>>) target(%dma_start3A_864 : memref<1x1x200x128xf32, #tpu.memory_space<vmem_shared>>) target_semaphore(%arg5 : memref<!tpu.dma_semaphore, #tpu.memory_space<semaphore_mem>>)
    %dma_wait3A_869 = arith.constant 3 : i32
    %dma_wait3A_870 = arith.constant 0 : i32
    %dma_wait3A_871 = arith.constant 0 : i32
    %dma_wait3A_872 = tpu.memref_slice %arg4[%arg1, %dma_wait3A_869, %dma_wait3A_870, %dma_wait3A_871] : memref<16x4x200x128xf32, #tpu.memory_space<vmem_shared>> -> memref<1x1x200x128xf32, #tpu.memory_space<vmem_shared>>
    %dma_wait3A_873 = arith.constant 0 : i32
    %dma_wait3A_874 = arith.constant 600 : i32
    %dma_wait3A_875 = arith.constant 0 : i32
    %dma_wait3A_876 = tpu.memref_slice %arg2[%shift_right_arithmetic3A_128, %dma_wait3A_873, %dma_wait3A_874, %dma_wait3A_875] : memref<64x1x4000x128xf32, #tpu.memory_space<hbm>> -> memref<1x1x200x128xf32, #tpu.memory_space<hbm>>
    tpu.wait_dma2 semaphore(%arg8 : memref<!tpu.dma_semaphore, #tpu.memory_space<semaphore_mem>>) src(%dma_wait3A_876 : memref<1x1x200x128xf32, #tpu.memory_space<hbm>>) dst(%dma_wait3A_872 : memref<1x1x200x128xf32, #tpu.memory_space<vmem_shared>>)
    %dma_start3A_877 = arith.constant 0 : i32
    %dma_start3A_878 = arith.constant 600 : i32
    %dma_start3A_879 = arith.constant 0 : i32
    %dma_start3A_880 = tpu.memref_slice %arg3[%add3A_134, %dma_start3A_877, %dma_start3A_878, %dma_start3A_879] : memref<64x1x4000x128xf32, #tpu.memory_space<hbm>> -> memref<1x1x200x128xf32, #tpu.memory_space<hbm>>
    %dma_start3A_881 = arith.constant 3 : i32
    %dma_start3A_882 = arith.constant 0 : i32
    %dma_start3A_883 = arith.constant 0 : i32
    %dma_start3A_884 = tpu.memref_slice %arg4[%arg1, %dma_start3A_881, %dma_start3A_882, %dma_start3A_883] : memref<16x4x200x128xf32, #tpu.memory_space<vmem_shared>> -> memref<1x1x200x128xf32, #tpu.memory_space<vmem_shared>>
    tpu.enqueue_dma source(%dma_start3A_884 : memref<1x1x200x128xf32, #tpu.memory_space<vmem_shared>>) target(%dma_start3A_880 : memref<1x1x200x128xf32, #tpu.memory_space<hbm>>) target_semaphore(%arg12 : memref<!tpu.dma_semaphore, #tpu.memory_space<semaphore_mem>>)
    %dma_wait3A_885 = arith.constant 0 : i32
    %dma_wait3A_886 = arith.constant 200 : i32
    %dma_wait3A_887 = arith.constant 0 : i32
    %dma_wait3A_888 = tpu.memref_slice %arg3[%add3A_134, %dma_wait3A_885, %dma_wait3A_886, %dma_wait3A_887] : memref<64x1x4000x128xf32, #tpu.memory_space<hbm>> -> memref<1x1x200x128xf32, #tpu.memory_space<hbm>>
    %dma_wait3A_889 = arith.constant 1 : i32
    %dma_wait3A_890 = arith.constant 0 : i32
    %dma_wait3A_891 = arith.constant 0 : i32
    %dma_wait3A_892 = tpu.memref_slice %arg4[%arg1, %dma_wait3A_889, %dma_wait3A_890, %dma_wait3A_891] : memref<16x4x200x128xf32, #tpu.memory_space<vmem_shared>> -> memref<1x1x200x128xf32, #tpu.memory_space<vmem_shared>>
    tpu.wait_dma2 semaphore(%arg10 : memref<!tpu.dma_semaphore, #tpu.memory_space<semaphore_mem>>) src(%dma_wait3A_892 : memref<1x1x200x128xf32, #tpu.memory_space<vmem_shared>>) dst(%dma_wait3A_888 : memref<1x1x200x128xf32, #tpu.memory_space<hbm>>)
    %dma_start3A_893 = arith.constant 1 : i32
    %dma_start3A_894 = arith.constant 0 : i32
    %dma_start3A_895 = arith.constant 0 : i32
    %dma_start3A_896 = tpu.memref_slice %arg4[%arg1, %dma_start3A_893, %dma_start3A_894, %dma_start3A_895] : memref<16x4x200x128xf32, #tpu.memory_space<vmem_shared>> -> memref<1x1x200x128xf32, #tpu.memory_space<vmem_shared>>
    %dma_start3A_897 = arith.constant 0 : i32
    %dma_start3A_898 = arith.constant 1000 : i32
    %dma_start3A_899 = arith.constant 0 : i32
    %dma_start3A_900 = tpu.memref_slice %arg2[%shift_right_arithmetic3A_128, %dma_start3A_897, %dma_start3A_898, %dma_start3A_899] : memref<64x1x4000x128xf32, #tpu.memory_space<hbm>> -> memref<1x1x200x128xf32, #tpu.memory_space<hbm>>
    tpu.enqueue_dma source(%dma_start3A_900 : memref<1x1x200x128xf32, #tpu.memory_space<hbm>>) target(%dma_start3A_896 : memref<1x1x200x128xf32, #tpu.memory_space<vmem_shared>>) target_semaphore(%arg6 : memref<!tpu.dma_semaphore, #tpu.memory_space<semaphore_mem>>)
    %dma_wait3A_901 = arith.constant 0 : i32
    %dma_wait3A_902 = arith.constant 0 : i32
    %dma_wait3A_903 = arith.constant 0 : i32
    %dma_wait3A_904 = tpu.memref_slice %arg4[%arg1, %dma_wait3A_901, %dma_wait3A_902, %dma_wait3A_903] : memref<16x4x200x128xf32, #tpu.memory_space<vmem_shared>> -> memref<1x1x200x128xf32, #tpu.memory_space<vmem_shared>>
    %dma_wait3A_905 = arith.constant 0 : i32
    %dma_wait3A_906 = arith.constant 800 : i32
    %dma_wait3A_907 = arith.constant 0 : i32
    %dma_wait3A_908 = tpu.memref_slice %arg2[%shift_right_arithmetic3A_128, %dma_wait3A_905, %dma_wait3A_906, %dma_wait3A_907] : memref<64x1x4000x128xf32, #tpu.memory_space<hbm>> -> memref<1x1x200x128xf32, #tpu.memory_space<hbm>>
    tpu.wait_dma2 semaphore(%arg5 : memref<!tpu.dma_semaphore, #tpu.memory_space<semaphore_mem>>) src(%dma_wait3A_908 : memref<1x1x200x128xf32, #tpu.memory_space<hbm>>) dst(%dma_wait3A_904 : memref<1x1x200x128xf32, #tpu.memory_space<vmem_shared>>)
    %dma_start3A_909 = arith.constant 0 : i32
    %dma_start3A_910 = arith.constant 800 : i32
    %dma_start3A_911 = arith.constant 0 : i32
    %dma_start3A_912 = tpu.memref_slice %arg3[%add3A_134, %dma_start3A_909, %dma_start3A_910, %dma_start3A_911] : memref<64x1x4000x128xf32, #tpu.memory_space<hbm>> -> memref<1x1x200x128xf32, #tpu.memory_space<hbm>>
    %dma_start3A_913 = arith.constant 0 : i32
    %dma_start3A_914 = arith.constant 0 : i32
    %dma_start3A_915 = arith.constant 0 : i32
    %dma_start3A_916 = tpu.memref_slice %arg4[%arg1, %dma_start3A_913, %dma_start3A_914, %dma_start3A_915] : memref<16x4x200x128xf32, #tpu.memory_space<vmem_shared>> -> memref<1x1x200x128xf32, #tpu.memory_space<vmem_shared>>
    tpu.enqueue_dma source(%dma_start3A_916 : memref<1x1x200x128xf32, #tpu.memory_space<vmem_shared>>) target(%dma_start3A_912 : memref<1x1x200x128xf32, #tpu.memory_space<hbm>>) target_semaphore(%arg9 : memref<!tpu.dma_semaphore, #tpu.memory_space<semaphore_mem>>)
    %dma_wait3A_917 = arith.constant 0 : i32
    %dma_wait3A_918 = arith.constant 400 : i32
    %dma_wait3A_919 = arith.constant 0 : i32
    %dma_wait3A_920 = tpu.memref_slice %arg3[%add3A_134, %dma_wait3A_917, %dma_wait3A_918, %dma_wait3A_919] : memref<64x1x4000x128xf32, #tpu.memory_space<hbm>> -> memref<1x1x200x128xf32, #tpu.memory_space<hbm>>
    %dma_wait3A_921 = arith.constant 2 : i32
    %dma_wait3A_922 = arith.constant 0 : i32
    %dma_wait3A_923 = arith.constant 0 : i32
    %dma_wait3A_924 = tpu.memref_slice %arg4[%arg1, %dma_wait3A_921, %dma_wait3A_922, %dma_wait3A_923] : memref<16x4x200x128xf32, #tpu.memory_space<vmem_shared>> -> memref<1x1x200x128xf32, #tpu.memory_space<vmem_shared>>
    tpu.wait_dma2 semaphore(%arg11 : memref<!tpu.dma_semaphore, #tpu.memory_space<semaphore_mem>>) src(%dma_wait3A_924 : memref<1x1x200x128xf32, #tpu.memory_space<vmem_shared>>) dst(%dma_wait3A_920 : memref<1x1x200x128xf32, #tpu.memory_space<hbm>>)
    %dma_start3A_925 = arith.constant 2 : i32
    %dma_start3A_926 = arith.constant 0 : i32
    %dma_start3A_927 = arith.constant 0 : i32
    %dma_start3A_928 = tpu.memref_slice %arg4[%arg1, %dma_start3A_925, %dma_start3A_926, %dma_start3A_927] : memref<16x4x200x128xf32, #tpu.memory_space<vmem_shared>> -> memref<1x1x200x128xf32, #tpu.memory_space<vmem_shared>>
    %dma_start3A_929 = arith.constant 0 : i32
    %dma_start3A_930 = arith.constant 1200 : i32
    %dma_start3A_931 = arith.constant 0 : i32
    %dma_start3A_932 = tpu.memref_slice %arg2[%shift_right_arithmetic3A_128, %dma_start3A_929, %dma_start3A_930, %dma_start3A_931] : memref<64x1x4000x128xf32, #tpu.memory_space<hbm>> -> memref<1x1x200x128xf32, #tpu.memory_space<hbm>>
    tpu.enqueue_dma source(%dma_start3A_932 : memref<1x1x200x128xf32, #tpu.memory_space<hbm>>) target(%dma_start3A_928 : memref<1x1x200x128xf32, #tpu.memory_space<vmem_shared>>) target_semaphore(%arg7 : memref<!tpu.dma_semaphore, #tpu.memory_space<semaphore_mem>>)
    %dma_wait3A_933 = arith.constant 1 : i32
    %dma_wait3A_934 = arith.constant 0 : i32
    %dma_wait3A_935 = arith.constant 0 : i32
    %dma_wait3A_936 = tpu.memref_slice %arg4[%arg1, %dma_wait3A_933, %dma_wait3A_934, %dma_wait3A_935] : memref<16x4x200x128xf32, #tpu.memory_space<vmem_shared>> -> memref<1x1x200x128xf32, #tpu.memory_space<vmem_shared>>
    %dma_wait3A_937 = arith.constant 0 : i32
    %dma_wait3A_938 = arith.constant 1000 : i32
    %dma_wait3A_939 = arith.constant 0 : i32
    %dma_wait3A_940 = tpu.memref_slice %arg2[%shift_right_arithmetic3A_128, %dma_wait3A_937, %dma_wait3A_938, %dma_wait3A_939] : memref<64x1x4000x128xf32, #tpu.memory_space<hbm>> -> memref<1x1x200x128xf32, #tpu.memory_space<hbm>>
    tpu.wait_dma2 semaphore(%arg6 : memref<!tpu.dma_semaphore, #tpu.memory_space<semaphore_mem>>) src(%dma_wait3A_940 : memref<1x1x200x128xf32, #tpu.memory_space<hbm>>) dst(%dma_wait3A_936 : memref<1x1x200x128xf32, #tpu.memory_space<vmem_shared>>)
    %dma_start3A_941 = arith.constant 0 : i32
    %dma_start3A_942 = arith.constant 1000 : i32
    %dma_start3A_943 = arith.constant 0 : i32
    %dma_start3A_944 = tpu.memref_slice %arg3[%add3A_134, %dma_start3A_941, %dma_start3A_942, %dma_start3A_943] : memref<64x1x4000x128xf32, #tpu.memory_space<hbm>> -> memref<1x1x200x128xf32, #tpu.memory_space<hbm>>
    %dma_start3A_945 = arith.constant 1 : i32
    %dma_start3A_946 = arith.constant 0 : i32
    %dma_start3A_947 = arith.constant 0 : i32
    %dma_start3A_948 = tpu.memref_slice %arg4[%arg1, %dma_start3A_945, %dma_start3A_946, %dma_start3A_947] : memref<16x4x200x128xf32, #tpu.memory_space<vmem_shared>> -> memref<1x1x200x128xf32, #tpu.memory_space<vmem_shared>>
    tpu.enqueue_dma source(%dma_start3A_948 : memref<1x1x200x128xf32, #tpu.memory_space<vmem_shared>>) target(%dma_start3A_944 : memref<1x1x200x128xf32, #tpu.memory_space<hbm>>) target_semaphore(%arg10 : memref<!tpu.dma_semaphore, #tpu.memory_space<semaphore_mem>>)
    %dma_wait3A_949 = arith.constant 0 : i32
    %dma_wait3A_950 = arith.constant 600 : i32
    %dma_wait3A_951 = arith.constant 0 : i32
    %dma_wait3A_952 = tpu.memref_slice %arg3[%add3A_134, %dma_wait3A_949, %dma_wait3A_950, %dma_wait3A_951] : memref<64x1x4000x128xf32, #tpu.memory_space<hbm>> -> memref<1x1x200x128xf32, #tpu.memory_space<hbm>>
    %dma_wait3A_953 = arith.constant 3 : i32
    %dma_wait3A_954 = arith.constant 0 : i32
    %dma_wait3A_955 = arith.constant 0 : i32
    %dma_wait3A_956 = tpu.memref_slice %arg4[%arg1, %dma_wait3A_953, %dma_wait3A_954, %dma_wait3A_955] : memref<16x4x200x128xf32, #tpu.memory_space<vmem_shared>> -> memref<1x1x200x128xf32, #tpu.memory_space<vmem_shared>>
    tpu.wait_dma2 semaphore(%arg12 : memref<!tpu.dma_semaphore, #tpu.memory_space<semaphore_mem>>) src(%dma_wait3A_956 : memref<1x1x200x128xf32, #tpu.memory_space<vmem_shared>>) dst(%dma_wait3A_952 : memref<1x1x200x128xf32, #tpu.memory_space<hbm>>)
    %dma_start3A_957 = arith.constant 3 : i32
    %dma_start3A_958 = arith.constant 0 : i32
    %dma_start3A_959 = arith.constant 0 : i32
    %dma_start3A_960 = tpu.memref_slice %arg4[%arg1, %dma_start3A_957, %dma_start3A_958, %dma_start3A_959] : memref<16x4x200x128xf32, #tpu.memory_space<vmem_shared>> -> memref<1x1x200x128xf32, #tpu.memory_space<vmem_shared>>
    %dma_start3A_961 = arith.constant 0 : i32
    %dma_start3A_962 = arith.constant 1400 : i32
    %dma_start3A_963 = arith.constant 0 : i32
    %dma_start3A_964 = tpu.memref_slice %arg2[%shift_right_arithmetic3A_128, %dma_start3A_961, %dma_start3A_962, %dma_start3A_963] : memref<64x1x4000x128xf32, #tpu.memory_space<hbm>> -> memref<1x1x200x128xf32, #tpu.memory_space<hbm>>
    tpu.enqueue_dma source(%dma_start3A_964 : memref<1x1x200x128xf32, #tpu.memory_space<hbm>>) target(%dma_start3A_960 : memref<1x1x200x128xf32, #tpu.memory_space<vmem_shared>>) target_semaphore(%arg8 : memref<!tpu.dma_semaphore, #tpu.memory_space<semaphore_mem>>)
    %dma_wait3A_965 = arith.constant 2 : i32
    %dma_wait3A_966 = arith.constant 0 : i32
    %dma_wait3A_967 = arith.constant 0 : i32
    %dma_wait3A_968 = tpu.memref_slice %arg4[%arg1, %dma_wait3A_965, %dma_wait3A_966, %dma_wait3A_967] : memref<16x4x200x128xf32, #tpu.memory_space<vmem_shared>> -> memref<1x1x200x128xf32, #tpu.memory_space<vmem_shared>>
    %dma_wait3A_969 = arith.constant 0 : i32
    %dma_wait3A_970 = arith.constant 1200 : i32
    %dma_wait3A_971 = arith.constant 0 : i32
    %dma_wait3A_972 = tpu.memref_slice %arg2[%shift_right_arithmetic3A_128, %dma_wait3A_969, %dma_wait3A_970, %dma_wait3A_971] : memref<64x1x4000x128xf32, #tpu.memory_space<hbm>> -> memref<1x1x200x128xf32, #tpu.memory_space<hbm>>
    tpu.wait_dma2 semaphore(%arg7 : memref<!tpu.dma_semaphore, #tpu.memory_space<semaphore_mem>>) src(%dma_wait3A_972 : memref<1x1x200x128xf32, #tpu.memory_space<hbm>>) dst(%dma_wait3A_968 : memref<1x1x200x128xf32, #tpu.memory_space<vmem_shared>>)
    %dma_start3A_973 = arith.constant 0 : i32
    %dma_start3A_974 = arith.constant 1200 : i32
    %dma_start3A_975 = arith.constant 0 : i32
    %dma_start3A_976 = tpu.memref_slice %arg3[%add3A_134, %dma_start3A_973, %dma_start3A_974, %dma_start3A_975] : memref<64x1x4000x128xf32, #tpu.memory_space<hbm>> -> memref<1x1x200x128xf32, #tpu.memory_space<hbm>>
    %dma_start3A_977 = arith.constant 2 : i32
    %dma_start3A_978 = arith.constant 0 : i32
    %dma_start3A_979 = arith.constant 0 : i32
    %dma_start3A_980 = tpu.memref_slice %arg4[%arg1, %dma_start3A_977, %dma_start3A_978, %dma_start3A_979] : memref<16x4x200x128xf32, #tpu.memory_space<vmem_shared>> -> memref<1x1x200x128xf32, #tpu.memory_space<vmem_shared>>
    tpu.enqueue_dma source(%dma_start3A_980 : memref<1x1x200x128xf32, #tpu.memory_space<vmem_shared>>) target(%dma_start3A_976 : memref<1x1x200x128xf32, #tpu.memory_space<hbm>>) target_semaphore(%arg11 : memref<!tpu.dma_semaphore, #tpu.memory_space<semaphore_mem>>)
    %dma_wait3A_981 = arith.constant 0 : i32
    %dma_wait3A_982 = arith.constant 800 : i32
    %dma_wait3A_983 = arith.constant 0 : i32
    %dma_wait3A_984 = tpu.memref_slice %arg3[%add3A_134, %dma_wait3A_981, %dma_wait3A_982, %dma_wait3A_983] : memref<64x1x4000x128xf32, #tpu.memory_space<hbm>> -> memref<1x1x200x128xf32, #tpu.memory_space<hbm>>
    %dma_wait3A_985 = arith.constant 0 : i32
    %dma_wait3A_986 = arith.constant 0 : i32
    %dma_wait3A_987 = arith.constant 0 : i32
    %dma_wait3A_988 = tpu.memref_slice %arg4[%arg1, %dma_wait3A_985, %dma_wait3A_986, %dma_wait3A_987] : memref<16x4x200x128xf32, #tpu.memory_space<vmem_shared>> -> memref<1x1x200x128xf32, #tpu.memory_space<vmem_shared>>
    tpu.wait_dma2 semaphore(%arg9 : memref<!tpu.dma_semaphore, #tpu.memory_space<semaphore_mem>>) src(%dma_wait3A_988 : memref<1x1x200x128xf32, #tpu.memory_space<vmem_shared>>) dst(%dma_wait3A_984 : memref<1x1x200x128xf32, #tpu.memory_space<hbm>>)
    %dma_start3A_989 = arith.constant 0 : i32
    %dma_start3A_990 = arith.constant 0 : i32
    %dma_start3A_991 = arith.constant 0 : i32
    %dma_start3A_992 = tpu.memref_slice %arg4[%arg1, %dma_start3A_989, %dma_start3A_990, %dma_start3A_991] : memref<16x4x200x128xf32, #tpu.memory_space<vmem_shared>> -> memref<1x1x200x128xf32, #tpu.memory_space<vmem_shared>>
    %dma_start3A_993 = arith.constant 0 : i32
    %dma_start3A_994 = arith.constant 1600 : i32
    %dma_start3A_995 = arith.constant 0 : i32
    %dma_start3A_996 = tpu.memref_slice %arg2[%shift_right_arithmetic3A_128, %dma_start3A_993, %dma_start3A_994, %dma_start3A_995] : memref<64x1x4000x128xf32, #tpu.memory_space<hbm>> -> memref<1x1x200x128xf32, #tpu.memory_space<hbm>>
    tpu.enqueue_dma source(%dma_start3A_996 : memref<1x1x200x128xf32, #tpu.memory_space<hbm>>) target(%dma_start3A_992 : memref<1x1x200x128xf32, #tpu.memory_space<vmem_shared>>) target_semaphore(%arg5 : memref<!tpu.dma_semaphore, #tpu.memory_space<semaphore_mem>>)
    %dma_wait3A_997 = arith.constant 3 : i32
    %dma_wait3A_998 = arith.constant 0 : i32
    %dma_wait3A_999 = arith.constant 0 : i32
    %dma_wait3A_1000 = tpu.memref_slice %arg4[%arg1, %dma_wait3A_997, %dma_wait3A_998, %dma_wait3A_999] : memref<16x4x200x128xf32, #tpu.memory_space<vmem_shared>> -> memref<1x1x200x128xf32, #tpu.memory_space<vmem_shared>>
    %dma_wait3A_1001 = arith.constant 0 : i32
    %dma_wait3A_1002 = arith.constant 1400 : i32
    %dma_wait3A_1003 = arith.constant 0 : i32
    %dma_wait3A_1004 = tpu.memref_slice %arg2[%shift_right_arithmetic3A_128, %dma_wait3A_1001, %dma_wait3A_1002, %dma_wait3A_1003] : memref<64x1x4000x128xf32, #tpu.memory_space<hbm>> -> memref<1x1x200x128xf32, #tpu.memory_space<hbm>>
    tpu.wait_dma2 semaphore(%arg8 : memref<!tpu.dma_semaphore, #tpu.memory_space<semaphore_mem>>) src(%dma_wait3A_1004 : memref<1x1x200x128xf32, #tpu.memory_space<hbm>>) dst(%dma_wait3A_1000 : memref<1x1x200x128xf32, #tpu.memory_space<vmem_shared>>)
    %dma_start3A_1005 = arith.constant 0 : i32
    %dma_start3A_1006 = arith.constant 1400 : i32
    %dma_start3A_1007 = arith.constant 0 : i32
    %dma_start3A_1008 = tpu.memref_slice %arg3[%add3A_134, %dma_start3A_1005, %dma_start3A_1006, %dma_start3A_1007] : memref<64x1x4000x128xf32, #tpu.memory_space<hbm>> -> memref<1x1x200x128xf32, #tpu.memory_space<hbm>>
    %dma_start3A_1009 = arith.constant 3 : i32
    %dma_start3A_1010 = arith.constant 0 : i32
    %dma_start3A_1011 = arith.constant 0 : i32
    %dma_start3A_1012 = tpu.memref_slice %arg4[%arg1, %dma_start3A_1009, %dma_start3A_1010, %dma_start3A_1011] : memref<16x4x200x128xf32, #tpu.memory_space<vmem_shared>> -> memref<1x1x200x128xf32, #tpu.memory_space<vmem_shared>>
    tpu.enqueue_dma source(%dma_start3A_1012 : memref<1x1x200x128xf32, #tpu.memory_space<vmem_shared>>) target(%dma_start3A_1008 : memref<1x1x200x128xf32, #tpu.memory_space<hbm>>) target_semaphore(%arg12 : memref<!tpu.dma_semaphore, #tpu.memory_space<semaphore_mem>>)
    %dma_wait3A_1013 = arith.constant 0 : i32
    %dma_wait3A_1014 = arith.constant 1000 : i32
    %dma_wait3A_1015 = arith.constant 0 : i32
    %dma_wait3A_1016 = tpu.memref_slice %arg3[%add3A_134, %dma_wait3A_1013, %dma_wait3A_1014, %dma_wait3A_1015] : memref<64x1x4000x128xf32, #tpu.memory_space<hbm>> -> memref<1x1x200x128xf32, #tpu.memory_space<hbm>>
    %dma_wait3A_1017 = arith.constant 1 : i32
    %dma_wait3A_1018 = arith.constant 0 : i32
    %dma_wait3A_1019 = arith.constant 0 : i32
    %dma_wait3A_1020 = tpu.memref_slice %arg4[%arg1, %dma_wait3A_1017, %dma_wait3A_1018, %dma_wait3A_1019] : memref<16x4x200x128xf32, #tpu.memory_space<vmem_shared>> -> memref<1x1x200x128xf32, #tpu.memory_space<vmem_shared>>
    tpu.wait_dma2 semaphore(%arg10 : memref<!tpu.dma_semaphore, #tpu.memory_space<semaphore_mem>>) src(%dma_wait3A_1020 : memref<1x1x200x128xf32, #tpu.memory_space<vmem_shared>>) dst(%dma_wait3A_1016 : memref<1x1x200x128xf32, #tpu.memory_space<hbm>>)
    %dma_start3A_1021 = arith.constant 1 : i32
    %dma_start3A_1022 = arith.constant 0 : i32
    %dma_start3A_1023 = arith.constant 0 : i32
    %dma_start3A_1024 = tpu.memref_slice %arg4[%arg1, %dma_start3A_1021, %dma_start3A_1022, %dma_start3A_1023] : memref<16x4x200x128xf32, #tpu.memory_space<vmem_shared>> -> memref<1x1x200x128xf32, #tpu.memory_space<vmem_shared>>
    %dma_start3A_1025 = arith.constant 0 : i32
    %dma_start3A_1026 = arith.constant 1800 : i32
    %dma_start3A_1027 = arith.constant 0 : i32
    %dma_start3A_1028 = tpu.memref_slice %arg2[%shift_right_arithmetic3A_128, %dma_start3A_1025, %dma_start3A_1026, %dma_start3A_1027] : memref<64x1x4000x128xf32, #tpu.memory_space<hbm>> -> memref<1x1x200x128xf32, #tpu.memory_space<hbm>>
    tpu.enqueue_dma source(%dma_start3A_1028 : memref<1x1x200x128xf32, #tpu.memory_space<hbm>>) target(%dma_start3A_1024 : memref<1x1x200x128xf32, #tpu.memory_space<vmem_shared>>) target_semaphore(%arg6 : memref<!tpu.dma_semaphore, #tpu.memory_space<semaphore_mem>>)
    %dma_wait3A_1029 = arith.constant 0 : i32
    %dma_wait3A_1030 = arith.constant 0 : i32
    %dma_wait3A_1031 = arith.constant 0 : i32
    %dma_wait3A_1032 = tpu.memref_slice %arg4[%arg1, %dma_wait3A_1029, %dma_wait3A_1030, %dma_wait3A_1031] : memref<16x4x200x128xf32, #tpu.memory_space<vmem_shared>> -> memref<1x1x200x128xf32, #tpu.memory_space<vmem_shared>>
    %dma_wait3A_1033 = arith.constant 0 : i32
    %dma_wait3A_1034 = arith.constant 1600 : i32
    %dma_wait3A_1035 = arith.constant 0 : i32
    %dma_wait3A_1036 = tpu.memref_slice %arg2[%shift_right_arithmetic3A_128, %dma_wait3A_1033, %dma_wait3A_1034, %dma_wait3A_1035] : memref<64x1x4000x128xf32, #tpu.memory_space<hbm>> -> memref<1x1x200x128xf32, #tpu.memory_space<hbm>>
    tpu.wait_dma2 semaphore(%arg5 : memref<!tpu.dma_semaphore, #tpu.memory_space<semaphore_mem>>) src(%dma_wait3A_1036 : memref<1x1x200x128xf32, #tpu.memory_space<hbm>>) dst(%dma_wait3A_1032 : memref<1x1x200x128xf32, #tpu.memory_space<vmem_shared>>)
    %dma_start3A_1037 = arith.constant 0 : i32
    %dma_start3A_1038 = arith.constant 1600 : i32
    %dma_start3A_1039 = arith.constant 0 : i32
    %dma_start3A_1040 = tpu.memref_slice %arg3[%add3A_134, %dma_start3A_1037, %dma_start3A_1038, %dma_start3A_1039] : memref<64x1x4000x128xf32, #tpu.memory_space<hbm>> -> memref<1x1x200x128xf32, #tpu.memory_space<hbm>>
    %dma_start3A_1041 = arith.constant 0 : i32
    %dma_start3A_1042 = arith.constant 0 : i32
    %dma_start3A_1043 = arith.constant 0 : i32
    %dma_start3A_1044 = tpu.memref_slice %arg4[%arg1, %dma_start3A_1041, %dma_start3A_1042, %dma_start3A_1043] : memref<16x4x200x128xf32, #tpu.memory_space<vmem_shared>> -> memref<1x1x200x128xf32, #tpu.memory_space<vmem_shared>>
    tpu.enqueue_dma source(%dma_start3A_1044 : memref<1x1x200x128xf32, #tpu.memory_space<vmem_shared>>) target(%dma_start3A_1040 : memref<1x1x200x128xf32, #tpu.memory_space<hbm>>) target_semaphore(%arg9 : memref<!tpu.dma_semaphore, #tpu.memory_space<semaphore_mem>>)
    %dma_wait3A_1045 = arith.constant 0 : i32
    %dma_wait3A_1046 = arith.constant 1200 : i32
    %dma_wait3A_1047 = arith.constant 0 : i32
    %dma_wait3A_1048 = tpu.memref_slice %arg3[%add3A_134, %dma_wait3A_1045, %dma_wait3A_1046, %dma_wait3A_1047] : memref<64x1x4000x128xf32, #tpu.memory_space<hbm>> -> memref<1x1x200x128xf32, #tpu.memory_space<hbm>>
    %dma_wait3A_1049 = arith.constant 2 : i32
    %dma_wait3A_1050 = arith.constant 0 : i32
    %dma_wait3A_1051 = arith.constant 0 : i32
    %dma_wait3A_1052 = tpu.memref_slice %arg4[%arg1, %dma_wait3A_1049, %dma_wait3A_1050, %dma_wait3A_1051] : memref<16x4x200x128xf32, #tpu.memory_space<vmem_shared>> -> memref<1x1x200x128xf32, #tpu.memory_space<vmem_shared>>
    tpu.wait_dma2 semaphore(%arg11 : memref<!tpu.dma_semaphore, #tpu.memory_space<semaphore_mem>>) src(%dma_wait3A_1052 : memref<1x1x200x128xf32, #tpu.memory_space<vmem_shared>>) dst(%dma_wait3A_1048 : memref<1x1x200x128xf32, #tpu.memory_space<hbm>>)
    %dma_start3A_1053 = arith.constant 2 : i32
    %dma_start3A_1054 = arith.constant 0 : i32
    %dma_start3A_1055 = arith.constant 0 : i32
    %dma_start3A_1056 = tpu.memref_slice %arg4[%arg1, %dma_start3A_1053, %dma_start3A_1054, %dma_start3A_1055] : memref<16x4x200x128xf32, #tpu.memory_space<vmem_shared>> -> memref<1x1x200x128xf32, #tpu.memory_space<vmem_shared>>
    %dma_start3A_1057 = arith.constant 0 : i32
    %dma_start3A_1058 = arith.constant 2000 : i32
    %dma_start3A_1059 = arith.constant 0 : i32
    %dma_start3A_1060 = tpu.memref_slice %arg2[%shift_right_arithmetic3A_128, %dma_start3A_1057, %dma_start3A_1058, %dma_start3A_1059] : memref<64x1x4000x128xf32, #tpu.memory_space<hbm>> -> memref<1x1x200x128xf32, #tpu.memory_space<hbm>>
    tpu.enqueue_dma source(%dma_start3A_1060 : memref<1x1x200x128xf32, #tpu.memory_space<hbm>>) target(%dma_start3A_1056 : memref<1x1x200x128xf32, #tpu.memory_space<vmem_shared>>) target_semaphore(%arg7 : memref<!tpu.dma_semaphore, #tpu.memory_space<semaphore_mem>>)
    %dma_wait3A_1061 = arith.constant 1 : i32
    %dma_wait3A_1062 = arith.constant 0 : i32
    %dma_wait3A_1063 = arith.constant 0 : i32
    %dma_wait3A_1064 = tpu.memref_slice %arg4[%arg1, %dma_wait3A_1061, %dma_wait3A_1062, %dma_wait3A_1063] : memref<16x4x200x128xf32, #tpu.memory_space<vmem_shared>> -> memref<1x1x200x128xf32, #tpu.memory_space<vmem_shared>>
    %dma_wait3A_1065 = arith.constant 0 : i32
    %dma_wait3A_1066 = arith.constant 1800 : i32
    %dma_wait3A_1067 = arith.constant 0 : i32
    %dma_wait3A_1068 = tpu.memref_slice %arg2[%shift_right_arithmetic3A_128, %dma_wait3A_1065, %dma_wait3A_1066, %dma_wait3A_1067] : memref<64x1x4000x128xf32, #tpu.memory_space<hbm>> -> memref<1x1x200x128xf32, #tpu.memory_space<hbm>>
    tpu.wait_dma2 semaphore(%arg6 : memref<!tpu.dma_semaphore, #tpu.memory_space<semaphore_mem>>) src(%dma_wait3A_1068 : memref<1x1x200x128xf32, #tpu.memory_space<hbm>>) dst(%dma_wait3A_1064 : memref<1x1x200x128xf32, #tpu.memory_space<vmem_shared>>)
    %dma_start3A_1069 = arith.constant 0 : i32
    %dma_start3A_1070 = arith.constant 1800 : i32
    %dma_start3A_1071 = arith.constant 0 : i32
    %dma_start3A_1072 = tpu.memref_slice %arg3[%add3A_134, %dma_start3A_1069, %dma_start3A_1070, %dma_start3A_1071] : memref<64x1x4000x128xf32, #tpu.memory_space<hbm>> -> memref<1x1x200x128xf32, #tpu.memory_space<hbm>>
    %dma_start3A_1073 = arith.constant 1 : i32
    %dma_start3A_1074 = arith.constant 0 : i32
    %dma_start3A_1075 = arith.constant 0 : i32
    %dma_start3A_1076 = tpu.memref_slice %arg4[%arg1, %dma_start3A_1073, %dma_start3A_1074, %dma_start3A_1075] : memref<16x4x200x128xf32, #tpu.memory_space<vmem_shared>> -> memref<1x1x200x128xf32, #tpu.memory_space<vmem_shared>>
    tpu.enqueue_dma source(%dma_start3A_1076 : memref<1x1x200x128xf32, #tpu.memory_space<vmem_shared>>) target(%dma_start3A_1072 : memref<1x1x200x128xf32, #tpu.memory_space<hbm>>) target_semaphore(%arg10 : memref<!tpu.dma_semaphore, #tpu.memory_space<semaphore_mem>>)
    %dma_wait3A_1077 = arith.constant 0 : i32
    %dma_wait3A_1078 = arith.constant 1400 : i32
    %dma_wait3A_1079 = arith.constant 0 : i32
    %dma_wait3A_1080 = tpu.memref_slice %arg3[%add3A_134, %dma_wait3A_1077, %dma_wait3A_1078, %dma_wait3A_1079] : memref<64x1x4000x128xf32, #tpu.memory_space<hbm>> -> memref<1x1x200x128xf32, #tpu.memory_space<hbm>>
    %dma_wait3A_1081 = arith.constant 3 : i32
    %dma_wait3A_1082 = arith.constant 0 : i32
    %dma_wait3A_1083 = arith.constant 0 : i32
    %dma_wait3A_1084 = tpu.memref_slice %arg4[%arg1, %dma_wait3A_1081, %dma_wait3A_1082, %dma_wait3A_1083] : memref<16x4x200x128xf32, #tpu.memory_space<vmem_shared>> -> memref<1x1x200x128xf32, #tpu.memory_space<vmem_shared>>
    tpu.wait_dma2 semaphore(%arg12 : memref<!tpu.dma_semaphore, #tpu.memory_space<semaphore_mem>>) src(%dma_wait3A_1084 : memref<1x1x200x128xf32, #tpu.memory_space<vmem_shared>>) dst(%dma_wait3A_1080 : memref<1x1x200x128xf32, #tpu.memory_space<hbm>>)
    %dma_start3A_1085 = arith.constant 3 : i32
    %dma_start3A_1086 = arith.constant 0 : i32
    %dma_start3A_1087 = arith.constant 0 : i32
    %dma_start3A_1088 = tpu.memref_slice %arg4[%arg1, %dma_start3A_1085, %dma_start3A_1086, %dma_start3A_1087] : memref<16x4x200x128xf32, #tpu.memory_space<vmem_shared>> -> memref<1x1x200x128xf32, #tpu.memory_space<vmem_shared>>
    %dma_start3A_1089 = arith.constant 0 : i32
    %dma_start3A_1090 = arith.constant 2200 : i32
    %dma_start3A_1091 = arith.constant 0 : i32
    %dma_start3A_1092 = tpu.memref_slice %arg2[%shift_right_arithmetic3A_128, %dma_start3A_1089, %dma_start3A_1090, %dma_start3A_1091] : memref<64x1x4000x128xf32, #tpu.memory_space<hbm>> -> memref<1x1x200x128xf32, #tpu.memory_space<hbm>>
    tpu.enqueue_dma source(%dma_start3A_1092 : memref<1x1x200x128xf32, #tpu.memory_space<hbm>>) target(%dma_start3A_1088 : memref<1x1x200x128xf32, #tpu.memory_space<vmem_shared>>) target_semaphore(%arg8 : memref<!tpu.dma_semaphore, #tpu.memory_space<semaphore_mem>>)
    %dma_wait3A_1093 = arith.constant 2 : i32
    %dma_wait3A_1094 = arith.constant 0 : i32
    %dma_wait3A_1095 = arith.constant 0 : i32
    %dma_wait3A_1096 = tpu.memref_slice %arg4[%arg1, %dma_wait3A_1093, %dma_wait3A_1094, %dma_wait3A_1095] : memref<16x4x200x128xf32, #tpu.memory_space<vmem_shared>> -> memref<1x1x200x128xf32, #tpu.memory_space<vmem_shared>>
    %dma_wait3A_1097 = arith.constant 0 : i32
    %dma_wait3A_1098 = arith.constant 2000 : i32
    %dma_wait3A_1099 = arith.constant 0 : i32
    %dma_wait3A_1100 = tpu.memref_slice %arg2[%shift_right_arithmetic3A_128, %dma_wait3A_1097, %dma_wait3A_1098, %dma_wait3A_1099] : memref<64x1x4000x128xf32, #tpu.memory_space<hbm>> -> memref<1x1x200x128xf32, #tpu.memory_space<hbm>>
    tpu.wait_dma2 semaphore(%arg7 : memref<!tpu.dma_semaphore, #tpu.memory_space<semaphore_mem>>) src(%dma_wait3A_1100 : memref<1x1x200x128xf32, #tpu.memory_space<hbm>>) dst(%dma_wait3A_1096 : memref<1x1x200x128xf32, #tpu.memory_space<vmem_shared>>)
    %dma_start3A_1101 = arith.constant 0 : i32
    %dma_start3A_1102 = arith.constant 2000 : i32
    %dma_start3A_1103 = arith.constant 0 : i32
    %dma_start3A_1104 = tpu.memref_slice %arg3[%add3A_134, %dma_start3A_1101, %dma_start3A_1102, %dma_start3A_1103] : memref<64x1x4000x128xf32, #tpu.memory_space<hbm>> -> memref<1x1x200x128xf32, #tpu.memory_space<hbm>>
    %dma_start3A_1105 = arith.constant 2 : i32
    %dma_start3A_1106 = arith.constant 0 : i32
    %dma_start3A_1107 = arith.constant 0 : i32
    %dma_start3A_1108 = tpu.memref_slice %arg4[%arg1, %dma_start3A_1105, %dma_start3A_1106, %dma_start3A_1107] : memref<16x4x200x128xf32, #tpu.memory_space<vmem_shared>> -> memref<1x1x200x128xf32, #tpu.memory_space<vmem_shared>>
    tpu.enqueue_dma source(%dma_start3A_1108 : memref<1x1x200x128xf32, #tpu.memory_space<vmem_shared>>) target(%dma_start3A_1104 : memref<1x1x200x128xf32, #tpu.memory_space<hbm>>) target_semaphore(%arg11 : memref<!tpu.dma_semaphore, #tpu.memory_space<semaphore_mem>>)
    %dma_wait3A_1109 = arith.constant 0 : i32
    %dma_wait3A_1110 = arith.constant 1600 : i32
    %dma_wait3A_1111 = arith.constant 0 : i32
    %dma_wait3A_1112 = tpu.memref_slice %arg3[%add3A_134, %dma_wait3A_1109, %dma_wait3A_1110, %dma_wait3A_1111] : memref<64x1x4000x128xf32, #tpu.memory_space<hbm>> -> memref<1x1x200x128xf32, #tpu.memory_space<hbm>>
    %dma_wait3A_1113 = arith.constant 0 : i32
    %dma_wait3A_1114 = arith.constant 0 : i32
    %dma_wait3A_1115 = arith.constant 0 : i32
    %dma_wait3A_1116 = tpu.memref_slice %arg4[%arg1, %dma_wait3A_1113, %dma_wait3A_1114, %dma_wait3A_1115] : memref<16x4x200x128xf32, #tpu.memory_space<vmem_shared>> -> memref<1x1x200x128xf32, #tpu.memory_space<vmem_shared>>
    tpu.wait_dma2 semaphore(%arg9 : memref<!tpu.dma_semaphore, #tpu.memory_space<semaphore_mem>>) src(%dma_wait3A_1116 : memref<1x1x200x128xf32, #tpu.memory_space<vmem_shared>>) dst(%dma_wait3A_1112 : memref<1x1x200x128xf32, #tpu.memory_space<hbm>>)
    %dma_start3A_1117 = arith.constant 0 : i32
    %dma_start3A_1118 = arith.constant 0 : i32
    %dma_start3A_1119 = arith.constant 0 : i32
    %dma_start3A_1120 = tpu.memref_slice %arg4[%arg1, %dma_start3A_1117, %dma_start3A_1118, %dma_start3A_1119] : memref<16x4x200x128xf32, #tpu.memory_space<vmem_shared>> -> memref<1x1x200x128xf32, #tpu.memory_space<vmem_shared>>
    %dma_start3A_1121 = arith.constant 0 : i32
    %dma_start3A_1122 = arith.constant 2400 : i32
    %dma_start3A_1123 = arith.constant 0 : i32
    %dma_start3A_1124 = tpu.memref_slice %arg2[%shift_right_arithmetic3A_128, %dma_start3A_1121, %dma_start3A_1122, %dma_start3A_1123] : memref<64x1x4000x128xf32, #tpu.memory_space<hbm>> -> memref<1x1x200x128xf32, #tpu.memory_space<hbm>>
    tpu.enqueue_dma source(%dma_start3A_1124 : memref<1x1x200x128xf32, #tpu.memory_space<hbm>>) target(%dma_start3A_1120 : memref<1x1x200x128xf32, #tpu.memory_space<vmem_shared>>) target_semaphore(%arg5 : memref<!tpu.dma_semaphore, #tpu.memory_space<semaphore_mem>>)
    %dma_wait3A_1125 = arith.constant 3 : i32
    %dma_wait3A_1126 = arith.constant 0 : i32
    %dma_wait3A_1127 = arith.constant 0 : i32
    %dma_wait3A_1128 = tpu.memref_slice %arg4[%arg1, %dma_wait3A_1125, %dma_wait3A_1126, %dma_wait3A_1127] : memref<16x4x200x128xf32, #tpu.memory_space<vmem_shared>> -> memref<1x1x200x128xf32, #tpu.memory_space<vmem_shared>>
    %dma_wait3A_1129 = arith.constant 0 : i32
    %dma_wait3A_1130 = arith.constant 2200 : i32
    %dma_wait3A_1131 = arith.constant 0 : i32
    %dma_wait3A_1132 = tpu.memref_slice %arg2[%shift_right_arithmetic3A_128, %dma_wait3A_1129, %dma_wait3A_1130, %dma_wait3A_1131] : memref<64x1x4000x128xf32, #tpu.memory_space<hbm>> -> memref<1x1x200x128xf32, #tpu.memory_space<hbm>>
    tpu.wait_dma2 semaphore(%arg8 : memref<!tpu.dma_semaphore, #tpu.memory_space<semaphore_mem>>) src(%dma_wait3A_1132 : memref<1x1x200x128xf32, #tpu.memory_space<hbm>>) dst(%dma_wait3A_1128 : memref<1x1x200x128xf32, #tpu.memory_space<vmem_shared>>)
    %dma_start3A_1133 = arith.constant 0 : i32
    %dma_start3A_1134 = arith.constant 2200 : i32
    %dma_start3A_1135 = arith.constant 0 : i32
    %dma_start3A_1136 = tpu.memref_slice %arg3[%add3A_134, %dma_start3A_1133, %dma_start3A_1134, %dma_start3A_1135] : memref<64x1x4000x128xf32, #tpu.memory_space<hbm>> -> memref<1x1x200x128xf32, #tpu.memory_space<hbm>>
    %dma_start3A_1137 = arith.constant 3 : i32
    %dma_start3A_1138 = arith.constant 0 : i32
    %dma_start3A_1139 = arith.constant 0 : i32
    %dma_start3A_1140 = tpu.memref_slice %arg4[%arg1, %dma_start3A_1137, %dma_start3A_1138, %dma_start3A_1139] : memref<16x4x200x128xf32, #tpu.memory_space<vmem_shared>> -> memref<1x1x200x128xf32, #tpu.memory_space<vmem_shared>>
    tpu.enqueue_dma source(%dma_start3A_1140 : memref<1x1x200x128xf32, #tpu.memory_space<vmem_shared>>) target(%dma_start3A_1136 : memref<1x1x200x128xf32, #tpu.memory_space<hbm>>) target_semaphore(%arg12 : memref<!tpu.dma_semaphore, #tpu.memory_space<semaphore_mem>>)
    %dma_wait3A_1141 = arith.constant 0 : i32
    %dma_wait3A_1142 = arith.constant 1800 : i32
    %dma_wait3A_1143 = arith.constant 0 : i32
    %dma_wait3A_1144 = tpu.memref_slice %arg3[%add3A_134, %dma_wait3A_1141, %dma_wait3A_1142, %dma_wait3A_1143] : memref<64x1x4000x128xf32, #tpu.memory_space<hbm>> -> memref<1x1x200x128xf32, #tpu.memory_space<hbm>>
    %dma_wait3A_1145 = arith.constant 1 : i32
    %dma_wait3A_1146 = arith.constant 0 : i32
    %dma_wait3A_1147 = arith.constant 0 : i32
    %dma_wait3A_1148 = tpu.memref_slice %arg4[%arg1, %dma_wait3A_1145, %dma_wait3A_1146, %dma_wait3A_1147] : memref<16x4x200x128xf32, #tpu.memory_space<vmem_shared>> -> memref<1x1x200x128xf32, #tpu.memory_space<vmem_shared>>
    tpu.wait_dma2 semaphore(%arg10 : memref<!tpu.dma_semaphore, #tpu.memory_space<semaphore_mem>>) src(%dma_wait3A_1148 : memref<1x1x200x128xf32, #tpu.memory_space<vmem_shared>>) dst(%dma_wait3A_1144 : memref<1x1x200x128xf32, #tpu.memory_space<hbm>>)
    %dma_start3A_1149 = arith.constant 1 : i32
    %dma_start3A_1150 = arith.constant 0 : i32
    %dma_start3A_1151 = arith.constant 0 : i32
    %dma_start3A_1152 = tpu.memref_slice %arg4[%arg1, %dma_start3A_1149, %dma_start3A_1150, %dma_start3A_1151] : memref<16x4x200x128xf32, #tpu.memory_space<vmem_shared>> -> memref<1x1x200x128xf32, #tpu.memory_space<vmem_shared>>
    %dma_start3A_1153 = arith.constant 0 : i32
    %dma_start3A_1154 = arith.constant 2600 : i32
    %dma_start3A_1155 = arith.constant 0 : i32
    %dma_start3A_1156 = tpu.memref_slice %arg2[%shift_right_arithmetic3A_128, %dma_start3A_1153, %dma_start3A_1154, %dma_start3A_1155] : memref<64x1x4000x128xf32, #tpu.memory_space<hbm>> -> memref<1x1x200x128xf32, #tpu.memory_space<hbm>>
    tpu.enqueue_dma source(%dma_start3A_1156 : memref<1x1x200x128xf32, #tpu.memory_space<hbm>>) target(%dma_start3A_1152 : memref<1x1x200x128xf32, #tpu.memory_space<vmem_shared>>) target_semaphore(%arg6 : memref<!tpu.dma_semaphore, #tpu.memory_space<semaphore_mem>>)
    %dma_wait3A_1157 = arith.constant 0 : i32
    %dma_wait3A_1158 = arith.constant 0 : i32
    %dma_wait3A_1159 = arith.constant 0 : i32
    %dma_wait3A_1160 = tpu.memref_slice %arg4[%arg1, %dma_wait3A_1157, %dma_wait3A_1158, %dma_wait3A_1159] : memref<16x4x200x128xf32, #tpu.memory_space<vmem_shared>> -> memref<1x1x200x128xf32, #tpu.memory_space<vmem_shared>>
    %dma_wait3A_1161 = arith.constant 0 : i32
    %dma_wait3A_1162 = arith.constant 2400 : i32
    %dma_wait3A_1163 = arith.constant 0 : i32
    %dma_wait3A_1164 = tpu.memref_slice %arg2[%shift_right_arithmetic3A_128, %dma_wait3A_1161, %dma_wait3A_1162, %dma_wait3A_1163] : memref<64x1x4000x128xf32, #tpu.memory_space<hbm>> -> memref<1x1x200x128xf32, #tpu.memory_space<hbm>>
    tpu.wait_dma2 semaphore(%arg5 : memref<!tpu.dma_semaphore, #tpu.memory_space<semaphore_mem>>) src(%dma_wait3A_1164 : memref<1x1x200x128xf32, #tpu.memory_space<hbm>>) dst(%dma_wait3A_1160 : memref<1x1x200x128xf32, #tpu.memory_space<vmem_shared>>)
    %dma_start3A_1165 = arith.constant 0 : i32
    %dma_start3A_1166 = arith.constant 2400 : i32
    %dma_start3A_1167 = arith.constant 0 : i32
    %dma_start3A_1168 = tpu.memref_slice %arg3[%add3A_134, %dma_start3A_1165, %dma_start3A_1166, %dma_start3A_1167] : memref<64x1x4000x128xf32, #tpu.memory_space<hbm>> -> memref<1x1x200x128xf32, #tpu.memory_space<hbm>>
    %dma_start3A_1169 = arith.constant 0 : i32
    %dma_start3A_1170 = arith.constant 0 : i32
    %dma_start3A_1171 = arith.constant 0 : i32
    %dma_start3A_1172 = tpu.memref_slice %arg4[%arg1, %dma_start3A_1169, %dma_start3A_1170, %dma_start3A_1171] : memref<16x4x200x128xf32, #tpu.memory_space<vmem_shared>> -> memref<1x1x200x128xf32, #tpu.memory_space<vmem_shared>>
    tpu.enqueue_dma source(%dma_start3A_1172 : memref<1x1x200x128xf32, #tpu.memory_space<vmem_shared>>) target(%dma_start3A_1168 : memref<1x1x200x128xf32, #tpu.memory_space<hbm>>) target_semaphore(%arg9 : memref<!tpu.dma_semaphore, #tpu.memory_space<semaphore_mem>>)
    %dma_wait3A_1173 = arith.constant 0 : i32
    %dma_wait3A_1174 = arith.constant 2000 : i32
    %dma_wait3A_1175 = arith.constant 0 : i32
    %dma_wait3A_1176 = tpu.memref_slice %arg3[%add3A_134, %dma_wait3A_1173, %dma_wait3A_1174, %dma_wait3A_1175] : memref<64x1x4000x128xf32, #tpu.memory_space<hbm>> -> memref<1x1x200x128xf32, #tpu.memory_space<hbm>>
    %dma_wait3A_1177 = arith.constant 2 : i32
    %dma_wait3A_1178 = arith.constant 0 : i32
    %dma_wait3A_1179 = arith.constant 0 : i32
    %dma_wait3A_1180 = tpu.memref_slice %arg4[%arg1, %dma_wait3A_1177, %dma_wait3A_1178, %dma_wait3A_1179] : memref<16x4x200x128xf32, #tpu.memory_space<vmem_shared>> -> memref<1x1x200x128xf32, #tpu.memory_space<vmem_shared>>
    tpu.wait_dma2 semaphore(%arg11 : memref<!tpu.dma_semaphore, #tpu.memory_space<semaphore_mem>>) src(%dma_wait3A_1180 : memref<1x1x200x128xf32, #tpu.memory_space<vmem_shared>>) dst(%dma_wait3A_1176 : memref<1x1x200x128xf32, #tpu.memory_space<hbm>>)
    %dma_start3A_1181 = arith.constant 2 : i32
    %dma_start3A_1182 = arith.constant 0 : i32
    %dma_start3A_1183 = arith.constant 0 : i32
    %dma_start3A_1184 = tpu.memref_slice %arg4[%arg1, %dma_start3A_1181, %dma_start3A_1182, %dma_start3A_1183] : memref<16x4x200x128xf32, #tpu.memory_space<vmem_shared>> -> memref<1x1x200x128xf32, #tpu.memory_space<vmem_shared>>
    %dma_start3A_1185 = arith.constant 0 : i32
    %dma_start3A_1186 = arith.constant 2800 : i32
    %dma_start3A_1187 = arith.constant 0 : i32
    %dma_start3A_1188 = tpu.memref_slice %arg2[%shift_right_arithmetic3A_128, %dma_start3A_1185, %dma_start3A_1186, %dma_start3A_1187] : memref<64x1x4000x128xf32, #tpu.memory_space<hbm>> -> memref<1x1x200x128xf32, #tpu.memory_space<hbm>>
    tpu.enqueue_dma source(%dma_start3A_1188 : memref<1x1x200x128xf32, #tpu.memory_space<hbm>>) target(%dma_start3A_1184 : memref<1x1x200x128xf32, #tpu.memory_space<vmem_shared>>) target_semaphore(%arg7 : memref<!tpu.dma_semaphore, #tpu.memory_space<semaphore_mem>>)
    %dma_wait3A_1189 = arith.constant 1 : i32
    %dma_wait3A_1190 = arith.constant 0 : i32
    %dma_wait3A_1191 = arith.constant 0 : i32
    %dma_wait3A_1192 = tpu.memref_slice %arg4[%arg1, %dma_wait3A_1189, %dma_wait3A_1190, %dma_wait3A_1191] : memref<16x4x200x128xf32, #tpu.memory_space<vmem_shared>> -> memref<1x1x200x128xf32, #tpu.memory_space<vmem_shared>>
    %dma_wait3A_1193 = arith.constant 0 : i32
    %dma_wait3A_1194 = arith.constant 2600 : i32
    %dma_wait3A_1195 = arith.constant 0 : i32
    %dma_wait3A_1196 = tpu.memref_slice %arg2[%shift_right_arithmetic3A_128, %dma_wait3A_1193, %dma_wait3A_1194, %dma_wait3A_1195] : memref<64x1x4000x128xf32, #tpu.memory_space<hbm>> -> memref<1x1x200x128xf32, #tpu.memory_space<hbm>>
    tpu.wait_dma2 semaphore(%arg6 : memref<!tpu.dma_semaphore, #tpu.memory_space<semaphore_mem>>) src(%dma_wait3A_1196 : memref<1x1x200x128xf32, #tpu.memory_space<hbm>>) dst(%dma_wait3A_1192 : memref<1x1x200x128xf32, #tpu.memory_space<vmem_shared>>)
    %dma_start3A_1197 = arith.constant 0 : i32
    %dma_start3A_1198 = arith.constant 2600 : i32
    %dma_start3A_1199 = arith.constant 0 : i32
    %dma_start3A_1200 = tpu.memref_slice %arg3[%add3A_134, %dma_start3A_1197, %dma_start3A_1198, %dma_start3A_1199] : memref<64x1x4000x128xf32, #tpu.memory_space<hbm>> -> memref<1x1x200x128xf32, #tpu.memory_space<hbm>>
    %dma_start3A_1201 = arith.constant 1 : i32
    %dma_start3A_1202 = arith.constant 0 : i32
    %dma_start3A_1203 = arith.constant 0 : i32
    %dma_start3A_1204 = tpu.memref_slice %arg4[%arg1, %dma_start3A_1201, %dma_start3A_1202, %dma_start3A_1203] : memref<16x4x200x128xf32, #tpu.memory_space<vmem_shared>> -> memref<1x1x200x128xf32, #tpu.memory_space<vmem_shared>>
    tpu.enqueue_dma source(%dma_start3A_1204 : memref<1x1x200x128xf32, #tpu.memory_space<vmem_shared>>) target(%dma_start3A_1200 : memref<1x1x200x128xf32, #tpu.memory_space<hbm>>) target_semaphore(%arg10 : memref<!tpu.dma_semaphore, #tpu.memory_space<semaphore_mem>>)
    %dma_wait3A_1205 = arith.constant 0 : i32
    %dma_wait3A_1206 = arith.constant 2200 : i32
    %dma_wait3A_1207 = arith.constant 0 : i32
    %dma_wait3A_1208 = tpu.memref_slice %arg3[%add3A_134, %dma_wait3A_1205, %dma_wait3A_1206, %dma_wait3A_1207] : memref<64x1x4000x128xf32, #tpu.memory_space<hbm>> -> memref<1x1x200x128xf32, #tpu.memory_space<hbm>>
    %dma_wait3A_1209 = arith.constant 3 : i32
    %dma_wait3A_1210 = arith.constant 0 : i32
    %dma_wait3A_1211 = arith.constant 0 : i32
    %dma_wait3A_1212 = tpu.memref_slice %arg4[%arg1, %dma_wait3A_1209, %dma_wait3A_1210, %dma_wait3A_1211] : memref<16x4x200x128xf32, #tpu.memory_space<vmem_shared>> -> memref<1x1x200x128xf32, #tpu.memory_space<vmem_shared>>
    tpu.wait_dma2 semaphore(%arg12 : memref<!tpu.dma_semaphore, #tpu.memory_space<semaphore_mem>>) src(%dma_wait3A_1212 : memref<1x1x200x128xf32, #tpu.memory_space<vmem_shared>>) dst(%dma_wait3A_1208 : memref<1x1x200x128xf32, #tpu.memory_space<hbm>>)
    %dma_start3A_1213 = arith.constant 3 : i32
    %dma_start3A_1214 = arith.constant 0 : i32
    %dma_start3A_1215 = arith.constant 0 : i32
    %dma_start3A_1216 = tpu.memref_slice %arg4[%arg1, %dma_start3A_1213, %dma_start3A_1214, %dma_start3A_1215] : memref<16x4x200x128xf32, #tpu.memory_space<vmem_shared>> -> memref<1x1x200x128xf32, #tpu.memory_space<vmem_shared>>
    %dma_start3A_1217 = arith.constant 0 : i32
    %dma_start3A_1218 = arith.constant 3000 : i32
    %dma_start3A_1219 = arith.constant 0 : i32
    %dma_start3A_1220 = tpu.memref_slice %arg2[%shift_right_arithmetic3A_128, %dma_start3A_1217, %dma_start3A_1218, %dma_start3A_1219] : memref<64x1x4000x128xf32, #tpu.memory_space<hbm>> -> memref<1x1x200x128xf32, #tpu.memory_space<hbm>>
    tpu.enqueue_dma source(%dma_start3A_1220 : memref<1x1x200x128xf32, #tpu.memory_space<hbm>>) target(%dma_start3A_1216 : memref<1x1x200x128xf32, #tpu.memory_space<vmem_shared>>) target_semaphore(%arg8 : memref<!tpu.dma_semaphore, #tpu.memory_space<semaphore_mem>>)
    %dma_wait3A_1221 = arith.constant 2 : i32
    %dma_wait3A_1222 = arith.constant 0 : i32
    %dma_wait3A_1223 = arith.constant 0 : i32
    %dma_wait3A_1224 = tpu.memref_slice %arg4[%arg1, %dma_wait3A_1221, %dma_wait3A_1222, %dma_wait3A_1223] : memref<16x4x200x128xf32, #tpu.memory_space<vmem_shared>> -> memref<1x1x200x128xf32, #tpu.memory_space<vmem_shared>>
    %dma_wait3A_1225 = arith.constant 0 : i32
    %dma_wait3A_1226 = arith.constant 2800 : i32
    %dma_wait3A_1227 = arith.constant 0 : i32
    %dma_wait3A_1228 = tpu.memref_slice %arg2[%shift_right_arithmetic3A_128, %dma_wait3A_1225, %dma_wait3A_1226, %dma_wait3A_1227] : memref<64x1x4000x128xf32, #tpu.memory_space<hbm>> -> memref<1x1x200x128xf32, #tpu.memory_space<hbm>>
    tpu.wait_dma2 semaphore(%arg7 : memref<!tpu.dma_semaphore, #tpu.memory_space<semaphore_mem>>) src(%dma_wait3A_1228 : memref<1x1x200x128xf32, #tpu.memory_space<hbm>>) dst(%dma_wait3A_1224 : memref<1x1x200x128xf32, #tpu.memory_space<vmem_shared>>)
    %dma_start3A_1229 = arith.constant 0 : i32
    %dma_start3A_1230 = arith.constant 2800 : i32
    %dma_start3A_1231 = arith.constant 0 : i32
    %dma_start3A_1232 = tpu.memref_slice %arg3[%add3A_134, %dma_start3A_1229, %dma_start3A_1230, %dma_start3A_1231] : memref<64x1x4000x128xf32, #tpu.memory_space<hbm>> -> memref<1x1x200x128xf32, #tpu.memory_space<hbm>>
    %dma_start3A_1233 = arith.constant 2 : i32
    %dma_start3A_1234 = arith.constant 0 : i32
    %dma_start3A_1235 = arith.constant 0 : i32
    %dma_start3A_1236 = tpu.memref_slice %arg4[%arg1, %dma_start3A_1233, %dma_start3A_1234, %dma_start3A_1235] : memref<16x4x200x128xf32, #tpu.memory_space<vmem_shared>> -> memref<1x1x200x128xf32, #tpu.memory_space<vmem_shared>>
    tpu.enqueue_dma source(%dma_start3A_1236 : memref<1x1x200x128xf32, #tpu.memory_space<vmem_shared>>) target(%dma_start3A_1232 : memref<1x1x200x128xf32, #tpu.memory_space<hbm>>) target_semaphore(%arg11 : memref<!tpu.dma_semaphore, #tpu.memory_space<semaphore_mem>>)
    %dma_wait3A_1237 = arith.constant 0 : i32
    %dma_wait3A_1238 = arith.constant 2400 : i32
    %dma_wait3A_1239 = arith.constant 0 : i32
    %dma_wait3A_1240 = tpu.memref_slice %arg3[%add3A_134, %dma_wait3A_1237, %dma_wait3A_1238, %dma_wait3A_1239] : memref<64x1x4000x128xf32, #tpu.memory_space<hbm>> -> memref<1x1x200x128xf32, #tpu.memory_space<hbm>>
    %dma_wait3A_1241 = arith.constant 0 : i32
    %dma_wait3A_1242 = arith.constant 0 : i32
    %dma_wait3A_1243 = arith.constant 0 : i32
    %dma_wait3A_1244 = tpu.memref_slice %arg4[%arg1, %dma_wait3A_1241, %dma_wait3A_1242, %dma_wait3A_1243] : memref<16x4x200x128xf32, #tpu.memory_space<vmem_shared>> -> memref<1x1x200x128xf32, #tpu.memory_space<vmem_shared>>
    tpu.wait_dma2 semaphore(%arg9 : memref<!tpu.dma_semaphore, #tpu.memory_space<semaphore_mem>>) src(%dma_wait3A_1244 : memref<1x1x200x128xf32, #tpu.memory_space<vmem_shared>>) dst(%dma_wait3A_1240 : memref<1x1x200x128xf32, #tpu.memory_space<hbm>>)
    %dma_start3A_1245 = arith.constant 0 : i32
    %dma_start3A_1246 = arith.constant 0 : i32
    %dma_start3A_1247 = arith.constant 0 : i32
    %dma_start3A_1248 = tpu.memref_slice %arg4[%arg1, %dma_start3A_1245, %dma_start3A_1246, %dma_start3A_1247] : memref<16x4x200x128xf32, #tpu.memory_space<vmem_shared>> -> memref<1x1x200x128xf32, #tpu.memory_space<vmem_shared>>
    %dma_start3A_1249 = arith.constant 0 : i32
    %dma_start3A_1250 = arith.constant 3200 : i32
    %dma_start3A_1251 = arith.constant 0 : i32
    %dma_start3A_1252 = tpu.memref_slice %arg2[%shift_right_arithmetic3A_128, %dma_start3A_1249, %dma_start3A_1250, %dma_start3A_1251] : memref<64x1x4000x128xf32, #tpu.memory_space<hbm>> -> memref<1x1x200x128xf32, #tpu.memory_space<hbm>>
    tpu.enqueue_dma source(%dma_start3A_1252 : memref<1x1x200x128xf32, #tpu.memory_space<hbm>>) target(%dma_start3A_1248 : memref<1x1x200x128xf32, #tpu.memory_space<vmem_shared>>) target_semaphore(%arg5 : memref<!tpu.dma_semaphore, #tpu.memory_space<semaphore_mem>>)
    %dma_wait3A_1253 = arith.constant 3 : i32
    %dma_wait3A_1254 = arith.constant 0 : i32
    %dma_wait3A_1255 = arith.constant 0 : i32
    %dma_wait3A_1256 = tpu.memref_slice %arg4[%arg1, %dma_wait3A_1253, %dma_wait3A_1254, %dma_wait3A_1255] : memref<16x4x200x128xf32, #tpu.memory_space<vmem_shared>> -> memref<1x1x200x128xf32, #tpu.memory_space<vmem_shared>>
    %dma_wait3A_1257 = arith.constant 0 : i32
    %dma_wait3A_1258 = arith.constant 3000 : i32
    %dma_wait3A_1259 = arith.constant 0 : i32
    %dma_wait3A_1260 = tpu.memref_slice %arg2[%shift_right_arithmetic3A_128, %dma_wait3A_1257, %dma_wait3A_1258, %dma_wait3A_1259] : memref<64x1x4000x128xf32, #tpu.memory_space<hbm>> -> memref<1x1x200x128xf32, #tpu.memory_space<hbm>>
    tpu.wait_dma2 semaphore(%arg8 : memref<!tpu.dma_semaphore, #tpu.memory_space<semaphore_mem>>) src(%dma_wait3A_1260 : memref<1x1x200x128xf32, #tpu.memory_space<hbm>>) dst(%dma_wait3A_1256 : memref<1x1x200x128xf32, #tpu.memory_space<vmem_shared>>)
    %dma_start3A_1261 = arith.constant 0 : i32
    %dma_start3A_1262 = arith.constant 3000 : i32
    %dma_start3A_1263 = arith.constant 0 : i32
    %dma_start3A_1264 = tpu.memref_slice %arg3[%add3A_134, %dma_start3A_1261, %dma_start3A_1262, %dma_start3A_1263] : memref<64x1x4000x128xf32, #tpu.memory_space<hbm>> -> memref<1x1x200x128xf32, #tpu.memory_space<hbm>>
    %dma_start3A_1265 = arith.constant 3 : i32
    %dma_start3A_1266 = arith.constant 0 : i32
    %dma_start3A_1267 = arith.constant 0 : i32
    %dma_start3A_1268 = tpu.memref_slice %arg4[%arg1, %dma_start3A_1265, %dma_start3A_1266, %dma_start3A_1267] : memref<16x4x200x128xf32, #tpu.memory_space<vmem_shared>> -> memref<1x1x200x128xf32, #tpu.memory_space<vmem_shared>>
    tpu.enqueue_dma source(%dma_start3A_1268 : memref<1x1x200x128xf32, #tpu.memory_space<vmem_shared>>) target(%dma_start3A_1264 : memref<1x1x200x128xf32, #tpu.memory_space<hbm>>) target_semaphore(%arg12 : memref<!tpu.dma_semaphore, #tpu.memory_space<semaphore_mem>>)
    %dma_wait3A_1269 = arith.constant 0 : i32
    %dma_wait3A_1270 = arith.constant 2600 : i32
    %dma_wait3A_1271 = arith.constant 0 : i32
    %dma_wait3A_1272 = tpu.memref_slice %arg3[%add3A_134, %dma_wait3A_1269, %dma_wait3A_1270, %dma_wait3A_1271] : memref<64x1x4000x128xf32, #tpu.memory_space<hbm>> -> memref<1x1x200x128xf32, #tpu.memory_space<hbm>>
    %dma_wait3A_1273 = arith.constant 1 : i32
    %dma_wait3A_1274 = arith.constant 0 : i32
    %dma_wait3A_1275 = arith.constant 0 : i32
    %dma_wait3A_1276 = tpu.memref_slice %arg4[%arg1, %dma_wait3A_1273, %dma_wait3A_1274, %dma_wait3A_1275] : memref<16x4x200x128xf32, #tpu.memory_space<vmem_shared>> -> memref<1x1x200x128xf32, #tpu.memory_space<vmem_shared>>
    tpu.wait_dma2 semaphore(%arg10 : memref<!tpu.dma_semaphore, #tpu.memory_space<semaphore_mem>>) src(%dma_wait3A_1276 : memref<1x1x200x128xf32, #tpu.memory_space<vmem_shared>>) dst(%dma_wait3A_1272 : memref<1x1x200x128xf32, #tpu.memory_space<hbm>>)
    %dma_start3A_1277 = arith.constant 1 : i32
    %dma_start3A_1278 = arith.constant 0 : i32
    %dma_start3A_1279 = arith.constant 0 : i32
    %dma_start3A_1280 = tpu.memref_slice %arg4[%arg1, %dma_start3A_1277, %dma_start3A_1278, %dma_start3A_1279] : memref<16x4x200x128xf32, #tpu.memory_space<vmem_shared>> -> memref<1x1x200x128xf32, #tpu.memory_space<vmem_shared>>
    %dma_start3A_1281 = arith.constant 0 : i32
    %dma_start3A_1282 = arith.constant 3400 : i32
    %dma_start3A_1283 = arith.constant 0 : i32
    %dma_start3A_1284 = tpu.memref_slice %arg2[%shift_right_arithmetic3A_128, %dma_start3A_1281, %dma_start3A_1282, %dma_start3A_1283] : memref<64x1x4000x128xf32, #tpu.memory_space<hbm>> -> memref<1x1x200x128xf32, #tpu.memory_space<hbm>>
    tpu.enqueue_dma source(%dma_start3A_1284 : memref<1x1x200x128xf32, #tpu.memory_space<hbm>>) target(%dma_start3A_1280 : memref<1x1x200x128xf32, #tpu.memory_space<vmem_shared>>) target_semaphore(%arg6 : memref<!tpu.dma_semaphore, #tpu.memory_space<semaphore_mem>>)
    %dma_wait3A_1285 = arith.constant 0 : i32
    %dma_wait3A_1286 = arith.constant 0 : i32
    %dma_wait3A_1287 = arith.constant 0 : i32
    %dma_wait3A_1288 = tpu.memref_slice %arg4[%arg1, %dma_wait3A_1285, %dma_wait3A_1286, %dma_wait3A_1287] : memref<16x4x200x128xf32, #tpu.memory_space<vmem_shared>> -> memref<1x1x200x128xf32, #tpu.memory_space<vmem_shared>>
    %dma_wait3A_1289 = arith.constant 0 : i32
    %dma_wait3A_1290 = arith.constant 3200 : i32
    %dma_wait3A_1291 = arith.constant 0 : i32
    %dma_wait3A_1292 = tpu.memref_slice %arg2[%shift_right_arithmetic3A_128, %dma_wait3A_1289, %dma_wait3A_1290, %dma_wait3A_1291] : memref<64x1x4000x128xf32, #tpu.memory_space<hbm>> -> memref<1x1x200x128xf32, #tpu.memory_space<hbm>>
    tpu.wait_dma2 semaphore(%arg5 : memref<!tpu.dma_semaphore, #tpu.memory_space<semaphore_mem>>) src(%dma_wait3A_1292 : memref<1x1x200x128xf32, #tpu.memory_space<hbm>>) dst(%dma_wait3A_1288 : memref<1x1x200x128xf32, #tpu.memory_space<vmem_shared>>)
    %dma_start3A_1293 = arith.constant 0 : i32
    %dma_start3A_1294 = arith.constant 3200 : i32
    %dma_start3A_1295 = arith.constant 0 : i32
    %dma_start3A_1296 = tpu.memref_slice %arg3[%add3A_134, %dma_start3A_1293, %dma_start3A_1294, %dma_start3A_1295] : memref<64x1x4000x128xf32, #tpu.memory_space<hbm>> -> memref<1x1x200x128xf32, #tpu.memory_space<hbm>>
    %dma_start3A_1297 = arith.constant 0 : i32
    %dma_start3A_1298 = arith.constant 0 : i32
    %dma_start3A_1299 = arith.constant 0 : i32
    %dma_start3A_1300 = tpu.memref_slice %arg4[%arg1, %dma_start3A_1297, %dma_start3A_1298, %dma_start3A_1299] : memref<16x4x200x128xf32, #tpu.memory_space<vmem_shared>> -> memref<1x1x200x128xf32, #tpu.memory_space<vmem_shared>>
    tpu.enqueue_dma source(%dma_start3A_1300 : memref<1x1x200x128xf32, #tpu.memory_space<vmem_shared>>) target(%dma_start3A_1296 : memref<1x1x200x128xf32, #tpu.memory_space<hbm>>) target_semaphore(%arg9 : memref<!tpu.dma_semaphore, #tpu.memory_space<semaphore_mem>>)
    %dma_wait3A_1301 = arith.constant 0 : i32
    %dma_wait3A_1302 = arith.constant 2800 : i32
    %dma_wait3A_1303 = arith.constant 0 : i32
    %dma_wait3A_1304 = tpu.memref_slice %arg3[%add3A_134, %dma_wait3A_1301, %dma_wait3A_1302, %dma_wait3A_1303] : memref<64x1x4000x128xf32, #tpu.memory_space<hbm>> -> memref<1x1x200x128xf32, #tpu.memory_space<hbm>>
    %dma_wait3A_1305 = arith.constant 2 : i32
    %dma_wait3A_1306 = arith.constant 0 : i32
    %dma_wait3A_1307 = arith.constant 0 : i32
    %dma_wait3A_1308 = tpu.memref_slice %arg4[%arg1, %dma_wait3A_1305, %dma_wait3A_1306, %dma_wait3A_1307] : memref<16x4x200x128xf32, #tpu.memory_space<vmem_shared>> -> memref<1x1x200x128xf32, #tpu.memory_space<vmem_shared>>
    tpu.wait_dma2 semaphore(%arg11 : memref<!tpu.dma_semaphore, #tpu.memory_space<semaphore_mem>>) src(%dma_wait3A_1308 : memref<1x1x200x128xf32, #tpu.memory_space<vmem_shared>>) dst(%dma_wait3A_1304 : memref<1x1x200x128xf32, #tpu.memory_space<hbm>>)
    %dma_start3A_1309 = arith.constant 2 : i32
    %dma_start3A_1310 = arith.constant 0 : i32
    %dma_start3A_1311 = arith.constant 0 : i32
    %dma_start3A_1312 = tpu.memref_slice %arg4[%arg1, %dma_start3A_1309, %dma_start3A_1310, %dma_start3A_1311] : memref<16x4x200x128xf32, #tpu.memory_space<vmem_shared>> -> memref<1x1x200x128xf32, #tpu.memory_space<vmem_shared>>
    %dma_start3A_1313 = arith.constant 0 : i32
    %dma_start3A_1314 = arith.constant 3600 : i32
    %dma_start3A_1315 = arith.constant 0 : i32
    %dma_start3A_1316 = tpu.memref_slice %arg2[%shift_right_arithmetic3A_128, %dma_start3A_1313, %dma_start3A_1314, %dma_start3A_1315] : memref<64x1x4000x128xf32, #tpu.memory_space<hbm>> -> memref<1x1x200x128xf32, #tpu.memory_space<hbm>>
    tpu.enqueue_dma source(%dma_start3A_1316 : memref<1x1x200x128xf32, #tpu.memory_space<hbm>>) target(%dma_start3A_1312 : memref<1x1x200x128xf32, #tpu.memory_space<vmem_shared>>) target_semaphore(%arg7 : memref<!tpu.dma_semaphore, #tpu.memory_space<semaphore_mem>>)
    %dma_wait3A_1317 = arith.constant 1 : i32
    %dma_wait3A_1318 = arith.constant 0 : i32
    %dma_wait3A_1319 = arith.constant 0 : i32
    %dma_wait3A_1320 = tpu.memref_slice %arg4[%arg1, %dma_wait3A_1317, %dma_wait3A_1318, %dma_wait3A_1319] : memref<16x4x200x128xf32, #tpu.memory_space<vmem_shared>> -> memref<1x1x200x128xf32, #tpu.memory_space<vmem_shared>>
    %dma_wait3A_1321 = arith.constant 0 : i32
    %dma_wait3A_1322 = arith.constant 3400 : i32
    %dma_wait3A_1323 = arith.constant 0 : i32
    %dma_wait3A_1324 = tpu.memref_slice %arg2[%shift_right_arithmetic3A_128, %dma_wait3A_1321, %dma_wait3A_1322, %dma_wait3A_1323] : memref<64x1x4000x128xf32, #tpu.memory_space<hbm>> -> memref<1x1x200x128xf32, #tpu.memory_space<hbm>>
    tpu.wait_dma2 semaphore(%arg6 : memref<!tpu.dma_semaphore, #tpu.memory_space<semaphore_mem>>) src(%dma_wait3A_1324 : memref<1x1x200x128xf32, #tpu.memory_space<hbm>>) dst(%dma_wait3A_1320 : memref<1x1x200x128xf32, #tpu.memory_space<vmem_shared>>)
    %dma_start3A_1325 = arith.constant 0 : i32
    %dma_start3A_1326 = arith.constant 3400 : i32
    %dma_start3A_1327 = arith.constant 0 : i32
    %dma_start3A_1328 = tpu.memref_slice %arg3[%add3A_134, %dma_start3A_1325, %dma_start3A_1326, %dma_start3A_1327] : memref<64x1x4000x128xf32, #tpu.memory_space<hbm>> -> memref<1x1x200x128xf32, #tpu.memory_space<hbm>>
    %dma_start3A_1329 = arith.constant 1 : i32
    %dma_start3A_1330 = arith.constant 0 : i32
    %dma_start3A_1331 = arith.constant 0 : i32
    %dma_start3A_1332 = tpu.memref_slice %arg4[%arg1, %dma_start3A_1329, %dma_start3A_1330, %dma_start3A_1331] : memref<16x4x200x128xf32, #tpu.memory_space<vmem_shared>> -> memref<1x1x200x128xf32, #tpu.memory_space<vmem_shared>>
    tpu.enqueue_dma source(%dma_start3A_1332 : memref<1x1x200x128xf32, #tpu.memory_space<vmem_shared>>) target(%dma_start3A_1328 : memref<1x1x200x128xf32, #tpu.memory_space<hbm>>) target_semaphore(%arg10 : memref<!tpu.dma_semaphore, #tpu.memory_space<semaphore_mem>>)
    %dma_wait3A_1333 = arith.constant 0 : i32
    %dma_wait3A_1334 = arith.constant 3000 : i32
    %dma_wait3A_1335 = arith.constant 0 : i32
    %dma_wait3A_1336 = tpu.memref_slice %arg3[%add3A_134, %dma_wait3A_1333, %dma_wait3A_1334, %dma_wait3A_1335] : memref<64x1x4000x128xf32, #tpu.memory_space<hbm>> -> memref<1x1x200x128xf32, #tpu.memory_space<hbm>>
    %dma_wait3A_1337 = arith.constant 3 : i32
    %dma_wait3A_1338 = arith.constant 0 : i32
    %dma_wait3A_1339 = arith.constant 0 : i32
    %dma_wait3A_1340 = tpu.memref_slice %arg4[%arg1, %dma_wait3A_1337, %dma_wait3A_1338, %dma_wait3A_1339] : memref<16x4x200x128xf32, #tpu.memory_space<vmem_shared>> -> memref<1x1x200x128xf32, #tpu.memory_space<vmem_shared>>
    tpu.wait_dma2 semaphore(%arg12 : memref<!tpu.dma_semaphore, #tpu.memory_space<semaphore_mem>>) src(%dma_wait3A_1340 : memref<1x1x200x128xf32, #tpu.memory_space<vmem_shared>>) dst(%dma_wait3A_1336 : memref<1x1x200x128xf32, #tpu.memory_space<hbm>>)
    %dma_start3A_1341 = arith.constant 3 : i32
    %dma_start3A_1342 = arith.constant 0 : i32
    %dma_start3A_1343 = arith.constant 0 : i32
    %dma_start3A_1344 = tpu.memref_slice %arg4[%arg1, %dma_start3A_1341, %dma_start3A_1342, %dma_start3A_1343] : memref<16x4x200x128xf32, #tpu.memory_space<vmem_shared>> -> memref<1x1x200x128xf32, #tpu.memory_space<vmem_shared>>
    %dma_start3A_1345 = arith.constant 0 : i32
    %dma_start3A_1346 = arith.constant 3800 : i32
    %dma_start3A_1347 = arith.constant 0 : i32
    %dma_start3A_1348 = tpu.memref_slice %arg2[%shift_right_arithmetic3A_128, %dma_start3A_1345, %dma_start3A_1346, %dma_start3A_1347] : memref<64x1x4000x128xf32, #tpu.memory_space<hbm>> -> memref<1x1x200x128xf32, #tpu.memory_space<hbm>>
    tpu.enqueue_dma source(%dma_start3A_1348 : memref<1x1x200x128xf32, #tpu.memory_space<hbm>>) target(%dma_start3A_1344 : memref<1x1x200x128xf32, #tpu.memory_space<vmem_shared>>) target_semaphore(%arg8 : memref<!tpu.dma_semaphore, #tpu.memory_space<semaphore_mem>>)
    %dma_wait3A_1349 = arith.constant 2 : i32
    %dma_wait3A_1350 = arith.constant 0 : i32
    %dma_wait3A_1351 = arith.constant 0 : i32
    %dma_wait3A_1352 = tpu.memref_slice %arg4[%arg1, %dma_wait3A_1349, %dma_wait3A_1350, %dma_wait3A_1351] : memref<16x4x200x128xf32, #tpu.memory_space<vmem_shared>> -> memref<1x1x200x128xf32, #tpu.memory_space<vmem_shared>>
    %dma_wait3A_1353 = arith.constant 0 : i32
    %dma_wait3A_1354 = arith.constant 3600 : i32
    %dma_wait3A_1355 = arith.constant 0 : i32
    %dma_wait3A_1356 = tpu.memref_slice %arg2[%shift_right_arithmetic3A_128, %dma_wait3A_1353, %dma_wait3A_1354, %dma_wait3A_1355] : memref<64x1x4000x128xf32, #tpu.memory_space<hbm>> -> memref<1x1x200x128xf32, #tpu.memory_space<hbm>>
    tpu.wait_dma2 semaphore(%arg7 : memref<!tpu.dma_semaphore, #tpu.memory_space<semaphore_mem>>) src(%dma_wait3A_1356 : memref<1x1x200x128xf32, #tpu.memory_space<hbm>>) dst(%dma_wait3A_1352 : memref<1x1x200x128xf32, #tpu.memory_space<vmem_shared>>)
    %dma_start3A_1357 = arith.constant 0 : i32
    %dma_start3A_1358 = arith.constant 3600 : i32
    %dma_start3A_1359 = arith.constant 0 : i32
    %dma_start3A_1360 = tpu.memref_slice %arg3[%add3A_134, %dma_start3A_1357, %dma_start3A_1358, %dma_start3A_1359] : memref<64x1x4000x128xf32, #tpu.memory_space<hbm>> -> memref<1x1x200x128xf32, #tpu.memory_space<hbm>>
    %dma_start3A_1361 = arith.constant 2 : i32
    %dma_start3A_1362 = arith.constant 0 : i32
    %dma_start3A_1363 = arith.constant 0 : i32
    %dma_start3A_1364 = tpu.memref_slice %arg4[%arg1, %dma_start3A_1361, %dma_start3A_1362, %dma_start3A_1363] : memref<16x4x200x128xf32, #tpu.memory_space<vmem_shared>> -> memref<1x1x200x128xf32, #tpu.memory_space<vmem_shared>>
    tpu.enqueue_dma source(%dma_start3A_1364 : memref<1x1x200x128xf32, #tpu.memory_space<vmem_shared>>) target(%dma_start3A_1360 : memref<1x1x200x128xf32, #tpu.memory_space<hbm>>) target_semaphore(%arg11 : memref<!tpu.dma_semaphore, #tpu.memory_space<semaphore_mem>>)
    %dma_wait3A_1365 = arith.constant 3 : i32
    %dma_wait3A_1366 = arith.constant 0 : i32
    %dma_wait3A_1367 = arith.constant 0 : i32
    %dma_wait3A_1368 = tpu.memref_slice %arg4[%arg1, %dma_wait3A_1365, %dma_wait3A_1366, %dma_wait3A_1367] : memref<16x4x200x128xf32, #tpu.memory_space<vmem_shared>> -> memref<1x1x200x128xf32, #tpu.memory_space<vmem_shared>>
    %dma_wait3A_1369 = arith.constant 0 : i32
    %dma_wait3A_1370 = arith.constant 3800 : i32
    %dma_wait3A_1371 = arith.constant 0 : i32
    %dma_wait3A_1372 = tpu.memref_slice %arg2[%shift_right_arithmetic3A_128, %dma_wait3A_1369, %dma_wait3A_1370, %dma_wait3A_1371] : memref<64x1x4000x128xf32, #tpu.memory_space<hbm>> -> memref<1x1x200x128xf32, #tpu.memory_space<hbm>>
    tpu.wait_dma2 semaphore(%arg8 : memref<!tpu.dma_semaphore, #tpu.memory_space<semaphore_mem>>) src(%dma_wait3A_1372 : memref<1x1x200x128xf32, #tpu.memory_space<hbm>>) dst(%dma_wait3A_1368 : memref<1x1x200x128xf32, #tpu.memory_space<vmem_shared>>)
    %dma_start3A_1373 = arith.constant 0 : i32
    %dma_start3A_1374 = arith.constant 3800 : i32
    %dma_start3A_1375 = arith.constant 0 : i32
    %dma_start3A_1376 = tpu.memref_slice %arg3[%add3A_134, %dma_start3A_1373, %dma_start3A_1374, %dma_start3A_1375] : memref<64x1x4000x128xf32, #tpu.memory_space<hbm>> -> memref<1x1x200x128xf32, #tpu.memory_space<hbm>>
    %dma_start3A_1377 = arith.constant 3 : i32
    %dma_start3A_1378 = arith.constant 0 : i32
    %dma_start3A_1379 = arith.constant 0 : i32
    %dma_start3A_1380 = tpu.memref_slice %arg4[%arg1, %dma_start3A_1377, %dma_start3A_1378, %dma_start3A_1379] : memref<16x4x200x128xf32, #tpu.memory_space<vmem_shared>> -> memref<1x1x200x128xf32, #tpu.memory_space<vmem_shared>>
    tpu.enqueue_dma source(%dma_start3A_1380 : memref<1x1x200x128xf32, #tpu.memory_space<vmem_shared>>) target(%dma_start3A_1376 : memref<1x1x200x128xf32, #tpu.memory_space<hbm>>) target_semaphore(%arg12 : memref<!tpu.dma_semaphore, #tpu.memory_space<semaphore_mem>>)
    %dma_wait3A_1381 = arith.constant 0 : i32
    %dma_wait3A_1382 = arith.constant 3200 : i32
    %dma_wait3A_1383 = arith.constant 0 : i32
    %dma_wait3A_1384 = tpu.memref_slice %arg3[%add3A_134, %dma_wait3A_1381, %dma_wait3A_1382, %dma_wait3A_1383] : memref<64x1x4000x128xf32, #tpu.memory_space<hbm>> -> memref<1x1x200x128xf32, #tpu.memory_space<hbm>>
    %dma_wait3A_1385 = arith.constant 0 : i32
    %dma_wait3A_1386 = arith.constant 0 : i32
    %dma_wait3A_1387 = arith.constant 0 : i32
    %dma_wait3A_1388 = tpu.memref_slice %arg4[%arg1, %dma_wait3A_1385, %dma_wait3A_1386, %dma_wait3A_1387] : memref<16x4x200x128xf32, #tpu.memory_space<vmem_shared>> -> memref<1x1x200x128xf32, #tpu.memory_space<vmem_shared>>
    tpu.wait_dma2 semaphore(%arg9 : memref<!tpu.dma_semaphore, #tpu.memory_space<semaphore_mem>>) src(%dma_wait3A_1388 : memref<1x1x200x128xf32, #tpu.memory_space<vmem_shared>>) dst(%dma_wait3A_1384 : memref<1x1x200x128xf32, #tpu.memory_space<hbm>>)
    %dma_wait3A_1389 = arith.constant 0 : i32
    %dma_wait3A_1390 = arith.constant 3400 : i32
    %dma_wait3A_1391 = arith.constant 0 : i32
    %dma_wait3A_1392 = tpu.memref_slice %arg3[%add3A_134, %dma_wait3A_1389, %dma_wait3A_1390, %dma_wait3A_1391] : memref<64x1x4000x128xf32, #tpu.memory_space<hbm>> -> memref<1x1x200x128xf32, #tpu.memory_space<hbm>>
    %dma_wait3A_1393 = arith.constant 1 : i32
    %dma_wait3A_1394 = arith.constant 0 : i32
    %dma_wait3A_1395 = arith.constant 0 : i32
    %dma_wait3A_1396 = tpu.memref_slice %arg4[%arg1, %dma_wait3A_1393, %dma_wait3A_1394, %dma_wait3A_1395] : memref<16x4x200x128xf32, #tpu.memory_space<vmem_shared>> -> memref<1x1x200x128xf32, #tpu.memory_space<vmem_shared>>
    tpu.wait_dma2 semaphore(%arg10 : memref<!tpu.dma_semaphore, #tpu.memory_space<semaphore_mem>>) src(%dma_wait3A_1396 : memref<1x1x200x128xf32, #tpu.memory_space<vmem_shared>>) dst(%dma_wait3A_1392 : memref<1x1x200x128xf32, #tpu.memory_space<hbm>>)
    %dma_wait3A_1397 = arith.constant 0 : i32
    %dma_wait3A_1398 = arith.constant 3600 : i32
    %dma_wait3A_1399 = arith.constant 0 : i32
    %dma_wait3A_1400 = tpu.memref_slice %arg3[%add3A_134, %dma_wait3A_1397, %dma_wait3A_1398, %dma_wait3A_1399] : memref<64x1x4000x128xf32, #tpu.memory_space<hbm>> -> memref<1x1x200x128xf32, #tpu.memory_space<hbm>>
    %dma_wait3A_1401 = arith.constant 2 : i32
    %dma_wait3A_1402 = arith.constant 0 : i32
    %dma_wait3A_1403 = arith.constant 0 : i32
    %dma_wait3A_1404 = tpu.memref_slice %arg4[%arg1, %dma_wait3A_1401, %dma_wait3A_1402, %dma_wait3A_1403] : memref<16x4x200x128xf32, #tpu.memory_space<vmem_shared>> -> memref<1x1x200x128xf32, #tpu.memory_space<vmem_shared>>
    tpu.wait_dma2 semaphore(%arg11 : memref<!tpu.dma_semaphore, #tpu.memory_space<semaphore_mem>>) src(%dma_wait3A_1404 : memref<1x1x200x128xf32, #tpu.memory_space<vmem_shared>>) dst(%dma_wait3A_1400 : memref<1x1x200x128xf32, #tpu.memory_space<hbm>>)
    %dma_wait3A_1405 = arith.constant 0 : i32
    %dma_wait3A_1406 = arith.constant 3800 : i32
    %dma_wait3A_1407 = arith.constant 0 : i32
    %dma_wait3A_1408 = tpu.memref_slice %arg3[%add3A_134, %dma_wait3A_1405, %dma_wait3A_1406, %dma_wait3A_1407] : memref<64x1x4000x128xf32, #tpu.memory_space<hbm>> -> memref<1x1x200x128xf32, #tpu.memory_space<hbm>>
    %dma_wait3A_1409 = arith.constant 3 : i32
    %dma_wait3A_1410 = arith.constant 0 : i32
    %dma_wait3A_1411 = arith.constant 0 : i32
    %dma_wait3A_1412 = tpu.memref_slice %arg4[%arg1, %dma_wait3A_1409, %dma_wait3A_1410, %dma_wait3A_1411] : memref<16x4x200x128xf32, #tpu.memory_space<vmem_shared>> -> memref<1x1x200x128xf32, #tpu.memory_space<vmem_shared>>
    tpu.wait_dma2 semaphore(%arg12 : memref<!tpu.dma_semaphore, #tpu.memory_space<semaphore_mem>>) src(%dma_wait3A_1412 : memref<1x1x200x128xf32, #tpu.memory_space<vmem_shared>>) dst(%dma_wait3A_1408 : memref<1x1x200x128xf32, #tpu.memory_space<hbm>>)
    return
  }
}

</mosaic_0001>

<sc_bundles>
// kernel: kernel.3.cloned.1.call-start
scs
__scs_entry_jumppad:
0x0: {  	(pc) =	sbr.rel $0x88, $3  }
0x1: {  	(tag) =	ssettag $0x0;
	lr =	simm.s32 $0x1  }
0x2: {  	[smem:$0x3FA0] =	sst lr;
	_ =	strace $0xD0000000  }
0x3: {  	_ = 	snop  }
0x4: {  	_ = 	snop  }
0x5: {  	_ = 	snop  }
0x6: {  	_ = 	snop  }
0x7: {  	_ = 	snop  }
__scs_overlays_trampoline_lowered:
0x8: {  	[smem:$0x3FAF] =	sst s0  }
0x9: {  	[smem:$0x3FB0] =	sst s1  }
0xa: {  	[smem:$0x3FB1] =	sst s2  }
0xb: {  	[smem:$0x3FB2] =	sst s3  }
0xc: {  	[smem:$0x3FB3] =	sst s4  }
0xd: {  	[smem:$0x3FB4] =	sst s5  }
0xe: {  	[smem:$0x3FB5] =	sst s6  }
0xf: {  	[smem:$0x3FB6] =	sst s7  }
0x10: {  	[smem:$0x3FB7] =	sst s8  }
0x11: {  	[smem:$0x3FB8] =	sst s9;
	s0 =	simm.s32 @!p0 $0x0  }
0x12: {  	s1 =	sld [smem:$0x3F9E];
	s0 =	simm.s32 @p0 $0x1  }
0x13: {  	[smem:$0x3FB9] =	sst s0;
	s0 =	simm.s32 @!p1 $0x0  }
0x14: {  	s2 =	sld [smem:$0x3F9D];
	s0 =	simm.s32 @p1 $0x1  }
0x15: {  	[smem:$0x3FBA] =	sst s0;
	s0 =	simm.s32 @!p2 $0x0  }
0x16: {  	s3 =	sld [smem:$0x3FDB];
	s0 =	simm.s32 @p2 $0x1  }
0x17: {  	s4 =	simm.s32 $0x1BF5;
	[smem:$0x3FBC] =	sst s0  }
0x18: {  	s0 =	sld [smem:$0x3F9F];
	_ =	swait.ge [sflag:s4], $0x0  }
0x19: {  	s7 =	sld [smem:$0x3FA0]  }
0x1a: {  	s8 =	sadd.s32 $0xFFFFE003, lr  }
0x1b: {  	s9 =	sadd.s32 $0xFFFFFEF7, lr;
	s5 =	simm.s32 $0xFFFFFFFF;
	p2 =	slt.u32 s8, $0xFFFFF086  }
0x1c: {  	p1 =	slt.u32 s9, $0xF7A;
	s5 =	simm.s32 @!p2 $0x0  }
0x1d: {  	s5 =	simm.s32 @p1 $0x1;
	p0 =	seq.s32 s7, s2  }
0x1e: {  	s7 =	smul.u32 @!p0 $0xF7A, s2;
	p2 =	seq.s32 @!p0 s5, $0x0  }
0x1f: {  	s9 =	smul.u32 $0xF7A, s1;
	s8 =	simm.s32 @!p0 $0x1BF5;
	p2 =	por !p2, p0  }
0x20: {  	[sflag:s8] =	ssyncset.s32 @!p0 $0xFFFFF086;
	s6 =	sadd.s32 @!p0 s3, s7;
	s7 =	simm.s32 @!p0 $0x108  }
0x21: {  	s3 =	sadd.s32 s3, s9;
	s6 =	sadd.s32 @!p0 $0x88, s6;
	s7 =	simm.s32 @p2 $0x1082  }
0x22: {  	[simem:s7], [sflag:s8] =	dma.local @!p0 [hbm:s6], $0xF7A  }
0x23: {  	s9 =	sor.u32 $0xD0000000, s2;
	s6 =	simm.s32 $0x108;
	_ =	swait.ge @!p0 [sflag:s8], $0x0  }
0x24: {  	s3 =	sadd.s32 $0x88, s3;
	s6 =	simm.s32 @!p1 $0x1082;
	[sflag:s4] =	ssyncset.s32 $0xFFFFF086  }
0x25: {  	[simem:s6], [sflag:s4] =	dma.local [hbm:s3], $0xF7A  }
0x26: {  	[smem:$0x3FA0] =	sst s1;
	(tag) =	ssettag s2;
	_ =	strace s9  }
0x27: {  	s1 =	sld [smem:$0x3FB0]  }
0x28: {  	s2 =	sld [smem:$0x3FB1]  }
0x29: {  	s4 =	sld [smem:$0x3FB3]  }
0x2a: {  	p0 =	seq.s32 s5, $0x0;
	s5 =	sld [smem:$0x3FB4]  }
0x2b: {  	s6 =	sld [smem:$0x3FB5]  }
0x2c: {  	s7 =	sld [smem:$0x3FB6]  }
0x2d: {  	s3 =	simm.s32 $0x108;
	s8 =	sld [smem:$0x3FB7]  }
0x2e: {  	s3 =	simm.s32 @!p0 $0x1082;
	s9 =	sld [smem:$0x3FB8]  }
0x2f: {  	lr =	sadd.s32 s0, s3;
	s0 =	sld [smem:$0x3FAF]  }
0x30: {  	s3 =	sld [smem:$0x3FB2]  }
0x31: {  	[smem:$0x3FBB] =	sst s10  }
0x32: {  	s10 =	sld [smem:$0x3FB9];
	_ =	sdelay $0x3  }
0x33: {  	p0 =	seq.s32 s10, $0x1;
	s10 =	sld [smem:$0x3FBB];
	_ =	sdelay $0x3  }
0x34: {  	[smem:$0x3FBB] =	sst s10  }
0x35: {  	s10 =	sld [smem:$0x3FBA];
	_ =	sdelay $0x3  }
0x36: {  	p1 =	seq.s32 s10, $0x1;
	s10 =	sld [smem:$0x3FBB];
	_ =	sdelay $0x3  }
0x37: {  	[smem:$0x3FBB] =	sst s10  }
0x38: {  	s10 =	sld [smem:$0x3FBC]  }
0x39: {  	_ = 	snop;
	(pc) =	sbr.ind lr, $3  }
0x3a: {  	_ = 	snop  }
0x3b: {  	_ = 	snop  }
0x3c: {  	p2 =	seq.s32 s10, $0x1;
	s10 =	sld [smem:$0x3FBB]  }
0x3d: {  	_ =	shalt  }
0x3e: {  	_ =	shalt  }
0x3f: {  	_ =	shalt  }
0x40: {  	_ =	shalt  }
0x41: {  	_ =	shalt  }
0x42: {  	_ =	shalt  }
0x43: {  	_ =	shalt  }
0x44: {  	_ =	shalt  }
0x45: {  	_ =	shalt  }
0x46: {  	_ =	shalt  }
0x47: {  	_ =	shalt  }
0x48: {  	_ =	shalt  }
0x49: {  	_ =	shalt  }
0x4a: {  	_ =	shalt  }
0x4b: {  	_ =	shalt  }
0x4c: {  	_ =	shalt  }
0x4d: {  	_ =	shalt  }
0x4e: {  	_ =	shalt  }
0x4f: {  	_ =	shalt  }
0x50: {  	_ =	shalt  }
0x51: {  	_ =	shalt  }
0x52: {  	_ =	shalt  }
0x53: {  	_ =	shalt  }
0x54: {  	_ =	shalt  }
0x55: {  	_ =	shalt  }
0x56: {  	_ =	shalt  }
0x57: {  	_ =	shalt  }
0x58: {  	_ =	shalt  }
0x59: {  	_ =	shalt  }
0x5a: {  	_ =	shalt  }
0x5b: {  	_ =	shalt  }
0x5c: {  	_ =	shalt  }
0x5d: {  	_ =	shalt  }
0x5e: {  	_ =	shalt  }
0x5f: {  	_ =	shalt  }
0x60: {  	_ =	shalt  }
0x61: {  	_ =	shalt  }
0x62: {  	_ =	shalt  }
0x63: {  	_ =	shalt  }
0x64: {  	_ =	shalt  }
0x65: {  	_ =	shalt  }
0x66: {  	_ =	shalt  }
0x67: {  	_ =	shalt  }
0x68: {  	_ =	shalt  }
0x69: {  	_ =	shalt  }
0x6a: {  	_ =	shalt  }
0x6b: {  	_ =	shalt  }
0x6c: {  	_ =	shalt  }
0x6d: {  	_ =	shalt  }
0x6e: {  	_ =	shalt  }
0x6f: {  	_ =	shalt  }
0x70: {  	_ =	shalt  }
0x71: {  	_ =	shalt  }
0x72: {  	_ =	shalt  }
0x73: {  	_ =	shalt  }
0x74: {  	_ =	shalt  }
0x75: {  	_ =	shalt  }
0x76: {  	_ =	shalt  }
0x77: {  	_ =	shalt  }
0x78: {  	_ =	shalt  }
0x79: {  	_ =	shalt  }
0x7a: {  	_ =	shalt  }
0x7b: {  	_ =	shalt  }
0x7c: {  	_ =	shalt  }
0x7d: {  	_ =	shalt  }
0x7e: {  	_ =	shalt  }
0x7f: {  	_ =	shalt  }
0x80: {  	_ =	shalt  }
0x81: {  	_ =	shalt  }
0x82: {  	_ =	shalt  }
0x83: {  	_ =	shalt  }
0x84: {  	_ =	shalt  }
0x85: {  	_ =	shalt  }
0x86: {  	_ =	shalt  }
0x87: {  	_ =	shalt  }
.Lfunc_end0:
.L_simem_size_0:
called_computation_lowered:
.L_overlay_start_0:
0x88: {  	s2 =	sld [smem:$0x3FD9]  }
0x89: {  	s3 =	sld [smem:$0x3FFE];
	_ =	sdelay $0x1  }
0x8a: {  	s1 =	srdreg.scid  }
0x8b: {  	s0 =	sand.u32 $0x1, s1  }
0x8c: {  	s18 =	sshll.u32 s0, $0xA;
	s2 =	sadd.s32 s3, s2  }
0x8d: {  	s2 =	sadd.s32 s2, s18  }
0x8e: {  	[smem:$0x3FC7] =	sst s2  }
0x8f: {  	_ = 	snop  }
0x90: {  	s2 =	sld [smem:$0x3FC9]  }
0x91: {  	s19 =	sld [smem:$0x3FD0];
	(tm) =	ssettm $0x1  }
0x92: {  	s4 =	sld [smem:$0x3FFB];
	_ =	sdelay $0x3  }
0x93: {  	_ =	strace s4  }
0x94: {  	s4 =	sld [smem:$0x3FFC];
	_ =	sdelay $0x3  }
0x95: {  	_ =	strace s4  }
0x96: {  	s4 =	sld [smem:$0x3FFD];
	_ =	sdelay $0x3  }
0x97: {  	_ =	strace s4  }
0x98: {  	_ =	strace $0x8FFFFFFF  }
0x99: {  	s20 =	sld [smem:$0x3FDB];
	_ =	sdelay $0x1  }
0x9a: {  	s5 =	simm.s32 $_scs_section_size  }
0x9b: {  	s6 =	simm.s32 $_size__tile_overlayer_lowered;
	s7 =	simm.s32 $_tile_overlayer_lowered  }
0x9c: {  	s23 =	simm.s32 $0x1BFF;
	s22 =	sshll.u32 s7, $0x1;
	s4 =	sadd.s32 s5, s20  }
0x9d: {  	s8 =	simm.s32 $0x0;
	s21 =	sshll.u32 s6, $0x1;
	s6 =	sadd.s32 s22, s4  }
0x9e: {  	[timem:s8], [sflag:s23] =	dma.local [hbm:s6], s21  }
0x9f: {  	_ =	swait.ge [sflag:s23], s21  }
0xa0: {  	s5 =	ssub.s32 $0x0, s21;
	[sflag:s23] =	ssyncset.done $0x0  }
0xa1: {  	[sflag:s23] =	ssyncadd.s32 s5;
	_ =	sdelay $0x1  }
0xa2: {  	s24 =	simm.s32 $0x1B8B  }
0xa3: {  	_ =	swait.ge [sflag:s24], $0x1  }
0xa4: {  	[sflag:s24] =	ssyncset.done $0x0  }
0xa5: {  	s25 =	simm.s32 $0x1B8E;
	[sflag:s24] =	ssyncadd.s32 $0xFFFFFFFF  }
0xa6: {  	s26 =	simm.s32 $execute0_lowered;
	[smem:$0x3FD2] =	sst s25  }
0xa7: {  	s5 =	sshll.u32 s26, $0x1;
	_ =	strace $0x80000046;
	[dreg:$0x1] =	wrdreg $0xFFFFFFFF  }
0xa8: {  	s28 =	simm.s32 $_size_execute0_lowered;
	s4 =	sadd.s32 s4, s5;
	[dreg:$0x0] =	wrdreg $0x0  }
0xa9: {  	s5 =	sshll.u32 s28, $0x1;
	[dreg:$0x2] =	wrdreg s4  }
0xaa: {  	[dreg:$0x3] =	wrdreg s5  }
0xab: {  	[dreg:$0x4] =	wrdreg $0xC0  }
0xac: {  	_ =	task [dreg:s8], $0x5FFFF  }
0xad: {  	[dreg:$0x1] =	wrdreg $0xFFFFFFFF  }
0xae: {  	[dreg:$0x0] =	wrdreg $0x60  }
0xaf: {  	[dreg:$0x2] =	wrdreg s2  }
0xb0: {  	[dreg:$0x3] =	wrdreg s19  }
0xb1: {  	[dreg:$0x4] =	wrdreg $0x0  }
0xb2: {  	[dreg:$0x5] =	wrdreg $0x9  }
0xb3: {  	_ =	task.clear_ibuf [dreg:s8], $0x6FFFF;
	_ =	strace $0x90000046  }
0xb4: {  	s29 =	simm.s32 $0x9;
	_ =	strace $0x80000048  }
0xb5: {  	_ =	swait.ge [sflag:s29], $0x1  }
0xb6: {  	[sflag:s29] =	ssyncadd.s32 $0xFFFFFFFF  }
0xb7: {  	_ =	strace $0x90000048  }
0xb8: {  	_ =	sfence  }
0xb9: {  	s30 =	sld [smem:$0x0];
	_ =	sdelay $0x2  }
0xba: {  	s31 =	sshll.u32 s1, $0xD;
	s1 =	sshrl.u32 s1, $0x2  }
0xbb: {  	s3 =	sand.u32 $0x4000, s31;
	s1 =	sadd.s32 s1, s30  }
0xbc: {  	s0 =	sor.u32 s3, s0;
	s1 =	sshll.u32 s1, $0x11  }
0xbd: {  	s0 =	sor.u32 s1, s0  }
0xbe: {  	s0 =	sadd.s32 $0x8F2B, s0  }
0xbf: {  	[sflag:s0] =	ssyncadd.remote.s32 $0x1  }
0xc0: {  	_ =	sfence.sel $0xFFFF  }
0xc1: {  	[dreg:$0x0] =	wrdreg $0xFFFFFFFF;
	(pc) =	sbr.abs _section_cstart, $3  }
0xc2: {  	[dreg:$0x1] =	wrdreg $0xFFFFFFFF  }
0xc3: {  	_ =	task.clear_ibuf [dreg:s8], $0x2FFFF;
	_ =	strace $0x9FFFFFFF  }
0xc4: {  	(tm) =	ssettm $0x7FFFFFFF  }
0xc5: {  	_ =	shalt  }
tec
execute0_lowered:
.L_overlay_start_1:
0x0: {  	(tag) =	ssettag $0x1  }
0x1: {  	s1 =	srdreg.scid;
	s28 =	stileid.u32  }
0x2: {  	s1 =	sand.u32 $0x1, s1;
	s2 =	sshll.u32 s28, $0x1  }
0x3: {  	s5 =	sor.u32 s1, s2  }
0x4: {  	s3 =	simm.s32 $0x301;
	p0 =	seq.s32 s5, $0x0  }
0x5: {  	s3 =	simm.s32 @!p0 $0x0;
	p0 =	seq.s32 s5, $0x1  }
0x6: {  	s3 =	simm.s32 @p0 $0x5;
	p0 =	seq.s32 s5, $0x2  }
0x7: {  	s3 =	simm.s32 @p0 $0x602;
	p0 =	seq.s32 s5, $0x3  }
0x8: {  	s3 =	simm.s32 @p0 $0x407;
	p0 =	seq.s32 s5, $0x4  }
0x9: {  	s3 =	simm.s32 @p0 $0x80A;
	p0 =	seq.s32 s5, $0x5  }
0xa: {  	s3 =	simm.s32 @p0 $0xD0C;
	p0 =	seq.s32 s5, $0x6  }
0xb: {  	s3 =	simm.s32 @p0 $0xE0F;
	p0 =	seq.s32 s5, $0x7  }
0xc: {  	s3 =	simm.s32 @p0 $0x90B;
	p0 =	seq.s32 s5, $0x8  }
0xd: {  	s3 =	simm.s32 @p0 $0x1715;
	p0 =	seq.s32 s5, $0x9  }
0xe: {  	s3 =	simm.s32 @p0 $0x1110;
	p0 =	seq.s32 s5, $0xA  }
0xf: {  	s3 =	simm.s32 @p0 $0x1214;
	p0 =	seq.s32 s5, $0xB  }
0x10: {  	s3 =	simm.s32 @p0 $0x1316;
	p0 =	seq.s32 s5, $0xC  }
0x11: {  	s3 =	simm.s32 @p0 $0x1D1C;
	p0 =	seq.s32 s5, $0xD  }
0x12: {  	s3 =	simm.s32 @p0 $0x1A1B;
	p0 =	seq.s32 s5, $0xE  }
0x13: {  	s3 =	simm.s32 @p0 $0x1E1F;
	p0 =	seq.s32 s5, $0xF  }
0x14: {  	s3 =	simm.s32 @p0 $0x1918;
	p0 =	seq.s32 s5, $0x10  }
0x15: {  	s3 =	simm.s32 @p0 $0x2526;
	p0 =	seq.s32 s5, $0x11  }
0x16: {  	s3 =	simm.s32 @p0 $0x2321;
	p0 =	seq.s32 s5, $0x12  }
0x17: {  	s3 =	simm.s32 @p0 $0x2722;
	p0 =	seq.s32 s5, $0x13  }
0x18: {  	s3 =	simm.s32 @p0 $0x2024;
	p0 =	seq.s32 s5, $0x14  }
0x19: {  	s3 =	simm.s32 @p0 $0x292B;
	p0 =	seq.s32 s5, $0x15  }
0x1a: {  	s3 =	simm.s32 @p0 $0x2A2F;
	p0 =	seq.s32 s5, $0x16  }
0x1b: {  	s3 =	simm.s32 @p0 $0x282C;
	p0 =	seq.s32 s5, $0x17  }
0x1c: {  	s3 =	simm.s32 @p0 $0x2E2D;
	p0 =	seq.s32 s5, $0x18  }
0x1d: {  	s3 =	simm.s32 @p0 $0x3731;
	p0 =	seq.s32 s5, $0x19  }
0x1e: {  	s3 =	simm.s32 @p0 $0x3036;
	p0 =	seq.s32 s5, $0x1A  }
0x1f: {  	s3 =	simm.s32 @p0 $0x3335;
	p0 =	seq.s32 s5, $0x1B  }
0x20: {  	s3 =	simm.s32 @p0 $0x3234;
	p0 =	seq.s32 s5, $0x1C  }
0x21: {  	s3 =	simm.s32 @p0 $0x383D;
	p0 =	seq.s32 s5, $0x1D  }
0x22: {  	s4 =	rddreg [dreg:$0x0];
	s3 =	simm.s32 @p0 $0x3F3A;
	p0 =	seq.s32 s5, $0x1E  }
0x23: {  	s3 =	simm.s32 @p0 $0x3B39;
	p0 =	seq.s32 s5, $0x1F;
	s5 =	smul.u32 $0xFA000, s5  }
0x24: {  	s6 =	rddreg [dreg:$0x1]  }
0x25: {  	s29 =	rddreg [dreg:$0x3];
	s8 =	simm.s32 $0x0;
	s5 =	sshrl.u32 s5, $0x3  }
0x26: {  	[smem:$0x7FF] =	sst s8;
	s21 =	sadd.s32 s6, s5  }
0x27: {  	s2 =	rddreg [dreg:$0x2];
	s16 =	sadd.s32 $0xC80, s21  }
0x28: {  	_ =	strace $0x80000047;
	s18 =	sadd.s32 $0x1900, s21;
	[dreg:$0x6] =	wrdreg s16  }
0x29: {  	s20 =	sadd.s32 $0x2580, s21;
	[dreg:$0x8] =	wrdreg s18  }
0x2a: {  	s24 =	sadd.s32 $0x3200, s21;
	[dreg:$0xa] =	wrdreg s20  }
0x2b: {  	s26 =	sadd.s32 $0x3E80, s21;
	[dreg:$0xc] =	wrdreg s24  }
0x2c: {  	s31 =	sadd.s32 $0x4B00, s21;
	[dreg:$0xe] =	wrdreg s26  }
0x2d: {  	s6 =	sadd.s32 $0x5780, s21;
	[dreg:$0x10] =	wrdreg s31  }
0x2e: {  	s8 =	sadd.s32 $0x6400, s21;
	[dreg:$0x12] =	wrdreg s6  }
0x2f: {  	s10 =	sadd.s32 $0x7080, s21;
	[dreg:$0x14] =	wrdreg s8  }
0x30: {  	s12 =	sadd.s32 $0x7D00, s21;
	[dreg:$0x16] =	wrdreg s10  }
0x31: {  	s14 =	sadd.s32 $0x8980, s21;
	[dreg:$0x18] =	wrdreg s12  }
0x32: {  	[dreg:$0x1a] =	wrdreg s14;
	s16 =	sadd.s32 $0x9600, s21  }
0x33: {  	s18 =	sadd.s32 $0xA280, s21;
	[dreg:$0x1c] =	wrdreg s16  }
0x34: {  	s3 =	simm.s32 @p0 $0x3E3C;
	s20 =	sadd.s32 $0xAF00, s21;
	[dreg:$0x1e] =	wrdreg s18  }
0x35: {  	s7 =	sand.u32 $0xFF, s3;
	s24 =	sadd.s32 $0xBB80, s21;
	[smem:$0x7D2] =	sst s20  }
0x36: {  	s3 =	sshrl.u32 s3, $0x8;
	s26 =	sadd.s32 $0xC800, s21;
	[smem:$0x7D4] =	sst s24  }
0x37: {  	s7 =	smul.u32 $0x7D000, s7;
	s31 =	sadd.s32 $0xD480, s21;
	[smem:$0x7D6] =	sst s26  }
0x38: {  	s3 =	smul.u32 $0x7D000, s3;
	s6 =	sadd.s32 $0xE100, s21;
	[smem:$0x7D8] =	sst s31  }
0x39: {  	s7 =	sshrl.u32 s7, $0x3;
	[smem:$0x7DA] =	sst s6;
	s24 =	sadd.s32 $0x14500, s21  }
0x3a: {  	s3 =	sshrl.u32 s3, $0x3;
	s26 =	sadd.s32 $0x15180, s21;
	[smem:$0x7E9] =	sst s24  }
0x3b: {  	s22 =	sadd.s32 s4, s7;
	s31 =	sadd.s32 $0x15E00, s21;
	[smem:$0x7EB] =	sst s26  }
0x3c: {  	s20 =	sadd.s32 s4, s3;
	s4 =	sadd.s32 $0x16A80, s21;
	[smem:$0x7ED] =	sst s31  }
0x3d: {  	s6 =	sadd.s32 $0x17700, s21;
	[smem:$0x7EF] =	sst s4  }
0x3e: {  	s7 =	sadd.s32 $0xC80, s22;
	[smem:$0x7F1] =	sst s6  }
0x3f: {  	s15 =	sadd.s32 $0x1900, s22;
	[dreg:$0x4] =	wrdreg s7  }
0x40: {  	s17 =	sadd.s32 $0x2580, s22;
	[dreg:$0x5] =	wrdreg s15  }
0x41: {  	s19 =	sadd.s32 $0x3200, s22;
	[dreg:$0x7] =	wrdreg s17  }
0x42: {  	s23 =	sadd.s32 $0x3E80, s22;
	[dreg:$0x9] =	wrdreg s19  }
0x43: {  	s25 =	sadd.s32 $0x4B00, s22;
	[dreg:$0xb] =	wrdreg s23  }
0x44: {  	s30 =	sadd.s32 $0x5780, s22;
	[dreg:$0xd] =	wrdreg s25  }
0x45: {  	s0 =	sadd.s32 $0x6400, s22;
	[dreg:$0xf] =	wrdreg s30  }
0x46: {  	s9 =	sadd.s32 $0x7D00, s22;
	[dreg:$0x11] =	wrdreg s0  }
0x47: {  	s11 =	sadd.s32 $0x8980, s22;
	[dreg:$0x15] =	wrdreg s9  }
0x48: {  	s13 =	sadd.s32 $0x9600, s22;
	[dreg:$0x17] =	wrdreg s11  }
0x49: {  	s8 =	sadd.s32 $0xC80, s20;
	[dreg:$0x19] =	wrdreg s13  }
0x4a: {  	s10 =	sadd.s32 $0x1900, s20;
	[smem:$0x7DC] =	sst s8  }
0x4b: {  	s12 =	sadd.s32 $0x2580, s20;
	[smem:$0x7DE] =	sst s10  }
0x4c: {  	s14 =	sadd.s32 $0x3200, s20;
	[smem:$0x7E0] =	sst s12  }
0x4d: {  	s16 =	sadd.s32 $0x3E80, s20;
	[smem:$0x7E2] =	sst s14  }
0x4e: {  	s18 =	sadd.s32 $0x4B00, s20;
	[smem:$0x7E4] =	sst s16  }
0x4f: {  	s5 =	sadd.s32 $0x8980, s20;
	[smem:$0x7E6] =	sst s18  }
0x50: {  	s24 =	sadd.s32 $0x1B580, s21;
	[smem:$0x7F0] =	sst s5  }
0x51: {  	s7 =	sadd.s32 $0x7080, s22;
	[smem:$0x7FB] =	sst s24  }
0x52: {  	s15 =	sadd.s32 $0xA280, s22;
	[dreg:$0x13] =	wrdreg s7  }
0x53: {  	s17 =	sadd.s32 $0xAF00, s22;
	[dreg:$0x1b] =	wrdreg s15  }
0x54: {  	s19 =	sadd.s32 $0xBB80, s22;
	[dreg:$0x1d] =	wrdreg s17  }
0x55: {  	s23 =	sadd.s32 $0xC800, s22;
	[dreg:$0x1f] =	wrdreg s19  }
0x56: {  	s25 =	sadd.s32 $0xD480, s22;
	[smem:$0x7D3] =	sst s23  }
0x57: {  	s30 =	sadd.s32 $0xE100, s22;
	[smem:$0x7D5] =	sst s25  }
0x58: {  	s0 =	sadd.s32 $0xED80, s22;
	[smem:$0x7D7] =	sst s30  }
0x59: {  	s9 =	sadd.s32 $0xFA00, s21;
	[smem:$0x7D9] =	sst s0  }
0x5a: {  	s11 =	sadd.s32 $0x10680, s21;
	[smem:$0x7DD] =	sst s9  }
0x5b: {  	s13 =	sadd.s32 $0x11300, s21;
	[smem:$0x7DF] =	sst s11  }
0x5c: {  	s8 =	sadd.s32 $0x18380, s21;
	[smem:$0x7E1] =	sst s13  }
0x5d: {  	s10 =	sadd.s32 $0x19000, s21;
	[smem:$0x7F3] =	sst s8  }
0x5e: {  	s12 =	sadd.s32 $0xAF00, s20;
	[smem:$0x7F5] =	sst s10  }
0x5f: {  	s1 =	ssub.s32 $0x2, s1;
	s14 =	sadd.s32 $0x19C80, s21;
	[smem:$0x7F6] =	sst s12  }
0x60: {  	p0 =	por $0x0, $0x0;
	s18 =	sadd.s32 $0xC800, s20;
	[smem:$0x7F7] =	sst s14  }
0x61: {  	s3 =	simm.s32 $0x8;
	s7 =	sadd.s32 $0xED80, s21;
	[smem:$0x7FA] =	sst s18  }
0x62: {  	s6 =	simm.s32 $0x6;
	s15 =	sadd.s32 $0x11F80, s21;
	[smem:$0x7DB] =	sst s7  }
0x63: {  	s5 =	sadd.s32 $0x1DB00, s21;
	s17 =	sadd.s32 $0x12C00, s21;
	[smem:$0x7E3] =	sst s15  }
0x64: {  	s19 =	sadd.s32 $0x13880, s21;
	s23 =	sadd.s32 $0x5780, s20;
	[smem:$0x7E5] =	sst s17  }
0x65: {  	s25 =	sadd.s32 $0x6400, s20;
	s30 =	sadd.s32 $0x7080, s20;
	[smem:$0x7E7] =	sst s19  }
0x66: {  	s0 =	sadd.s32 $0x7D00, s20;
	s9 =	sadd.s32 $0xA280, s20;
	[smem:$0x7E8] =	sst s23  }
0x67: {  	s11 =	sshrl.u32 s1, $0x1;
	s13 =	smul.u32 $0x64000, s28;
	[smem:$0x7EA] =	sst s25  }
0x68: {  	s8 =	sadd.s32 $0xED80, s20;
	s18 =	simm.s32 $0x1;
	[smem:$0x7EC] =	sst s30  }
0x69: {  	s14 =	simm.s32 $0x3;
	s12 =	simm.s32 $0x4;
	[smem:$0x7EE] =	sst s0  }
0x6a: {  	s7 =	sadd.s32 $0x9600, s20;
	[smem:$0x7F4] =	sst s9;
	s1 =	ssub.s32 s1, s11  }
0x6b: {  	s15 =	sadd.s32 $0xBB80, s20;
	s17 =	sadd.s32 $0x1A900, s21;
	[smem:$0x7F2] =	sst s7  }
0x6c: {  	s23 =	sshll.u32 s28, $0x6;
	s25 =	sadd.s32 $0xD480, s20;
	[smem:$0x7F8] =	sst s15  }
0x6d: {  	s30 =	sadd.s32 $0x1C200, s21;
	s11 =	sadd.s32 $0x1CE80, s21;
	[smem:$0x7F9] =	sst s17  }
0x6e: {  	s16 =	sshrl.u32 s13, $0x2;
	[smem:$0x7FC] =	sst s25;
	s1 =	smax.u32 s1, $0x1  }
0x6f: {  	s17 =	sor.u32 $0x1C01, s23;
	[smem:$0x7FD] =	sst s30;
	p1 =	sne.s32 s1, $0x1  }
.Ltmp0:
0x70: {  	s13 =	sadd.s32 $0xE100, s20;
	s7 =	simm.s32 $0x5;
	(pc) =	sbr.rel @!p1 .LBB2_5-.Ltmp0, $4  }
0x71: {  	s19 =	sadd.s32 s16, s2;
	s2 =	sadd.s32 $0x1E780, s21;
	s16 =	simm.s32 $0x2  }
0x72: {  	s1 =	sadd.s32 $0xFFFFFFFF, s1;
	s26 =	sadd.s32 $0x6400, s19;
	s4 =	sadd.s32 $0xC800, s19  }
0x73: {  	s31 =	sadd.s32 $0x12C00, s19;
	s19 =	sshrl.u32 s19, $0x3;
	s15 =	sshrl.u32 s26, $0x3  }
0x74: {  	s10 =	sshrl.u32 s4, $0x3;
	s9 =	sshrl.u32 s31, $0x3;
	s4 =	simm.s32 $0x7  }
0x75: {  	[spmem:s19], [sflag:s17] =	dma.local [hbm:s22], $0xC80  }
0x76: {  	s24 =	sor.u32 $0x1C02, s23;
	s25 =	rddreg [dreg:$0x4]  }
0x77: {  	[spmem:s15], [sflag:s24] =	dma.local [hbm:s25], $0xC80  }
0x78: {  	_ =	swait.ge [sflag:s18], $0xC80  }
0x79: {  	[sflag:s18] =	ssyncset.done $0x0  }
0x7a: {  	s25 =	sor.u32 $0x1C05, s23;
	[sflag:s18] =	ssyncadd.s32 $0xFFFFF380  }
0x7b: {  	[hbm:s21], [sflag:s25] =	dma.local [spmem:s19], $0xC80  }
0x7c: {  	s26 =	sor.u32 $0x1C03, s23;
	s28 =	rddreg [dreg:$0x5]  }
0x7d: {  	[spmem:s10], [sflag:s26] =	dma.local [hbm:s28], $0xC80  }
0x7e: {  	_ =	swait.ge [sflag:s16], $0xC80  }
0x7f: {  	[sflag:s16] =	ssyncset.done $0x0  }
0x80: {  	s28 =	sor.u32 $0x1C06, s23;
	s29 =	rddreg [dreg:$0x6];
	[sflag:s16] =	ssyncadd.s32 $0xFFFFF380  }
0x81: {  	[hbm:s29], [sflag:s28] =	dma.local [spmem:s15], $0xC80  }
0x82: {  	s29 =	sor.u32 $0x1C04, s23;
	s30 =	rddreg [dreg:$0x7]  }
0x83: {  	[spmem:s9], [sflag:s29] =	dma.local [hbm:s30], $0xC80  }
0x84: {  	_ =	swait.ge [sflag:s14], $0xC80  }
0x85: {  	[sflag:s14] =	ssyncset.done $0x0  }
0x86: {  	s30 =	sor.u32 $0x1C07, s23;
	s31 =	rddreg [dreg:$0x8];
	[sflag:s14] =	ssyncadd.s32 $0xFFFFF380  }
0x87: {  	[hbm:s31], [sflag:s30] =	dma.local [spmem:s10], $0xC80  }
0x88: {  	_ =	swait.ge [sflag:s7], $0xC80  }
0x89: {  	[sflag:s7] =	ssyncset.done $0x0  }
0x8a: {  	s31 =	rddreg [dreg:$0x9];
	[sflag:s7] =	ssyncadd.s32 $0xFFFFF380  }
0x8b: {  	[spmem:s19], [sflag:s17] =	dma.local [hbm:s31], $0xC80  }
0x8c: {  	_ =	swait.ge [sflag:s12], $0xC80  }
0x8d: {  	[sflag:s12] =	ssyncset.done $0x0  }
0x8e: {  	s31 =	sor.u32 $0x1C08, s23;
	s0 =	rddreg [dreg:$0xa];
	[sflag:s12] =	ssyncadd.s32 $0xFFFFF380  }
0x8f: {  	[hbm:s0], [sflag:s31] =	dma.local [spmem:s9], $0xC80  }
0x90: {  	_ =	swait.ge [sflag:s6], $0xC80  }
0x91: {  	[sflag:s6] =	ssyncset.done $0x0  }
0x92: {  	s0 =	rddreg [dreg:$0xb];
	[sflag:s6] =	ssyncadd.s32 $0xFFFFF380  }
0x93: {  	[spmem:s15], [sflag:s24] =	dma.local [hbm:s0], $0xC80  }
0x94: {  	_ =	swait.ge [sflag:s18], $0xC80  }
0x95: {  	[sflag:s18] =	ssyncset.done $0x0  }
0x96: {  	s0 =	rddreg [dreg:$0xc];
	[sflag:s18] =	ssyncadd.s32 $0xFFFFF380  }
0x97: {  	[hbm:s0], [sflag:s25] =	dma.local [spmem:s19], $0xC80  }
0x98: {  	_ =	swait.ge [sflag:s4], $0xC80  }
0x99: {  	[sflag:s4] =	ssyncset.done $0x0  }
0x9a: {  	s0 =	rddreg [dreg:$0xd];
	[sflag:s4] =	ssyncadd.s32 $0xFFFFF380  }
0x9b: {  	[spmem:s10], [sflag:s26] =	dma.local [hbm:s0], $0xC80  }
0x9c: {  	_ =	swait.ge [sflag:s16], $0xC80  }
0x9d: {  	[sflag:s16] =	ssyncset.done $0x0  }
0x9e: {  	s0 =	rddreg [dreg:$0xe];
	[sflag:s16] =	ssyncadd.s32 $0xFFFFF380  }
0x9f: {  	[hbm:s0], [sflag:s28] =	dma.local [spmem:s15], $0xC80  }
0xa0: {  	_ =	swait.ge [sflag:s3], $0xC80  }
0xa1: {  	[sflag:s3] =	ssyncset.done $0x0  }
0xa2: {  	s0 =	rddreg [dreg:$0xf];
	[sflag:s3] =	ssyncadd.s32 $0xFFFFF380  }
0xa3: {  	[spmem:s9], [sflag:s29] =	dma.local [hbm:s0], $0xC80  }
0xa4: {  	_ =	swait.ge [sflag:s14], $0xC80  }
0xa5: {  	[sflag:s14] =	ssyncset.done $0x0  }
0xa6: {  	s0 =	rddreg [dreg:$0x10];
	[sflag:s14] =	ssyncadd.s32 $0xFFFFF380  }
0xa7: {  	[hbm:s0], [sflag:s30] =	dma.local [spmem:s10], $0xC80  }
0xa8: {  	_ =	swait.ge [sflag:s7], $0xC80  }
0xa9: {  	[sflag:s7] =	ssyncset.done $0x0  }
0xaa: {  	s0 =	rddreg [dreg:$0x11];
	[sflag:s7] =	ssyncadd.s32 $0xFFFFF380  }
0xab: {  	[spmem:s19], [sflag:s17] =	dma.local [hbm:s0], $0xC80  }
0xac: {  	_ =	swait.ge [sflag:s12], $0xC80  }
0xad: {  	[sflag:s12] =	ssyncset.done $0x0  }
0xae: {  	s0 =	rddreg [dreg:$0x12];
	[sflag:s12] =	ssyncadd.s32 $0xFFFFF380  }
0xaf: {  	[hbm:s0], [sflag:s31] =	dma.local [spmem:s9], $0xC80  }
0xb0: {  	_ =	swait.ge [sflag:s6], $0xC80  }
0xb1: {  	[sflag:s6] =	ssyncset.done $0x0  }
0xb2: {  	s0 =	rddreg [dreg:$0x13];
	[sflag:s6] =	ssyncadd.s32 $0xFFFFF380  }
0xb3: {  	[spmem:s15], [sflag:s24] =	dma.local [hbm:s0], $0xC80  }
0xb4: {  	_ =	swait.ge [sflag:s18], $0xC80  }
0xb5: {  	[sflag:s18] =	ssyncset.done $0x0  }
0xb6: {  	s0 =	rddreg [dreg:$0x14];
	[sflag:s18] =	ssyncadd.s32 $0xFFFFF380  }
0xb7: {  	[hbm:s0], [sflag:s25] =	dma.local [spmem:s19], $0xC80  }
0xb8: {  	_ =	swait.ge [sflag:s4], $0xC80  }
0xb9: {  	[sflag:s4] =	ssyncset.done $0x0  }
0xba: {  	s0 =	rddreg [dreg:$0x15];
	[sflag:s4] =	ssyncadd.s32 $0xFFFFF380  }
0xbb: {  	[spmem:s10], [sflag:s26] =	dma.local [hbm:s0], $0xC80  }
0xbc: {  	_ =	swait.ge [sflag:s16], $0xC80  }
0xbd: {  	[sflag:s16] =	ssyncset.done $0x0  }
0xbe: {  	s0 =	rddreg [dreg:$0x16];
	[sflag:s16] =	ssyncadd.s32 $0xFFFFF380  }
0xbf: {  	[hbm:s0], [sflag:s28] =	dma.local [spmem:s15], $0xC80  }
0xc0: {  	_ =	swait.ge [sflag:s3], $0xC80  }
0xc1: {  	[sflag:s3] =	ssyncset.done $0x0  }
0xc2: {  	s0 =	rddreg [dreg:$0x17];
	[sflag:s3] =	ssyncadd.s32 $0xFFFFF380  }
0xc3: {  	[spmem:s9], [sflag:s29] =	dma.local [hbm:s0], $0xC80  }
0xc4: {  	_ =	swait.ge [sflag:s14], $0xC80  }
0xc5: {  	[sflag:s14] =	ssyncset.done $0x0  }
0xc6: {  	s0 =	rddreg [dreg:$0x18];
	[sflag:s14] =	ssyncadd.s32 $0xFFFFF380  }
0xc7: {  	[hbm:s0], [sflag:s30] =	dma.local [spmem:s10], $0xC80  }
0xc8: {  	_ =	swait.ge [sflag:s7], $0xC80  }
0xc9: {  	[sflag:s7] =	ssyncset.done $0x0  }
0xca: {  	s0 =	rddreg [dreg:$0x19];
	[sflag:s7] =	ssyncadd.s32 $0xFFFFF380  }
0xcb: {  	[spmem:s19], [sflag:s17] =	dma.local [hbm:s0], $0xC80  }
0xcc: {  	_ =	swait.ge [sflag:s12], $0xC80  }
0xcd: {  	[sflag:s12] =	ssyncset.done $0x0  }
0xce: {  	s0 =	rddreg [dreg:$0x1a];
	[sflag:s12] =	ssyncadd.s32 $0xFFFFF380  }
0xcf: {  	[hbm:s0], [sflag:s31] =	dma.local [spmem:s9], $0xC80  }
0xd0: {  	_ =	swait.ge [sflag:s6], $0xC80  }
0xd1: {  	[sflag:s6] =	ssyncset.done $0x0  }
0xd2: {  	s0 =	rddreg [dreg:$0x1b];
	[sflag:s6] =	ssyncadd.s32 $0xFFFFF380  }
0xd3: {  	[spmem:s15], [sflag:s24] =	dma.local [hbm:s0], $0xC80  }
0xd4: {  	_ =	swait.ge [sflag:s18], $0xC80  }
0xd5: {  	[sflag:s18] =	ssyncset.done $0x0  }
0xd6: {  	s0 =	rddreg [dreg:$0x1c];
	[sflag:s18] =	ssyncadd.s32 $0xFFFFF380  }
0xd7: {  	[hbm:s0], [sflag:s25] =	dma.local [spmem:s19], $0xC80  }
0xd8: {  	_ =	swait.ge [sflag:s4], $0xC80  }
0xd9: {  	[sflag:s4] =	ssyncset.done $0x0  }
0xda: {  	s0 =	rddreg [dreg:$0x1d];
	[sflag:s4] =	ssyncadd.s32 $0xFFFFF380  }
0xdb: {  	[spmem:s10], [sflag:s26] =	dma.local [hbm:s0], $0xC80  }
0xdc: {  	_ =	swait.ge [sflag:s16], $0xC80  }
0xdd: {  	[sflag:s16] =	ssyncset.done $0x0  }
0xde: {  	s0 =	rddreg [dreg:$0x1e];
	[sflag:s16] =	ssyncadd.s32 $0xFFFFF380  }
0xdf: {  	[hbm:s0], [sflag:s28] =	dma.local [spmem:s15], $0xC80  }
0xe0: {  	_ =	swait.ge [sflag:s3], $0xC80  }
0xe1: {  	[sflag:s3] =	ssyncset.done $0x0  }
0xe2: {  	s0 =	rddreg [dreg:$0x1f];
	[sflag:s3] =	ssyncadd.s32 $0xFFFFF380  }
0xe3: {  	[spmem:s9], [sflag:s29] =	dma.local [hbm:s0], $0xC80  }
0xe4: {  	_ =	swait.ge [sflag:s14], $0xC80  }
0xe5: {  	s0 =	sld [smem:$0x7D2]  }
0xe6: {  	[sflag:s14] =	ssyncset.done $0x0  }
0xe7: {  	[sflag:s14] =	ssyncadd.s32 $0xFFFFF380  }
0xe8: {  	[hbm:s0], [sflag:s30] =	dma.local [spmem:s10], $0xC80  }
0xe9: {  	_ =	swait.ge [sflag:s7], $0xC80  }
0xea: {  	s0 =	sld [smem:$0x7D3]  }
0xeb: {  	[sflag:s7] =	ssyncset.done $0x0  }
0xec: {  	[sflag:s7] =	ssyncadd.s32 $0xFFFFF380  }
0xed: {  	[spmem:s19], [sflag:s17] =	dma.local [hbm:s0], $0xC80  }
0xee: {  	_ =	swait.ge [sflag:s12], $0xC80  }
0xef: {  	s0 =	sld [smem:$0x7D4]  }
0xf0: {  	[sflag:s12] =	ssyncset.done $0x0  }
0xf1: {  	[sflag:s12] =	ssyncadd.s32 $0xFFFFF380  }
0xf2: {  	[hbm:s0], [sflag:s31] =	dma.local [spmem:s9], $0xC80  }
0xf3: {  	_ =	swait.ge [sflag:s6], $0xC80  }
0xf4: {  	s0 =	sld [smem:$0x7D5]  }
0xf5: {  	[sflag:s6] =	ssyncset.done $0x0  }
0xf6: {  	[sflag:s6] =	ssyncadd.s32 $0xFFFFF380  }
0xf7: {  	[spmem:s15], [sflag:s24] =	dma.local [hbm:s0], $0xC80  }
0xf8: {  	_ =	swait.ge [sflag:s18], $0xC80  }
0xf9: {  	s0 =	sld [smem:$0x7D6]  }
0xfa: {  	[sflag:s18] =	ssyncset.done $0x0  }
0xfb: {  	[sflag:s18] =	ssyncadd.s32 $0xFFFFF380  }
0xfc: {  	[hbm:s0], [sflag:s25] =	dma.local [spmem:s19], $0xC80  }
0xfd: {  	_ =	swait.ge [sflag:s4], $0xC80  }
0xfe: {  	s0 =	sld [smem:$0x7D7]  }
0xff: {  	[sflag:s4] =	ssyncset.done $0x0  }
0x100: {  	[sflag:s4] =	ssyncadd.s32 $0xFFFFF380  }
0x101: {  	[spmem:s10], [sflag:s26] =	dma.local [hbm:s0], $0xC80  }
0x102: {  	_ =	swait.ge [sflag:s16], $0xC80  }
0x103: {  	s0 =	sld [smem:$0x7D8]  }
0x104: {  	[sflag:s16] =	ssyncset.done $0x0  }
0x105: {  	[sflag:s16] =	ssyncadd.s32 $0xFFFFF380  }
0x106: {  	[hbm:s0], [sflag:s28] =	dma.local [spmem:s15], $0xC80  }
0x107: {  	_ =	swait.ge [sflag:s3], $0xC80  }
0x108: {  	s0 =	sld [smem:$0x7D9]  }
0x109: {  	[sflag:s3] =	ssyncset.done $0x0  }
0x10a: {  	[sflag:s3] =	ssyncadd.s32 $0xFFFFF380  }
0x10b: {  	[spmem:s9], [sflag:s29] =	dma.local [hbm:s0], $0xC80  }
0x10c: {  	_ =	swait.ge [sflag:s14], $0xC80  }
0x10d: {  	s0 =	sld [smem:$0x7DA]  }
0x10e: {  	[sflag:s14] =	ssyncset.done $0x0  }
0x10f: {  	[sflag:s14] =	ssyncadd.s32 $0xFFFFF380  }
0x110: {  	[hbm:s0], [sflag:s30] =	dma.local [spmem:s10], $0xC80  }
0x111: {  	_ =	swait.ge [sflag:s7], $0xC80  }
0x112: {  	[sflag:s7] =	ssyncset.done $0x0  }
0x113: {  	[sflag:s7] =	ssyncadd.s32 $0xFFFFF380  }
0x114: {  	[spmem:s19], [sflag:s17] =	dma.local [hbm:s20], $0xC80  }
0x115: {  	_ =	swait.ge [sflag:s12], $0xC80  }
0x116: {  	s0 =	sld [smem:$0x7DB]  }
0x117: {  	[sflag:s12] =	ssyncset.done $0x0  }
0x118: {  	[sflag:s12] =	ssyncadd.s32 $0xFFFFF380  }
0x119: {  	[hbm:s0], [sflag:s31] =	dma.local [spmem:s9], $0xC80  }
0x11a: {  	_ =	swait.ge [sflag:s6], $0xC80  }
0x11b: {  	s0 =	sld [smem:$0x7DC]  }
0x11c: {  	[sflag:s6] =	ssyncset.done $0x0  }
0x11d: {  	[sflag:s6] =	ssyncadd.s32 $0xFFFFF380  }
0x11e: {  	[spmem:s15], [sflag:s24] =	dma.local [hbm:s0], $0xC80  }
0x11f: {  	_ =	swait.ge [sflag:s18], $0xC80  }
0x120: {  	s0 =	sld [smem:$0x7DD]  }
0x121: {  	[sflag:s18] =	ssyncset.done $0x0  }
0x122: {  	[sflag:s18] =	ssyncadd.s32 $0xFFFFF380  }
0x123: {  	[hbm:s0], [sflag:s25] =	dma.local [spmem:s19], $0xC80  }
0x124: {  	_ =	swait.ge [sflag:s4], $0xC80  }
0x125: {  	s0 =	sld [smem:$0x7DE]  }
0x126: {  	[sflag:s4] =	ssyncset.done $0x0  }
0x127: {  	[sflag:s4] =	ssyncadd.s32 $0xFFFFF380  }
0x128: {  	[spmem:s10], [sflag:s26] =	dma.local [hbm:s0], $0xC80  }
0x129: {  	_ =	swait.ge [sflag:s16], $0xC80  }
0x12a: {  	s0 =	sld [smem:$0x7DF]  }
0x12b: {  	[sflag:s16] =	ssyncset.done $0x0  }
0x12c: {  	[sflag:s16] =	ssyncadd.s32 $0xFFFFF380  }
0x12d: {  	[hbm:s0], [sflag:s28] =	dma.local [spmem:s15], $0xC80  }
0x12e: {  	_ =	swait.ge [sflag:s3], $0xC80  }
0x12f: {  	s0 =	sld [smem:$0x7E0]  }
0x130: {  	[sflag:s3] =	ssyncset.done $0x0  }
0x131: {  	[sflag:s3] =	ssyncadd.s32 $0xFFFFF380  }
0x132: {  	[spmem:s9], [sflag:s29] =	dma.local [hbm:s0], $0xC80  }
0x133: {  	_ =	swait.ge [sflag:s14], $0xC80  }
0x134: {  	s0 =	sld [smem:$0x7E1]  }
0x135: {  	[sflag:s14] =	ssyncset.done $0x0  }
0x136: {  	[sflag:s14] =	ssyncadd.s32 $0xFFFFF380  }
0x137: {  	[hbm:s0], [sflag:s30] =	dma.local [spmem:s10], $0xC80  }
0x138: {  	_ =	swait.ge [sflag:s7], $0xC80  }
0x139: {  	s0 =	sld [smem:$0x7E2]  }
0x13a: {  	[sflag:s7] =	ssyncset.done $0x0  }
0x13b: {  	[sflag:s7] =	ssyncadd.s32 $0xFFFFF380  }
0x13c: {  	[spmem:s19], [sflag:s17] =	dma.local [hbm:s0], $0xC80  }
0x13d: {  	_ =	swait.ge [sflag:s12], $0xC80  }
0x13e: {  	s0 =	sld [smem:$0x7E3]  }
0x13f: {  	[sflag:s12] =	ssyncset.done $0x0  }
0x140: {  	[sflag:s12] =	ssyncadd.s32 $0xFFFFF380  }
0x141: {  	[hbm:s0], [sflag:s31] =	dma.local [spmem:s9], $0xC80  }
0x142: {  	_ =	swait.ge [sflag:s6], $0xC80  }
0x143: {  	s0 =	sld [smem:$0x7E4]  }
0x144: {  	[sflag:s6] =	ssyncset.done $0x0  }
0x145: {  	[sflag:s6] =	ssyncadd.s32 $0xFFFFF380  }
0x146: {  	[spmem:s15], [sflag:s24] =	dma.local [hbm:s0], $0xC80  }
0x147: {  	_ =	swait.ge [sflag:s18], $0xC80  }
0x148: {  	s0 =	sld [smem:$0x7E5]  }
0x149: {  	[sflag:s18] =	ssyncset.done $0x0  }
0x14a: {  	[sflag:s18] =	ssyncadd.s32 $0xFFFFF380  }
0x14b: {  	[hbm:s0], [sflag:s25] =	dma.local [spmem:s19], $0xC80  }
0x14c: {  	_ =	swait.ge [sflag:s4], $0xC80  }
0x14d: {  	s0 =	sld [smem:$0x7E6]  }
0x14e: {  	[sflag:s4] =	ssyncset.done $0x0  }
0x14f: {  	[sflag:s4] =	ssyncadd.s32 $0xFFFFF380  }
0x150: {  	[spmem:s10], [sflag:s26] =	dma.local [hbm:s0], $0xC80  }
0x151: {  	_ =	swait.ge [sflag:s16], $0xC80  }
0x152: {  	s0 =	sld [smem:$0x7E7]  }
0x153: {  	[sflag:s16] =	ssyncset.done $0x0  }
0x154: {  	[sflag:s16] =	ssyncadd.s32 $0xFFFFF380  }
0x155: {  	[hbm:s0], [sflag:s28] =	dma.local [spmem:s15], $0xC80  }
0x156: {  	_ =	swait.ge [sflag:s3], $0xC80  }
0x157: {  	s0 =	sld [smem:$0x7E8]  }
0x158: {  	[sflag:s3] =	ssyncset.done $0x0  }
0x159: {  	[sflag:s3] =	ssyncadd.s32 $0xFFFFF380  }
0x15a: {  	[spmem:s9], [sflag:s29] =	dma.local [hbm:s0], $0xC80  }
0x15b: {  	_ =	swait.ge [sflag:s14], $0xC80  }
0x15c: {  	s0 =	sld [smem:$0x7E9]  }
0x15d: {  	[sflag:s14] =	ssyncset.done $0x0  }
0x15e: {  	[sflag:s14] =	ssyncadd.s32 $0xFFFFF380  }
0x15f: {  	[hbm:s0], [sflag:s30] =	dma.local [spmem:s10], $0xC80  }
0x160: {  	_ =	swait.ge [sflag:s7], $0xC80  }
0x161: {  	s0 =	sld [smem:$0x7EA]  }
0x162: {  	[sflag:s7] =	ssyncset.done $0x0  }
0x163: {  	[sflag:s7] =	ssyncadd.s32 $0xFFFFF380  }
0x164: {  	[spmem:s19], [sflag:s17] =	dma.local [hbm:s0], $0xC80  }
0x165: {  	_ =	swait.ge [sflag:s12], $0xC80  }
0x166: {  	s0 =	sld [smem:$0x7EB]  }
0x167: {  	[sflag:s12] =	ssyncset.done $0x0  }
0x168: {  	[sflag:s12] =	ssyncadd.s32 $0xFFFFF380  }
0x169: {  	[hbm:s0], [sflag:s31] =	dma.local [spmem:s9], $0xC80  }
0x16a: {  	_ =	swait.ge [sflag:s6], $0xC80  }
0x16b: {  	s0 =	sld [smem:$0x7EC]  }
0x16c: {  	[sflag:s6] =	ssyncset.done $0x0  }
0x16d: {  	[sflag:s6] =	ssyncadd.s32 $0xFFFFF380  }
0x16e: {  	[spmem:s15], [sflag:s24] =	dma.local [hbm:s0], $0xC80  }
0x16f: {  	_ =	swait.ge [sflag:s18], $0xC80  }
0x170: {  	s0 =	sld [smem:$0x7ED]  }
0x171: {  	[sflag:s18] =	ssyncset.done $0x0  }
0x172: {  	[sflag:s18] =	ssyncadd.s32 $0xFFFFF380  }
0x173: {  	[hbm:s0], [sflag:s25] =	dma.local [spmem:s19], $0xC80  }
0x174: {  	_ =	swait.ge [sflag:s4], $0xC80  }
0x175: {  	s0 =	sld [smem:$0x7EE]  }
0x176: {  	[sflag:s4] =	ssyncset.done $0x0  }
0x177: {  	[sflag:s4] =	ssyncadd.s32 $0xFFFFF380  }
0x178: {  	[spmem:s10], [sflag:s26] =	dma.local [hbm:s0], $0xC80  }
0x179: {  	_ =	swait.ge [sflag:s16], $0xC80  }
0x17a: {  	s0 =	sld [smem:$0x7EF]  }
0x17b: {  	[sflag:s16] =	ssyncset.done $0x0  }
0x17c: {  	[sflag:s16] =	ssyncadd.s32 $0xFFFFF380  }
0x17d: {  	[hbm:s0], [sflag:s28] =	dma.local [spmem:s15], $0xC80  }
0x17e: {  	_ =	swait.ge [sflag:s3], $0xC80  }
0x17f: {  	s0 =	sld [smem:$0x7F0]  }
0x180: {  	[sflag:s3] =	ssyncset.done $0x0  }
0x181: {  	[sflag:s3] =	ssyncadd.s32 $0xFFFFF380  }
0x182: {  	[spmem:s9], [sflag:s29] =	dma.local [hbm:s0], $0xC80  }
0x183: {  	_ =	swait.ge [sflag:s14], $0xC80  }
0x184: {  	s0 =	sld [smem:$0x7F1]  }
0x185: {  	[sflag:s14] =	ssyncset.done $0x0  }
0x186: {  	[sflag:s14] =	ssyncadd.s32 $0xFFFFF380  }
0x187: {  	[hbm:s0], [sflag:s30] =	dma.local [spmem:s10], $0xC80  }
0x188: {  	_ =	swait.ge [sflag:s7], $0xC80  }
0x189: {  	s0 =	sld [smem:$0x7F2]  }
0x18a: {  	[sflag:s7] =	ssyncset.done $0x0  }
0x18b: {  	[sflag:s7] =	ssyncadd.s32 $0xFFFFF380  }
0x18c: {  	[spmem:s19], [sflag:s17] =	dma.local [hbm:s0], $0xC80  }
0x18d: {  	_ =	swait.ge [sflag:s12], $0xC80  }
0x18e: {  	s0 =	sld [smem:$0x7F3]  }
0x18f: {  	[sflag:s12] =	ssyncset.done $0x0  }
0x190: {  	[sflag:s12] =	ssyncadd.s32 $0xFFFFF380  }
0x191: {  	[hbm:s0], [sflag:s31] =	dma.local [spmem:s9], $0xC80  }
0x192: {  	_ =	swait.ge [sflag:s6], $0xC80  }
0x193: {  	s0 =	sld [smem:$0x7F4]  }
0x194: {  	[sflag:s6] =	ssyncset.done $0x0  }
0x195: {  	[sflag:s6] =	ssyncadd.s32 $0xFFFFF380  }
0x196: {  	[spmem:s15], [sflag:s24] =	dma.local [hbm:s0], $0xC80  }
0x197: {  	_ =	swait.ge [sflag:s18], $0xC80  }
0x198: {  	s0 =	sld [smem:$0x7F5]  }
0x199: {  	[sflag:s18] =	ssyncset.done $0x0  }
0x19a: {  	[sflag:s18] =	ssyncadd.s32 $0xFFFFF380  }
0x19b: {  	[hbm:s0], [sflag:s25] =	dma.local [spmem:s19], $0xC80  }
0x19c: {  	_ =	swait.ge [sflag:s4], $0xC80  }
0x19d: {  	s0 =	sld [smem:$0x7F6]  }
0x19e: {  	[sflag:s4] =	ssyncset.done $0x0  }
0x19f: {  	[sflag:s4] =	ssyncadd.s32 $0xFFFFF380  }
0x1a0: {  	[spmem:s10], [sflag:s26] =	dma.local [hbm:s0], $0xC80  }
0x1a1: {  	_ =	swait.ge [sflag:s16], $0xC80  }
0x1a2: {  	s0 =	sld [smem:$0x7F7]  }
0x1a3: {  	[sflag:s16] =	ssyncset.done $0x0  }
0x1a4: {  	[sflag:s16] =	ssyncadd.s32 $0xFFFFF380  }
0x1a5: {  	[hbm:s0], [sflag:s28] =	dma.local [spmem:s15], $0xC80  }
0x1a6: {  	_ =	swait.ge [sflag:s3], $0xC80  }
0x1a7: {  	s0 =	sld [smem:$0x7F8]  }
0x1a8: {  	[sflag:s3] =	ssyncset.done $0x0  }
0x1a9: {  	[sflag:s3] =	ssyncadd.s32 $0xFFFFF380  }
0x1aa: {  	[spmem:s9], [sflag:s29] =	dma.local [hbm:s0], $0xC80  }
0x1ab: {  	_ =	swait.ge [sflag:s14], $0xC80  }
0x1ac: {  	s0 =	sld [smem:$0x7F9]  }
0x1ad: {  	[sflag:s14] =	ssyncset.done $0x0  }
0x1ae: {  	[sflag:s14] =	ssyncadd.s32 $0xFFFFF380  }
0x1af: {  	[hbm:s0], [sflag:s30] =	dma.local [spmem:s10], $0xC80  }
0x1b0: {  	_ =	swait.ge [sflag:s7], $0xC80  }
0x1b1: {  	s0 =	sld [smem:$0x7FA]  }
0x1b2: {  	[sflag:s7] =	ssyncset.done $0x0  }
0x1b3: {  	[sflag:s7] =	ssyncadd.s32 $0xFFFFF380  }
0x1b4: {  	[spmem:s19], [sflag:s17] =	dma.local [hbm:s0], $0xC80  }
0x1b5: {  	_ =	swait.ge [sflag:s12], $0xC80  }
0x1b6: {  	s0 =	sld [smem:$0x7FB]  }
0x1b7: {  	[sflag:s12] =	ssyncset.done $0x0  }
0x1b8: {  	[sflag:s12] =	ssyncadd.s32 $0xFFFFF380  }
0x1b9: {  	[hbm:s0], [sflag:s31] =	dma.local [spmem:s9], $0xC80  }
0x1ba: {  	_ =	swait.ge [sflag:s6], $0xC80  }
0x1bb: {  	s0 =	sld [smem:$0x7FC]  }
0x1bc: {  	[sflag:s6] =	ssyncset.done $0x0  }
0x1bd: {  	[sflag:s6] =	ssyncadd.s32 $0xFFFFF380  }
0x1be: {  	[spmem:s15], [sflag:s24] =	dma.local [hbm:s0], $0xC80  }
0x1bf: {  	_ =	swait.ge [sflag:s18], $0xC80  }
0x1c0: {  	s0 =	sld [smem:$0x7FD]  }
0x1c1: {  	[sflag:s18] =	ssyncset.done $0x0  }
0x1c2: {  	[sflag:s18] =	ssyncadd.s32 $0xFFFFF380  }
0x1c3: {  	[hbm:s0], [sflag:s25] =	dma.local [spmem:s19], $0xC80  }
0x1c4: {  	_ =	swait.ge [sflag:s4], $0xC80  }
0x1c5: {  	[sflag:s4] =	ssyncset.done $0x0  }
0x1c6: {  	[sflag:s4] =	ssyncadd.s32 $0xFFFFF380  }
0x1c7: {  	[spmem:s10], [sflag:s26] =	dma.local [hbm:s13], $0xC80  }
0x1c8: {  	_ =	swait.ge [sflag:s16], $0xC80  }
0x1c9: {  	[sflag:s16] =	ssyncset.done $0x0  }
0x1ca: {  	[sflag:s16] =	ssyncadd.s32 $0xFFFFF380  }
0x1cb: {  	[hbm:s11], [sflag:s28] =	dma.local [spmem:s15], $0xC80  }
0x1cc: {  	_ =	swait.ge [sflag:s3], $0xC80  }
0x1cd: {  	[sflag:s3] =	ssyncset.done $0x0  }
0x1ce: {  	[sflag:s3] =	ssyncadd.s32 $0xFFFFF380  }
0x1cf: {  	[spmem:s9], [sflag:s29] =	dma.local [hbm:s8], $0xC80  }
0x1d0: {  	_ =	swait.ge [sflag:s14], $0xC80  }
0x1d1: {  	[sflag:s14] =	ssyncset.done $0x0  }
0x1d2: {  	[sflag:s14] =	ssyncadd.s32 $0xFFFFF380  }
0x1d3: {  	[hbm:s5], [sflag:s30] =	dma.local [spmem:s10], $0xC80  }
0x1d4: {  	_ =	swait.ge [sflag:s12], $0xC80  }
0x1d5: {  	[sflag:s12] =	ssyncset.done $0x0  }
0x1d6: {  	[sflag:s12] =	ssyncadd.s32 $0xFFFFF380  }
0x1d7: {  	[hbm:s2], [sflag:s31] =	dma.local [spmem:s9], $0xC80  }
0x1d8: {  	_ =	swait.ge [sflag:s7], $0xC80  }
0x1d9: {  	[sflag:s7] =	ssyncset.done $0x0  }
0x1da: {  	[sflag:s7] =	ssyncadd.s32 $0xFFFFF380  }
0x1db: {  	_ =	swait.ge [sflag:s6], $0xC80  }
0x1dc: {  	[sflag:s6] =	ssyncset.done $0x0  }
0x1dd: {  	p1 =	sne.s32 s1, $0x1;
	[sflag:s6] =	ssyncadd.s32 $0xFFFFF380  }
.Ltmp1:
0x1de: {  	_ =	swait.ge [sflag:s4], $0xC80;
	(pc) =	sbr.rel @!p1 .LBB2_2-.Ltmp1, $4  }
0x1df: {  	[sflag:s4] =	ssyncset.done $0x0  }
0x1e0: {  	[sflag:s4] =	ssyncadd.s32 $0xFFFFF380  }
0x1e1: {  	_ =	swait.ge [sflag:s3], $0xC80  }
0x1e2: {  	s1 =	sadd.s32 $0xFFFFFFFF, s1;
	p0 =	por $0x1, $0x1;
	[sflag:s3] =	ssyncset.done $0x0  }
.LBB2_3:
0x1e3: {  	[sflag:s3] =	ssyncadd.s32 $0xFFFFF380  }
0x1e4: {  	[spmem:s19], [sflag:s17] =	dma.local [hbm:s22], $0xC80  }
0x1e5: {  	s0 =	rddreg [dreg:$0x4]  }
0x1e6: {  	[spmem:s15], [sflag:s24] =	dma.local [hbm:s0], $0xC80  }
0x1e7: {  	_ =	swait.ge [sflag:s18], $0xC80  }
0x1e8: {  	[sflag:s18] =	ssyncset.done $0x0  }
0x1e9: {  	[sflag:s18] =	ssyncadd.s32 $0xFFFFF380  }
0x1ea: {  	[hbm:s21], [sflag:s25] =	dma.local [spmem:s19], $0xC80  }
0x1eb: {  	s0 =	rddreg [dreg:$0x5]  }
0x1ec: {  	[spmem:s10], [sflag:s26] =	dma.local [hbm:s0], $0xC80  }
0x1ed: {  	_ =	swait.ge [sflag:s16], $0xC80  }
0x1ee: {  	[sflag:s16] =	ssyncset.done $0x0  }
0x1ef: {  	s0 =	rddreg [dreg:$0x6];
	[sflag:s16] =	ssyncadd.s32 $0xFFFFF380  }
0x1f0: {  	[hbm:s0], [sflag:s28] =	dma.local [spmem:s15], $0xC80  }
0x1f1: {  	s0 =	rddreg [dreg:$0x7]  }
0x1f2: {  	[spmem:s9], [sflag:s29] =	dma.local [hbm:s0], $0xC80  }
0x1f3: {  	_ =	swait.ge [sflag:s14], $0xC80  }
0x1f4: {  	[sflag:s14] =	ssyncset.done $0x0  }
0x1f5: {  	s0 =	rddreg [dreg:$0x8];
	[sflag:s14] =	ssyncadd.s32 $0xFFFFF380  }
0x1f6: {  	[hbm:s0], [sflag:s30] =	dma.local [spmem:s10], $0xC80  }
0x1f7: {  	_ =	swait.ge [sflag:s7], $0xC80  }
0x1f8: {  	[sflag:s7] =	ssyncset.done $0x0  }
0x1f9: {  	s0 =	rddreg [dreg:$0x9];
	[sflag:s7] =	ssyncadd.s32 $0xFFFFF380  }
0x1fa: {  	[spmem:s19], [sflag:s17] =	dma.local [hbm:s0], $0xC80  }
0x1fb: {  	_ =	swait.ge [sflag:s12], $0xC80  }
0x1fc: {  	[sflag:s12] =	ssyncset.done $0x0  }
0x1fd: {  	s0 =	rddreg [dreg:$0xa];
	[sflag:s12] =	ssyncadd.s32 $0xFFFFF380  }
0x1fe: {  	[hbm:s0], [sflag:s31] =	dma.local [spmem:s9], $0xC80  }
0x1ff: {  	_ =	swait.ge [sflag:s6], $0xC80  }
0x200: {  	[sflag:s6] =	ssyncset.done $0x0  }
0x201: {  	s0 =	rddreg [dreg:$0xb];
	[sflag:s6] =	ssyncadd.s32 $0xFFFFF380  }
0x202: {  	[spmem:s15], [sflag:s24] =	dma.local [hbm:s0], $0xC80  }
0x203: {  	_ =	swait.ge [sflag:s18], $0xC80  }
0x204: {  	[sflag:s18] =	ssyncset.done $0x0  }
0x205: {  	s0 =	rddreg [dreg:$0xc];
	[sflag:s18] =	ssyncadd.s32 $0xFFFFF380  }
0x206: {  	[hbm:s0], [sflag:s25] =	dma.local [spmem:s19], $0xC80  }
0x207: {  	_ =	swait.ge [sflag:s4], $0xC80  }
0x208: {  	[sflag:s4] =	ssyncset.done $0x0  }
0x209: {  	s0 =	rddreg [dreg:$0xd];
	[sflag:s4] =	ssyncadd.s32 $0xFFFFF380  }
0x20a: {  	[spmem:s10], [sflag:s26] =	dma.local [hbm:s0], $0xC80  }
0x20b: {  	_ =	swait.ge [sflag:s16], $0xC80  }
0x20c: {  	[sflag:s16] =	ssyncset.done $0x0  }
0x20d: {  	s0 =	rddreg [dreg:$0xe];
	[sflag:s16] =	ssyncadd.s32 $0xFFFFF380  }
0x20e: {  	[hbm:s0], [sflag:s28] =	dma.local [spmem:s15], $0xC80  }
0x20f: {  	_ =	swait.ge [sflag:s3], $0xC80  }
0x210: {  	[sflag:s3] =	ssyncset.done $0x0  }
0x211: {  	s0 =	rddreg [dreg:$0xf];
	[sflag:s3] =	ssyncadd.s32 $0xFFFFF380  }
0x212: {  	[spmem:s9], [sflag:s29] =	dma.local [hbm:s0], $0xC80  }
0x213: {  	_ =	swait.ge [sflag:s14], $0xC80  }
0x214: {  	[sflag:s14] =	ssyncset.done $0x0  }
0x215: {  	s0 =	rddreg [dreg:$0x10];
	[sflag:s14] =	ssyncadd.s32 $0xFFFFF380  }
0x216: {  	[hbm:s0], [sflag:s30] =	dma.local [spmem:s10], $0xC80  }
0x217: {  	_ =	swait.ge [sflag:s7], $0xC80  }
0x218: {  	[sflag:s7] =	ssyncset.done $0x0  }
0x219: {  	s0 =	rddreg [dreg:$0x11];
	[sflag:s7] =	ssyncadd.s32 $0xFFFFF380  }
0x21a: {  	[spmem:s19], [sflag:s17] =	dma.local [hbm:s0], $0xC80  }
0x21b: {  	_ =	swait.ge [sflag:s12], $0xC80  }
0x21c: {  	[sflag:s12] =	ssyncset.done $0x0  }
0x21d: {  	s0 =	rddreg [dreg:$0x12];
	[sflag:s12] =	ssyncadd.s32 $0xFFFFF380  }
0x21e: {  	[hbm:s0], [sflag:s31] =	dma.local [spmem:s9], $0xC80  }
0x21f: {  	_ =	swait.ge [sflag:s6], $0xC80  }
0x220: {  	[sflag:s6] =	ssyncset.done $0x0  }
0x221: {  	s0 =	rddreg [dreg:$0x13];
	[sflag:s6] =	ssyncadd.s32 $0xFFFFF380  }
0x222: {  	[spmem:s15], [sflag:s24] =	dma.local [hbm:s0], $0xC80  }
0x223: {  	_ =	swait.ge [sflag:s18], $0xC80  }
0x224: {  	[sflag:s18] =	ssyncset.done $0x0  }
0x225: {  	s0 =	rddreg [dreg:$0x14];
	[sflag:s18] =	ssyncadd.s32 $0xFFFFF380  }
0x226: {  	[hbm:s0], [sflag:s25] =	dma.local [spmem:s19], $0xC80  }
0x227: {  	_ =	swait.ge [sflag:s4], $0xC80  }
0x228: {  	[sflag:s4] =	ssyncset.done $0x0  }
0x229: {  	s0 =	rddreg [dreg:$0x15];
	[sflag:s4] =	ssyncadd.s32 $0xFFFFF380  }
0x22a: {  	[spmem:s10], [sflag:s26] =	dma.local [hbm:s0], $0xC80  }
0x22b: {  	_ =	swait.ge [sflag:s16], $0xC80  }
0x22c: {  	[sflag:s16] =	ssyncset.done $0x0  }
0x22d: {  	s0 =	rddreg [dreg:$0x16];
	[sflag:s16] =	ssyncadd.s32 $0xFFFFF380  }
0x22e: {  	[hbm:s0], [sflag:s28] =	dma.local [spmem:s15], $0xC80  }
0x22f: {  	_ =	swait.ge [sflag:s3], $0xC80  }
0x230: {  	[sflag:s3] =	ssyncset.done $0x0  }
0x231: {  	s0 =	rddreg [dreg:$0x17];
	[sflag:s3] =	ssyncadd.s32 $0xFFFFF380  }
0x232: {  	[spmem:s9], [sflag:s29] =	dma.local [hbm:s0], $0xC80  }
0x233: {  	_ =	swait.ge [sflag:s14], $0xC80  }
0x234: {  	[sflag:s14] =	ssyncset.done $0x0  }
0x235: {  	s0 =	rddreg [dreg:$0x18];
	[sflag:s14] =	ssyncadd.s32 $0xFFFFF380  }
0x236: {  	[hbm:s0], [sflag:s30] =	dma.local [spmem:s10], $0xC80  }
0x237: {  	_ =	swait.ge [sflag:s7], $0xC80  }
0x238: {  	[sflag:s7] =	ssyncset.done $0x0  }
0x239: {  	s0 =	rddreg [dreg:$0x19];
	[sflag:s7] =	ssyncadd.s32 $0xFFFFF380  }
0x23a: {  	[spmem:s19], [sflag:s17] =	dma.local [hbm:s0], $0xC80  }
0x23b: {  	_ =	swait.ge [sflag:s12], $0xC80  }
0x23c: {  	[sflag:s12] =	ssyncset.done $0x0  }
0x23d: {  	s0 =	rddreg [dreg:$0x1a];
	[sflag:s12] =	ssyncadd.s32 $0xFFFFF380  }
0x23e: {  	[hbm:s0], [sflag:s31] =	dma.local [spmem:s9], $0xC80  }
0x23f: {  	_ =	swait.ge [sflag:s6], $0xC80  }
0x240: {  	[sflag:s6] =	ssyncset.done $0x0  }
0x241: {  	s0 =	rddreg [dreg:$0x1b];
	[sflag:s6] =	ssyncadd.s32 $0xFFFFF380  }
0x242: {  	[spmem:s15], [sflag:s24] =	dma.local [hbm:s0], $0xC80  }
0x243: {  	_ =	swait.ge [sflag:s18], $0xC80  }
0x244: {  	[sflag:s18] =	ssyncset.done $0x0  }
0x245: {  	s0 =	rddreg [dreg:$0x1c];
	[sflag:s18] =	ssyncadd.s32 $0xFFFFF380  }
0x246: {  	[hbm:s0], [sflag:s25] =	dma.local [spmem:s19], $0xC80  }
0x247: {  	_ =	swait.ge [sflag:s4], $0xC80  }
0x248: {  	[sflag:s4] =	ssyncset.done $0x0  }
0x249: {  	s0 =	rddreg [dreg:$0x1d];
	[sflag:s4] =	ssyncadd.s32 $0xFFFFF380  }
0x24a: {  	[spmem:s10], [sflag:s26] =	dma.local [hbm:s0], $0xC80  }
0x24b: {  	_ =	swait.ge [sflag:s16], $0xC80  }
0x24c: {  	[sflag:s16] =	ssyncset.done $0x0  }
0x24d: {  	s0 =	rddreg [dreg:$0x1e];
	[sflag:s16] =	ssyncadd.s32 $0xFFFFF380  }
0x24e: {  	[hbm:s0], [sflag:s28] =	dma.local [spmem:s15], $0xC80  }
0x24f: {  	_ =	swait.ge [sflag:s3], $0xC80  }
0x250: {  	[sflag:s3] =	ssyncset.done $0x0  }
0x251: {  	s0 =	rddreg [dreg:$0x1f];
	[sflag:s3] =	ssyncadd.s32 $0xFFFFF380  }
0x252: {  	[spmem:s9], [sflag:s29] =	dma.local [hbm:s0], $0xC80  }
0x253: {  	_ =	swait.ge [sflag:s14], $0xC80  }
0x254: {  	s0 =	sld [smem:$0x7D2]  }
0x255: {  	[sflag:s14] =	ssyncset.done $0x0  }
0x256: {  	[sflag:s14] =	ssyncadd.s32 $0xFFFFF380  }
0x257: {  	[hbm:s0], [sflag:s30] =	dma.local [spmem:s10], $0xC80  }
0x258: {  	_ =	swait.ge [sflag:s7], $0xC80  }
0x259: {  	s0 =	sld [smem:$0x7D3]  }
0x25a: {  	[sflag:s7] =	ssyncset.done $0x0  }
0x25b: {  	[sflag:s7] =	ssyncadd.s32 $0xFFFFF380  }
0x25c: {  	[spmem:s19], [sflag:s17] =	dma.local [hbm:s0], $0xC80  }
0x25d: {  	_ =	swait.ge [sflag:s12], $0xC80  }
0x25e: {  	s0 =	sld [smem:$0x7D4]  }
0x25f: {  	[sflag:s12] =	ssyncset.done $0x0  }
0x260: {  	[sflag:s12] =	ssyncadd.s32 $0xFFFFF380  }
0x261: {  	[hbm:s0], [sflag:s31] =	dma.local [spmem:s9], $0xC80  }
0x262: {  	_ =	swait.ge [sflag:s6], $0xC80  }
0x263: {  	s0 =	sld [smem:$0x7D5]  }
0x264: {  	[sflag:s6] =	ssyncset.done $0x0  }
0x265: {  	[sflag:s6] =	ssyncadd.s32 $0xFFFFF380  }
0x266: {  	[spmem:s15], [sflag:s24] =	dma.local [hbm:s0], $0xC80  }
0x267: {  	_ =	swait.ge [sflag:s18], $0xC80  }
0x268: {  	s0 =	sld [smem:$0x7D6]  }
0x269: {  	[sflag:s18] =	ssyncset.done $0x0  }
0x26a: {  	[sflag:s18] =	ssyncadd.s32 $0xFFFFF380  }
0x26b: {  	[hbm:s0], [sflag:s25] =	dma.local [spmem:s19], $0xC80  }
0x26c: {  	_ =	swait.ge [sflag:s4], $0xC80  }
0x26d: {  	s0 =	sld [smem:$0x7D7]  }
0x26e: {  	[sflag:s4] =	ssyncset.done $0x0  }
0x26f: {  	[sflag:s4] =	ssyncadd.s32 $0xFFFFF380  }
0x270: {  	[spmem:s10], [sflag:s26] =	dma.local [hbm:s0], $0xC80  }
0x271: {  	_ =	swait.ge [sflag:s16], $0xC80  }
0x272: {  	s0 =	sld [smem:$0x7D8]  }
0x273: {  	[sflag:s16] =	ssyncset.done $0x0  }
0x274: {  	[sflag:s16] =	ssyncadd.s32 $0xFFFFF380  }
0x275: {  	[hbm:s0], [sflag:s28] =	dma.local [spmem:s15], $0xC80  }
0x276: {  	_ =	swait.ge [sflag:s3], $0xC80  }
0x277: {  	s0 =	sld [smem:$0x7D9]  }
0x278: {  	[sflag:s3] =	ssyncset.done $0x0  }
0x279: {  	[sflag:s3] =	ssyncadd.s32 $0xFFFFF380  }
0x27a: {  	[spmem:s9], [sflag:s29] =	dma.local [hbm:s0], $0xC80  }
0x27b: {  	_ =	swait.ge [sflag:s14], $0xC80  }
0x27c: {  	s0 =	sld [smem:$0x7DA]  }
0x27d: {  	[sflag:s14] =	ssyncset.done $0x0  }
0x27e: {  	[sflag:s14] =	ssyncadd.s32 $0xFFFFF380  }
0x27f: {  	[hbm:s0], [sflag:s30] =	dma.local [spmem:s10], $0xC80  }
0x280: {  	_ =	swait.ge [sflag:s7], $0xC80  }
0x281: {  	[sflag:s7] =	ssyncset.done $0x0  }
0x282: {  	[sflag:s7] =	ssyncadd.s32 $0xFFFFF380  }
0x283: {  	[spmem:s19], [sflag:s17] =	dma.local [hbm:s20], $0xC80  }
0x284: {  	_ =	swait.ge [sflag:s12], $0xC80  }
0x285: {  	s0 =	sld [smem:$0x7DB]  }
0x286: {  	[sflag:s12] =	ssyncset.done $0x0  }
0x287: {  	[sflag:s12] =	ssyncadd.s32 $0xFFFFF380  }
0x288: {  	[hbm:s0], [sflag:s31] =	dma.local [spmem:s9], $0xC80  }
0x289: {  	_ =	swait.ge [sflag:s6], $0xC80  }
0x28a: {  	s0 =	sld [smem:$0x7DC]  }
0x28b: {  	[sflag:s6] =	ssyncset.done $0x0  }
0x28c: {  	[sflag:s6] =	ssyncadd.s32 $0xFFFFF380  }
0x28d: {  	[spmem:s15], [sflag:s24] =	dma.local [hbm:s0], $0xC80  }
0x28e: {  	_ =	swait.ge [sflag:s18], $0xC80  }
0x28f: {  	s0 =	sld [smem:$0x7DD]  }
0x290: {  	[sflag:s18] =	ssyncset.done $0x0  }
0x291: {  	[sflag:s18] =	ssyncadd.s32 $0xFFFFF380  }
0x292: {  	[hbm:s0], [sflag:s25] =	dma.local [spmem:s19], $0xC80  }
0x293: {  	_ =	swait.ge [sflag:s4], $0xC80  }
0x294: {  	s0 =	sld [smem:$0x7DE]  }
0x295: {  	[sflag:s4] =	ssyncset.done $0x0  }
0x296: {  	[sflag:s4] =	ssyncadd.s32 $0xFFFFF380  }
0x297: {  	[spmem:s10], [sflag:s26] =	dma.local [hbm:s0], $0xC80  }
0x298: {  	_ =	swait.ge [sflag:s16], $0xC80  }
0x299: {  	s0 =	sld [smem:$0x7DF]  }
0x29a: {  	[sflag:s16] =	ssyncset.done $0x0  }
0x29b: {  	[sflag:s16] =	ssyncadd.s32 $0xFFFFF380  }
0x29c: {  	[hbm:s0], [sflag:s28] =	dma.local [spmem:s15], $0xC80  }
0x29d: {  	_ =	swait.ge [sflag:s3], $0xC80  }
0x29e: {  	s0 =	sld [smem:$0x7E0]  }
0x29f: {  	[sflag:s3] =	ssyncset.done $0x0  }
0x2a0: {  	[sflag:s3] =	ssyncadd.s32 $0xFFFFF380  }
0x2a1: {  	[spmem:s9], [sflag:s29] =	dma.local [hbm:s0], $0xC80  }
0x2a2: {  	_ =	swait.ge [sflag:s14], $0xC80  }
0x2a3: {  	s0 =	sld [smem:$0x7E1]  }
0x2a4: {  	[sflag:s14] =	ssyncset.done $0x0  }
0x2a5: {  	[sflag:s14] =	ssyncadd.s32 $0xFFFFF380  }
0x2a6: {  	[hbm:s0], [sflag:s30] =	dma.local [spmem:s10], $0xC80  }
0x2a7: {  	_ =	swait.ge [sflag:s7], $0xC80  }
0x2a8: {  	s0 =	sld [smem:$0x7E2]  }
0x2a9: {  	[sflag:s7] =	ssyncset.done $0x0  }
0x2aa: {  	[sflag:s7] =	ssyncadd.s32 $0xFFFFF380  }
0x2ab: {  	[spmem:s19], [sflag:s17] =	dma.local [hbm:s0], $0xC80  }
0x2ac: {  	_ =	swait.ge [sflag:s12], $0xC80  }
0x2ad: {  	s0 =	sld [smem:$0x7E3]  }
0x2ae: {  	[sflag:s12] =	ssyncset.done $0x0  }
0x2af: {  	[sflag:s12] =	ssyncadd.s32 $0xFFFFF380  }
0x2b0: {  	[hbm:s0], [sflag:s31] =	dma.local [spmem:s9], $0xC80  }
0x2b1: {  	_ =	swait.ge [sflag:s6], $0xC80  }
0x2b2: {  	s0 =	sld [smem:$0x7E4]  }
0x2b3: {  	[sflag:s6] =	ssyncset.done $0x0  }
0x2b4: {  	[sflag:s6] =	ssyncadd.s32 $0xFFFFF380  }
0x2b5: {  	[spmem:s15], [sflag:s24] =	dma.local [hbm:s0], $0xC80  }
0x2b6: {  	_ =	swait.ge [sflag:s18], $0xC80  }
0x2b7: {  	s0 =	sld [smem:$0x7E5]  }
0x2b8: {  	[sflag:s18] =	ssyncset.done $0x0  }
0x2b9: {  	[sflag:s18] =	ssyncadd.s32 $0xFFFFF380  }
0x2ba: {  	[hbm:s0], [sflag:s25] =	dma.local [spmem:s19], $0xC80  }
0x2bb: {  	_ =	swait.ge [sflag:s4], $0xC80  }
0x2bc: {  	s0 =	sld [smem:$0x7E6]  }
0x2bd: {  	[sflag:s4] =	ssyncset.done $0x0  }
0x2be: {  	[sflag:s4] =	ssyncadd.s32 $0xFFFFF380  }
0x2bf: {  	[spmem:s10], [sflag:s26] =	dma.local [hbm:s0], $0xC80  }
0x2c0: {  	_ =	swait.ge [sflag:s16], $0xC80  }
0x2c1: {  	s0 =	sld [smem:$0x7E7]  }
0x2c2: {  	[sflag:s16] =	ssyncset.done $0x0  }
0x2c3: {  	[sflag:s16] =	ssyncadd.s32 $0xFFFFF380  }
0x2c4: {  	[hbm:s0], [sflag:s28] =	dma.local [spmem:s15], $0xC80  }
0x2c5: {  	_ =	swait.ge [sflag:s3], $0xC80  }
0x2c6: {  	s0 =	sld [smem:$0x7E8]  }
0x2c7: {  	[sflag:s3] =	ssyncset.done $0x0  }
0x2c8: {  	[sflag:s3] =	ssyncadd.s32 $0xFFFFF380  }
0x2c9: {  	[spmem:s9], [sflag:s29] =	dma.local [hbm:s0], $0xC80  }
0x2ca: {  	_ =	swait.ge [sflag:s14], $0xC80  }
0x2cb: {  	s0 =	sld [smem:$0x7E9]  }
0x2cc: {  	[sflag:s14] =	ssyncset.done $0x0  }
0x2cd: {  	[sflag:s14] =	ssyncadd.s32 $0xFFFFF380  }
0x2ce: {  	[hbm:s0], [sflag:s30] =	dma.local [spmem:s10], $0xC80  }
0x2cf: {  	_ =	swait.ge [sflag:s7], $0xC80  }
0x2d0: {  	s0 =	sld [smem:$0x7EA]  }
0x2d1: {  	[sflag:s7] =	ssyncset.done $0x0  }
0x2d2: {  	[sflag:s7] =	ssyncadd.s32 $0xFFFFF380  }
0x2d3: {  	[spmem:s19], [sflag:s17] =	dma.local [hbm:s0], $0xC80  }
0x2d4: {  	_ =	swait.ge [sflag:s12], $0xC80  }
0x2d5: {  	s0 =	sld [smem:$0x7EB]  }
0x2d6: {  	[sflag:s12] =	ssyncset.done $0x0  }
0x2d7: {  	[sflag:s12] =	ssyncadd.s32 $0xFFFFF380  }
0x2d8: {  	[hbm:s0], [sflag:s31] =	dma.local [spmem:s9], $0xC80  }
0x2d9: {  	_ =	swait.ge [sflag:s6], $0xC80  }
0x2da: {  	s0 =	sld [smem:$0x7EC]  }
0x2db: {  	[sflag:s6] =	ssyncset.done $0x0  }
0x2dc: {  	[sflag:s6] =	ssyncadd.s32 $0xFFFFF380  }
0x2dd: {  	[spmem:s15], [sflag:s24] =	dma.local [hbm:s0], $0xC80  }
0x2de: {  	_ =	swait.ge [sflag:s18], $0xC80  }
0x2df: {  	s0 =	sld [smem:$0x7ED]  }
0x2e0: {  	[sflag:s18] =	ssyncset.done $0x0  }
0x2e1: {  	[sflag:s18] =	ssyncadd.s32 $0xFFFFF380  }
0x2e2: {  	[hbm:s0], [sflag:s25] =	dma.local [spmem:s19], $0xC80  }
0x2e3: {  	_ =	swait.ge [sflag:s4], $0xC80  }
0x2e4: {  	s0 =	sld [smem:$0x7EE]  }
0x2e5: {  	[sflag:s4] =	ssyncset.done $0x0  }
0x2e6: {  	[sflag:s4] =	ssyncadd.s32 $0xFFFFF380  }
0x2e7: {  	[spmem:s10], [sflag:s26] =	dma.local [hbm:s0], $0xC80  }
0x2e8: {  	_ =	swait.ge [sflag:s16], $0xC80  }
0x2e9: {  	s0 =	sld [smem:$0x7EF]  }
0x2ea: {  	[sflag:s16] =	ssyncset.done $0x0  }
0x2eb: {  	[sflag:s16] =	ssyncadd.s32 $0xFFFFF380  }
0x2ec: {  	[hbm:s0], [sflag:s28] =	dma.local [spmem:s15], $0xC80  }
0x2ed: {  	_ =	swait.ge [sflag:s3], $0xC80  }
0x2ee: {  	s0 =	sld [smem:$0x7F0]  }
0x2ef: {  	[sflag:s3] =	ssyncset.done $0x0  }
0x2f0: {  	[sflag:s3] =	ssyncadd.s32 $0xFFFFF380  }
0x2f1: {  	[spmem:s9], [sflag:s29] =	dma.local [hbm:s0], $0xC80  }
0x2f2: {  	_ =	swait.ge [sflag:s14], $0xC80  }
0x2f3: {  	s0 =	sld [smem:$0x7F1]  }
0x2f4: {  	[sflag:s14] =	ssyncset.done $0x0  }
0x2f5: {  	[sflag:s14] =	ssyncadd.s32 $0xFFFFF380  }
0x2f6: {  	[hbm:s0], [sflag:s30] =	dma.local [spmem:s10], $0xC80  }
0x2f7: {  	_ =	swait.ge [sflag:s7], $0xC80  }
0x2f8: {  	s0 =	sld [smem:$0x7F2]  }
0x2f9: {  	[sflag:s7] =	ssyncset.done $0x0  }
0x2fa: {  	[sflag:s7] =	ssyncadd.s32 $0xFFFFF380  }
0x2fb: {  	[spmem:s19], [sflag:s17] =	dma.local [hbm:s0], $0xC80  }
0x2fc: {  	_ =	swait.ge [sflag:s12], $0xC80  }
0x2fd: {  	s0 =	sld [smem:$0x7F3]  }
0x2fe: {  	[sflag:s12] =	ssyncset.done $0x0  }
0x2ff: {  	[sflag:s12] =	ssyncadd.s32 $0xFFFFF380  }
0x300: {  	[hbm:s0], [sflag:s31] =	dma.local [spmem:s9], $0xC80  }
0x301: {  	_ =	swait.ge [sflag:s6], $0xC80  }
0x302: {  	s0 =	sld [smem:$0x7F4]  }
0x303: {  	[sflag:s6] =	ssyncset.done $0x0  }
0x304: {  	[sflag:s6] =	ssyncadd.s32 $0xFFFFF380  }
0x305: {  	[spmem:s15], [sflag:s24] =	dma.local [hbm:s0], $0xC80  }
0x306: {  	_ =	swait.ge [sflag:s18], $0xC80  }
0x307: {  	s0 =	sld [smem:$0x7F5]  }
0x308: {  	[sflag:s18] =	ssyncset.done $0x0  }
0x309: {  	[sflag:s18] =	ssyncadd.s32 $0xFFFFF380  }
0x30a: {  	[hbm:s0], [sflag:s25] =	dma.local [spmem:s19], $0xC80  }
0x30b: {  	_ =	swait.ge [sflag:s4], $0xC80  }
0x30c: {  	s0 =	sld [smem:$0x7F6]  }
0x30d: {  	[sflag:s4] =	ssyncset.done $0x0  }
0x30e: {  	[sflag:s4] =	ssyncadd.s32 $0xFFFFF380  }
0x30f: {  	[spmem:s10], [sflag:s26] =	dma.local [hbm:s0], $0xC80  }
0x310: {  	_ =	swait.ge [sflag:s16], $0xC80  }
0x311: {  	s0 =	sld [smem:$0x7F7]  }
0x312: {  	[sflag:s16] =	ssyncset.done $0x0  }
0x313: {  	[sflag:s16] =	ssyncadd.s32 $0xFFFFF380  }
0x314: {  	[hbm:s0], [sflag:s28] =	dma.local [spmem:s15], $0xC80  }
0x315: {  	_ =	swait.ge [sflag:s3], $0xC80  }
0x316: {  	s0 =	sld [smem:$0x7F8]  }
0x317: {  	[sflag:s3] =	ssyncset.done $0x0  }
0x318: {  	[sflag:s3] =	ssyncadd.s32 $0xFFFFF380  }
0x319: {  	[spmem:s9], [sflag:s29] =	dma.local [hbm:s0], $0xC80  }
0x31a: {  	_ =	swait.ge [sflag:s14], $0xC80  }
0x31b: {  	s0 =	sld [smem:$0x7F9]  }
0x31c: {  	[sflag:s14] =	ssyncset.done $0x0  }
0x31d: {  	[sflag:s14] =	ssyncadd.s32 $0xFFFFF380  }
0x31e: {  	[hbm:s0], [sflag:s30] =	dma.local [spmem:s10], $0xC80  }
0x31f: {  	_ =	swait.ge [sflag:s7], $0xC80  }
0x320: {  	s0 =	sld [smem:$0x7FA]  }
0x321: {  	[sflag:s7] =	ssyncset.done $0x0  }
0x322: {  	[sflag:s7] =	ssyncadd.s32 $0xFFFFF380  }
0x323: {  	[spmem:s19], [sflag:s17] =	dma.local [hbm:s0], $0xC80  }
0x324: {  	_ =	swait.ge [sflag:s12], $0xC80  }
0x325: {  	s0 =	sld [smem:$0x7FB]  }
0x326: {  	[sflag:s12] =	ssyncset.done $0x0  }
0x327: {  	[sflag:s12] =	ssyncadd.s32 $0xFFFFF380  }
0x328: {  	[hbm:s0], [sflag:s31] =	dma.local [spmem:s9], $0xC80  }
0x329: {  	_ =	swait.ge [sflag:s6], $0xC80  }
0x32a: {  	s0 =	sld [smem:$0x7FC]  }
0x32b: {  	[sflag:s6] =	ssyncset.done $0x0  }
0x32c: {  	[sflag:s6] =	ssyncadd.s32 $0xFFFFF380  }
0x32d: {  	[spmem:s15], [sflag:s24] =	dma.local [hbm:s0], $0xC80  }
0x32e: {  	_ =	swait.ge [sflag:s18], $0xC80  }
0x32f: {  	s0 =	sld [smem:$0x7FD]  }
0x330: {  	[sflag:s18] =	ssyncset.done $0x0  }
0x331: {  	[sflag:s18] =	ssyncadd.s32 $0xFFFFF380  }
0x332: {  	[hbm:s0], [sflag:s25] =	dma.local [spmem:s19], $0xC80  }
0x333: {  	_ =	swait.ge [sflag:s4], $0xC80  }
0x334: {  	[sflag:s4] =	ssyncset.done $0x0  }
0x335: {  	[sflag:s4] =	ssyncadd.s32 $0xFFFFF380  }
0x336: {  	[spmem:s10], [sflag:s26] =	dma.local [hbm:s13], $0xC80  }
0x337: {  	_ =	swait.ge [sflag:s16], $0xC80  }
0x338: {  	[sflag:s16] =	ssyncset.done $0x0  }
0x339: {  	[sflag:s16] =	ssyncadd.s32 $0xFFFFF380  }
0x33a: {  	[hbm:s11], [sflag:s28] =	dma.local [spmem:s15], $0xC80  }
0x33b: {  	_ =	swait.ge [sflag:s3], $0xC80  }
0x33c: {  	[sflag:s3] =	ssyncset.done $0x0  }
0x33d: {  	[sflag:s3] =	ssyncadd.s32 $0xFFFFF380  }
0x33e: {  	[spmem:s9], [sflag:s29] =	dma.local [hbm:s8], $0xC80  }
0x33f: {  	_ =	swait.ge [sflag:s14], $0xC80  }
0x340: {  	[sflag:s14] =	ssyncset.done $0x0  }
0x341: {  	[sflag:s14] =	ssyncadd.s32 $0xFFFFF380  }
0x342: {  	[hbm:s5], [sflag:s30] =	dma.local [spmem:s10], $0xC80  }
0x343: {  	_ =	swait.ge [sflag:s12], $0xC80  }
0x344: {  	[sflag:s12] =	ssyncset.done $0x0  }
0x345: {  	[sflag:s12] =	ssyncadd.s32 $0xFFFFF380  }
0x346: {  	[hbm:s2], [sflag:s31] =	dma.local [spmem:s9], $0xC80  }
0x347: {  	_ =	swait.ge [sflag:s7], $0xC80  }
0x348: {  	[sflag:s7] =	ssyncset.done $0x0  }
0x349: {  	[sflag:s7] =	ssyncadd.s32 $0xFFFFF380  }
0x34a: {  	_ =	swait.ge [sflag:s6], $0xC80  }
0x34b: {  	[sflag:s6] =	ssyncset.done $0x0  }
0x34c: {  	p1 =	sne.s32 s1, $0x1;
	[sflag:s6] =	ssyncadd.s32 $0xFFFFF380  }
.Ltmp2:
0x34d: {  	_ =	swait.ge [sflag:s4], $0xC80;
	(pc) =	sbr.rel @p1 .LBB2_3-.Ltmp2, $4  }
0x34e: {  	[sflag:s4] =	ssyncset.done $0x0  }
0x34f: {  	[sflag:s4] =	ssyncadd.s32 $0xFFFFF380  }
0x350: {  	_ =	swait.ge [sflag:s3], $0xC80  }
0x351: {  	s1 =	sadd.s32 $0xFFFFFFFF, s1;
	[sflag:s3] =	ssyncset.done $0x0  }
0x352: {  	s28 =	stileid.u32;
	s29 =	rddreg [dreg:$0x3]  }
.LBB2_5:
0x353: {  	[sflag:s3] =	ssyncadd.s32 @p0 $0xFFFFF380  }
0x354: {  	[spmem:s19], [sflag:s17] =	dma.local [hbm:s22], $0xC80  }
0x355: {  	s22 =	sor.u32 $0x1C02, s23;
	s0 =	rddreg [dreg:$0x4]  }
0x356: {  	[spmem:s15], [sflag:s22] =	dma.local [hbm:s0], $0xC80  }
0x357: {  	_ =	swait.ge [sflag:s18], $0xC80  }
0x358: {  	[sflag:s18] =	ssyncset.done $0x0  }
0x359: {  	s24 =	sor.u32 $0x1C05, s23;
	[sflag:s18] =	ssyncadd.s32 $0xFFFFF380  }
0x35a: {  	[hbm:s21], [sflag:s24] =	dma.local [spmem:s19], $0xC80  }
0x35b: {  	s1 =	sor.u32 $0x1C03, s23;
	s26 =	rddreg [dreg:$0x5]  }
0x35c: {  	[spmem:s10], [sflag:s1] =	dma.local [hbm:s26], $0xC80  }
0x35d: {  	_ =	swait.ge [sflag:s16], $0xC80  }
0x35e: {  	[sflag:s16] =	ssyncset.done $0x0  }
0x35f: {  	s25 =	sor.u32 $0x1C06, s23;
	s30 =	rddreg [dreg:$0x6];
	[sflag:s16] =	ssyncadd.s32 $0xFFFFF380  }
0x360: {  	[hbm:s30], [sflag:s25] =	dma.local [spmem:s15], $0xC80  }
0x361: {  	s21 =	sor.u32 $0x1C04, s23;
	s0 =	rddreg [dreg:$0x7]  }
0x362: {  	[spmem:s9], [sflag:s21] =	dma.local [hbm:s0], $0xC80  }
0x363: {  	_ =	swait.ge [sflag:s14], $0xC80  }
0x364: {  	[sflag:s14] =	ssyncset.done $0x0  }
0x365: {  	s26 =	sor.u32 $0x1C07, s23;
	s31 =	rddreg [dreg:$0x8];
	[sflag:s14] =	ssyncadd.s32 $0xFFFFF380  }
0x366: {  	[hbm:s31], [sflag:s26] =	dma.local [spmem:s10], $0xC80  }
0x367: {  	_ =	swait.ge [sflag:s7], $0xC80  }
0x368: {  	[sflag:s7] =	ssyncset.done $0x0  }
0x369: {  	s30 =	rddreg [dreg:$0x9];
	[sflag:s7] =	ssyncadd.s32 $0xFFFFF380  }
0x36a: {  	[spmem:s19], [sflag:s17] =	dma.local [hbm:s30], $0xC80  }
0x36b: {  	_ =	swait.ge [sflag:s12], $0xC80  }
0x36c: {  	[sflag:s12] =	ssyncset.done $0x0  }
0x36d: {  	s23 =	sor.u32 $0x1C08, s23;
	s31 =	rddreg [dreg:$0xa];
	[sflag:s12] =	ssyncadd.s32 $0xFFFFF380  }
0x36e: {  	[hbm:s31], [sflag:s23] =	dma.local [spmem:s9], $0xC80  }
0x36f: {  	_ =	swait.ge [sflag:s6], $0xC80  }
0x370: {  	[sflag:s6] =	ssyncset.done $0x0  }
0x371: {  	s30 =	rddreg [dreg:$0xb];
	[sflag:s6] =	ssyncadd.s32 $0xFFFFF380  }
0x372: {  	[spmem:s15], [sflag:s22] =	dma.local [hbm:s30], $0xC80  }
0x373: {  	_ =	swait.ge [sflag:s18], $0xC80  }
0x374: {  	[sflag:s18] =	ssyncset.done $0x0  }
0x375: {  	s31 =	rddreg [dreg:$0xc];
	[sflag:s18] =	ssyncadd.s32 $0xFFFFF380  }
0x376: {  	[hbm:s31], [sflag:s24] =	dma.local [spmem:s19], $0xC80  }
0x377: {  	_ =	swait.ge [sflag:s4], $0xC80  }
0x378: {  	[sflag:s4] =	ssyncset.done $0x0  }
0x379: {  	s30 =	rddreg [dreg:$0xd];
	[sflag:s4] =	ssyncadd.s32 $0xFFFFF380  }
0x37a: {  	[spmem:s10], [sflag:s1] =	dma.local [hbm:s30], $0xC80  }
0x37b: {  	_ =	swait.ge [sflag:s16], $0xC80  }
0x37c: {  	[sflag:s16] =	ssyncset.done $0x0  }
0x37d: {  	s31 =	rddreg [dreg:$0xe];
	[sflag:s16] =	ssyncadd.s32 $0xFFFFF380  }
0x37e: {  	[hbm:s31], [sflag:s25] =	dma.local [spmem:s15], $0xC80  }
0x37f: {  	_ =	swait.ge [sflag:s3], $0xC80  }
0x380: {  	[sflag:s3] =	ssyncset.done $0x0  }
0x381: {  	s30 =	rddreg [dreg:$0xf];
	[sflag:s3] =	ssyncadd.s32 $0xFFFFF380  }
0x382: {  	[spmem:s9], [sflag:s21] =	dma.local [hbm:s30], $0xC80  }
0x383: {  	_ =	swait.ge [sflag:s14], $0xC80  }
0x384: {  	[sflag:s14] =	ssyncset.done $0x0  }
0x385: {  	s31 =	rddreg [dreg:$0x10];
	[sflag:s14] =	ssyncadd.s32 $0xFFFFF380  }
0x386: {  	[hbm:s31], [sflag:s26] =	dma.local [spmem:s10], $0xC80  }
0x387: {  	_ =	swait.ge [sflag:s7], $0xC80  }
0x388: {  	[sflag:s7] =	ssyncset.done $0x0  }
0x389: {  	s30 =	rddreg [dreg:$0x11];
	[sflag:s7] =	ssyncadd.s32 $0xFFFFF380  }
0x38a: {  	[spmem:s19], [sflag:s17] =	dma.local [hbm:s30], $0xC80  }
0x38b: {  	_ =	swait.ge [sflag:s12], $0xC80  }
0x38c: {  	[sflag:s12] =	ssyncset.done $0x0  }
0x38d: {  	s31 =	rddreg [dreg:$0x12];
	[sflag:s12] =	ssyncadd.s32 $0xFFFFF380  }
0x38e: {  	[hbm:s31], [sflag:s23] =	dma.local [spmem:s9], $0xC80  }
0x38f: {  	_ =	swait.ge [sflag:s6], $0xC80  }
0x390: {  	[sflag:s6] =	ssyncset.done $0x0  }
0x391: {  	s30 =	rddreg [dreg:$0x13];
	[sflag:s6] =	ssyncadd.s32 $0xFFFFF380  }
0x392: {  	[spmem:s15], [sflag:s22] =	dma.local [hbm:s30], $0xC80  }
0x393: {  	_ =	swait.ge [sflag:s18], $0xC80  }
0x394: {  	[sflag:s18] =	ssyncset.done $0x0  }
0x395: {  	s31 =	rddreg [dreg:$0x14];
	[sflag:s18] =	ssyncadd.s32 $0xFFFFF380  }
0x396: {  	[hbm:s31], [sflag:s24] =	dma.local [spmem:s19], $0xC80  }
0x397: {  	_ =	swait.ge [sflag:s4], $0xC80  }
0x398: {  	[sflag:s4] =	ssyncset.done $0x0  }
0x399: {  	s30 =	rddreg [dreg:$0x15];
	[sflag:s4] =	ssyncadd.s32 $0xFFFFF380  }
0x39a: {  	[spmem:s10], [sflag:s1] =	dma.local [hbm:s30], $0xC80  }
0x39b: {  	_ =	swait.ge [sflag:s16], $0xC80  }
0x39c: {  	[sflag:s16] =	ssyncset.done $0x0  }
0x39d: {  	s31 =	rddreg [dreg:$0x16];
	[sflag:s16] =	ssyncadd.s32 $0xFFFFF380  }
0x39e: {  	[hbm:s31], [sflag:s25] =	dma.local [spmem:s15], $0xC80  }
0x39f: {  	_ =	swait.ge [sflag:s3], $0xC80  }
0x3a0: {  	[sflag:s3] =	ssyncset.done $0x0  }
0x3a1: {  	s30 =	rddreg [dreg:$0x17];
	[sflag:s3] =	ssyncadd.s32 $0xFFFFF380  }
0x3a2: {  	[spmem:s9], [sflag:s21] =	dma.local [hbm:s30], $0xC80  }
0x3a3: {  	_ =	swait.ge [sflag:s14], $0xC80  }
0x3a4: {  	[sflag:s14] =	ssyncset.done $0x0  }
0x3a5: {  	s31 =	rddreg [dreg:$0x18];
	[sflag:s14] =	ssyncadd.s32 $0xFFFFF380  }
0x3a6: {  	[hbm:s31], [sflag:s26] =	dma.local [spmem:s10], $0xC80  }
0x3a7: {  	_ =	swait.ge [sflag:s7], $0xC80  }
0x3a8: {  	[sflag:s7] =	ssyncset.done $0x0  }
0x3a9: {  	s30 =	rddreg [dreg:$0x19];
	[sflag:s7] =	ssyncadd.s32 $0xFFFFF380  }
0x3aa: {  	[spmem:s19], [sflag:s17] =	dma.local [hbm:s30], $0xC80  }
0x3ab: {  	_ =	swait.ge [sflag:s12], $0xC80  }
0x3ac: {  	[sflag:s12] =	ssyncset.done $0x0  }
0x3ad: {  	s31 =	rddreg [dreg:$0x1a];
	[sflag:s12] =	ssyncadd.s32 $0xFFFFF380  }
0x3ae: {  	[hbm:s31], [sflag:s23] =	dma.local [spmem:s9], $0xC80  }
0x3af: {  	_ =	swait.ge [sflag:s6], $0xC80  }
0x3b0: {  	[sflag:s6] =	ssyncset.done $0x0  }
0x3b1: {  	s30 =	rddreg [dreg:$0x1b];
	[sflag:s6] =	ssyncadd.s32 $0xFFFFF380  }
0x3b2: {  	[spmem:s15], [sflag:s22] =	dma.local [hbm:s30], $0xC80  }
0x3b3: {  	_ =	swait.ge [sflag:s18], $0xC80  }
0x3b4: {  	[sflag:s18] =	ssyncset.done $0x0  }
0x3b5: {  	s31 =	rddreg [dreg:$0x1c];
	[sflag:s18] =	ssyncadd.s32 $0xFFFFF380  }
0x3b6: {  	[hbm:s31], [sflag:s24] =	dma.local [spmem:s19], $0xC80  }
0x3b7: {  	_ =	swait.ge [sflag:s4], $0xC80  }
0x3b8: {  	[sflag:s4] =	ssyncset.done $0x0  }
0x3b9: {  	s30 =	rddreg [dreg:$0x1d];
	[sflag:s4] =	ssyncadd.s32 $0xFFFFF380  }
0x3ba: {  	[spmem:s10], [sflag:s1] =	dma.local [hbm:s30], $0xC80  }
0x3bb: {  	_ =	swait.ge [sflag:s16], $0xC80  }
0x3bc: {  	[sflag:s16] =	ssyncset.done $0x0  }
0x3bd: {  	s31 =	rddreg [dreg:$0x1e];
	[sflag:s16] =	ssyncadd.s32 $0xFFFFF380  }
0x3be: {  	[hbm:s31], [sflag:s25] =	dma.local [spmem:s15], $0xC80  }
0x3bf: {  	_ =	swait.ge [sflag:s3], $0xC80  }
0x3c0: {  	[sflag:s3] =	ssyncset.done $0x0  }
0x3c1: {  	s30 =	rddreg [dreg:$0x1f];
	[sflag:s3] =	ssyncadd.s32 $0xFFFFF380  }
0x3c2: {  	[spmem:s9], [sflag:s21] =	dma.local [hbm:s30], $0xC80  }
0x3c3: {  	_ =	swait.ge [sflag:s14], $0xC80  }
0x3c4: {  	s31 =	sld [smem:$0x7D2]  }
0x3c5: {  	[sflag:s14] =	ssyncset.done $0x0  }
0x3c6: {  	[sflag:s14] =	ssyncadd.s32 $0xFFFFF380  }
0x3c7: {  	[hbm:s31], [sflag:s26] =	dma.local [spmem:s10], $0xC80  }
0x3c8: {  	_ =	swait.ge [sflag:s7], $0xC80  }
0x3c9: {  	s30 =	sld [smem:$0x7D3]  }
0x3ca: {  	[sflag:s7] =	ssyncset.done $0x0  }
0x3cb: {  	[sflag:s7] =	ssyncadd.s32 $0xFFFFF380  }
0x3cc: {  	[spmem:s19], [sflag:s17] =	dma.local [hbm:s30], $0xC80  }
0x3cd: {  	_ =	swait.ge [sflag:s12], $0xC80  }
0x3ce: {  	s31 =	sld [smem:$0x7D4]  }
0x3cf: {  	[sflag:s12] =	ssyncset.done $0x0  }
0x3d0: {  	[sflag:s12] =	ssyncadd.s32 $0xFFFFF380  }
0x3d1: {  	[hbm:s31], [sflag:s23] =	dma.local [spmem:s9], $0xC80  }
0x3d2: {  	_ =	swait.ge [sflag:s6], $0xC80  }
0x3d3: {  	s30 =	sld [smem:$0x7D5]  }
0x3d4: {  	[sflag:s6] =	ssyncset.done $0x0  }
0x3d5: {  	[sflag:s6] =	ssyncadd.s32 $0xFFFFF380  }
0x3d6: {  	[spmem:s15], [sflag:s22] =	dma.local [hbm:s30], $0xC80  }
0x3d7: {  	_ =	swait.ge [sflag:s18], $0xC80  }
0x3d8: {  	s31 =	sld [smem:$0x7D6]  }
0x3d9: {  	[sflag:s18] =	ssyncset.done $0x0  }
0x3da: {  	[sflag:s18] =	ssyncadd.s32 $0xFFFFF380  }
0x3db: {  	[hbm:s31], [sflag:s24] =	dma.local [spmem:s19], $0xC80  }
0x3dc: {  	_ =	swait.ge [sflag:s4], $0xC80  }
0x3dd: {  	s30 =	sld [smem:$0x7D7]  }
0x3de: {  	[sflag:s4] =	ssyncset.done $0x0  }
0x3df: {  	[sflag:s4] =	ssyncadd.s32 $0xFFFFF380  }
0x3e0: {  	[spmem:s10], [sflag:s1] =	dma.local [hbm:s30], $0xC80  }
0x3e1: {  	_ =	swait.ge [sflag:s16], $0xC80  }
0x3e2: {  	s31 =	sld [smem:$0x7D8]  }
0x3e3: {  	[sflag:s16] =	ssyncset.done $0x0  }
0x3e4: {  	[sflag:s16] =	ssyncadd.s32 $0xFFFFF380  }
0x3e5: {  	[hbm:s31], [sflag:s25] =	dma.local [spmem:s15], $0xC80  }
0x3e6: {  	_ =	swait.ge [sflag:s3], $0xC80  }
0x3e7: {  	s30 =	sld [smem:$0x7D9]  }
0x3e8: {  	[sflag:s3] =	ssyncset.done $0x0  }
0x3e9: {  	[sflag:s3] =	ssyncadd.s32 $0xFFFFF380  }
0x3ea: {  	[spmem:s9], [sflag:s21] =	dma.local [hbm:s30], $0xC80  }
0x3eb: {  	_ =	swait.ge [sflag:s14], $0xC80  }
0x3ec: {  	s31 =	sld [smem:$0x7DA]  }
0x3ed: {  	[sflag:s14] =	ssyncset.done $0x0  }
0x3ee: {  	[sflag:s14] =	ssyncadd.s32 $0xFFFFF380  }
0x3ef: {  	[hbm:s31], [sflag:s26] =	dma.local [spmem:s10], $0xC80  }
0x3f0: {  	_ =	swait.ge [sflag:s7], $0xC80  }
0x3f1: {  	[sflag:s7] =	ssyncset.done $0x0  }
0x3f2: {  	[sflag:s7] =	ssyncadd.s32 $0xFFFFF380  }
0x3f3: {  	[spmem:s19], [sflag:s17] =	dma.local [hbm:s20], $0xC80  }
0x3f4: {  	_ =	swait.ge [sflag:s12], $0xC80  }
0x3f5: {  	s30 =	sld [smem:$0x7DB]  }
0x3f6: {  	[sflag:s12] =	ssyncset.done $0x0  }
0x3f7: {  	[sflag:s12] =	ssyncadd.s32 $0xFFFFF380  }
0x3f8: {  	[hbm:s30], [sflag:s23] =	dma.local [spmem:s9], $0xC80  }
0x3f9: {  	_ =	swait.ge [sflag:s6], $0xC80  }
0x3fa: {  	s31 =	sld [smem:$0x7DC]  }
0x3fb: {  	[sflag:s6] =	ssyncset.done $0x0  }
0x3fc: {  	[sflag:s6] =	ssyncadd.s32 $0xFFFFF380  }
0x3fd: {  	[spmem:s15], [sflag:s22] =	dma.local [hbm:s31], $0xC80  }
0x3fe: {  	_ =	swait.ge [sflag:s18], $0xC80  }
0x3ff: {  	s20 =	sld [smem:$0x7DD]  }
0x400: {  	[sflag:s18] =	ssyncset.done $0x0  }
0x401: {  	[sflag:s18] =	ssyncadd.s32 $0xFFFFF380  }
0x402: {  	[hbm:s20], [sflag:s24] =	dma.local [spmem:s19], $0xC80  }
0x403: {  	_ =	swait.ge [sflag:s4], $0xC80  }
0x404: {  	s30 =	sld [smem:$0x7DE]  }
0x405: {  	[sflag:s4] =	ssyncset.done $0x0  }
0x406: {  	[sflag:s4] =	ssyncadd.s32 $0xFFFFF380  }
0x407: {  	[spmem:s10], [sflag:s1] =	dma.local [hbm:s30], $0xC80  }
0x408: {  	_ =	swait.ge [sflag:s16], $0xC80  }
0x409: {  	s31 =	sld [smem:$0x7DF]  }
0x40a: {  	[sflag:s16] =	ssyncset.done $0x0  }
0x40b: {  	[sflag:s16] =	ssyncadd.s32 $0xFFFFF380  }
0x40c: {  	[hbm:s31], [sflag:s25] =	dma.local [spmem:s15], $0xC80  }
0x40d: {  	_ =	swait.ge [sflag:s3], $0xC80  }
0x40e: {  	s20 =	sld [smem:$0x7E0]  }
0x40f: {  	[sflag:s3] =	ssyncset.done $0x0  }
0x410: {  	[sflag:s3] =	ssyncadd.s32 $0xFFFFF380  }
0x411: {  	[spmem:s9], [sflag:s21] =	dma.local [hbm:s20], $0xC80  }
0x412: {  	_ =	swait.ge [sflag:s14], $0xC80  }
0x413: {  	s30 =	sld [smem:$0x7E1]  }
0x414: {  	[sflag:s14] =	ssyncset.done $0x0  }
0x415: {  	[sflag:s14] =	ssyncadd.s32 $0xFFFFF380  }
0x416: {  	[hbm:s30], [sflag:s26] =	dma.local [spmem:s10], $0xC80  }
0x417: {  	_ =	swait.ge [sflag:s7], $0xC80  }
0x418: {  	s31 =	sld [smem:$0x7E2]  }
0x419: {  	[sflag:s7] =	ssyncset.done $0x0  }
0x41a: {  	[sflag:s7] =	ssyncadd.s32 $0xFFFFF380  }
0x41b: {  	[spmem:s19], [sflag:s17] =	dma.local [hbm:s31], $0xC80  }
0x41c: {  	_ =	swait.ge [sflag:s12], $0xC80  }
0x41d: {  	s20 =	sld [smem:$0x7E3]  }
0x41e: {  	[sflag:s12] =	ssyncset.done $0x0  }
0x41f: {  	[sflag:s12] =	ssyncadd.s32 $0xFFFFF380  }
0x420: {  	[hbm:s20], [sflag:s23] =	dma.local [spmem:s9], $0xC80  }
0x421: {  	_ =	swait.ge [sflag:s6], $0xC80  }
0x422: {  	s30 =	sld [smem:$0x7E4]  }
0x423: {  	[sflag:s6] =	ssyncset.done $0x0  }
0x424: {  	[sflag:s6] =	ssyncadd.s32 $0xFFFFF380  }
0x425: {  	[spmem:s15], [sflag:s22] =	dma.local [hbm:s30], $0xC80  }
0x426: {  	_ =	swait.ge [sflag:s18], $0xC80  }
0x427: {  	s31 =	sld [smem:$0x7E5]  }
0x428: {  	[sflag:s18] =	ssyncset.done $0x0  }
0x429: {  	[sflag:s18] =	ssyncadd.s32 $0xFFFFF380  }
0x42a: {  	[hbm:s31], [sflag:s24] =	dma.local [spmem:s19], $0xC80  }
0x42b: {  	_ =	swait.ge [sflag:s4], $0xC80  }
0x42c: {  	s20 =	sld [smem:$0x7E6]  }
0x42d: {  	[sflag:s4] =	ssyncset.done $0x0  }
0x42e: {  	[sflag:s4] =	ssyncadd.s32 $0xFFFFF380  }
0x42f: {  	[spmem:s10], [sflag:s1] =	dma.local [hbm:s20], $0xC80  }
0x430: {  	_ =	swait.ge [sflag:s16], $0xC80  }
0x431: {  	s30 =	sld [smem:$0x7E7]  }
0x432: {  	[sflag:s16] =	ssyncset.done $0x0  }
0x433: {  	[sflag:s16] =	ssyncadd.s32 $0xFFFFF380  }
0x434: {  	[hbm:s30], [sflag:s25] =	dma.local [spmem:s15], $0xC80  }
0x435: {  	_ =	swait.ge [sflag:s3], $0xC80  }
0x436: {  	s31 =	sld [smem:$0x7E8]  }
0x437: {  	[sflag:s3] =	ssyncset.done $0x0  }
0x438: {  	[sflag:s3] =	ssyncadd.s32 $0xFFFFF380  }
0x439: {  	[spmem:s9], [sflag:s21] =	dma.local [hbm:s31], $0xC80  }
0x43a: {  	_ =	swait.ge [sflag:s14], $0xC80  }
0x43b: {  	s20 =	sld [smem:$0x7E9]  }
0x43c: {  	[sflag:s14] =	ssyncset.done $0x0  }
0x43d: {  	[sflag:s14] =	ssyncadd.s32 $0xFFFFF380  }
0x43e: {  	[hbm:s20], [sflag:s26] =	dma.local [spmem:s10], $0xC80  }
0x43f: {  	_ =	swait.ge [sflag:s7], $0xC80  }
0x440: {  	s30 =	sld [smem:$0x7EA]  }
0x441: {  	[sflag:s7] =	ssyncset.done $0x0  }
0x442: {  	[sflag:s7] =	ssyncadd.s32 $0xFFFFF380  }
0x443: {  	[spmem:s19], [sflag:s17] =	dma.local [hbm:s30], $0xC80  }
0x444: {  	_ =	swait.ge [sflag:s12], $0xC80  }
0x445: {  	s31 =	sld [smem:$0x7EB]  }
0x446: {  	[sflag:s12] =	ssyncset.done $0x0  }
0x447: {  	[sflag:s12] =	ssyncadd.s32 $0xFFFFF380  }
0x448: {  	[hbm:s31], [sflag:s23] =	dma.local [spmem:s9], $0xC80  }
0x449: {  	_ =	swait.ge [sflag:s6], $0xC80  }
0x44a: {  	s20 =	sld [smem:$0x7EC]  }
0x44b: {  	[sflag:s6] =	ssyncset.done $0x0  }
0x44c: {  	[sflag:s6] =	ssyncadd.s32 $0xFFFFF380  }
0x44d: {  	[spmem:s15], [sflag:s22] =	dma.local [hbm:s20], $0xC80  }
0x44e: {  	_ =	swait.ge [sflag:s18], $0xC80  }
0x44f: {  	s30 =	sld [smem:$0x7ED]  }
0x450: {  	[sflag:s18] =	ssyncset.done $0x0  }
0x451: {  	[sflag:s18] =	ssyncadd.s32 $0xFFFFF380  }
0x452: {  	[hbm:s30], [sflag:s24] =	dma.local [spmem:s19], $0xC80  }
0x453: {  	_ =	swait.ge [sflag:s4], $0xC80  }
0x454: {  	s31 =	sld [smem:$0x7EE]  }
0x455: {  	[sflag:s4] =	ssyncset.done $0x0  }
0x456: {  	[sflag:s4] =	ssyncadd.s32 $0xFFFFF380  }
0x457: {  	[spmem:s10], [sflag:s1] =	dma.local [hbm:s31], $0xC80  }
0x458: {  	_ =	swait.ge [sflag:s16], $0xC80  }
0x459: {  	s20 =	sld [smem:$0x7EF]  }
0x45a: {  	[sflag:s16] =	ssyncset.done $0x0  }
0x45b: {  	[sflag:s16] =	ssyncadd.s32 $0xFFFFF380  }
0x45c: {  	[hbm:s20], [sflag:s25] =	dma.local [spmem:s15], $0xC80  }
0x45d: {  	_ =	swait.ge [sflag:s3], $0xC80  }
0x45e: {  	s30 =	sld [smem:$0x7F0]  }
0x45f: {  	[sflag:s3] =	ssyncset.done $0x0  }
0x460: {  	[sflag:s3] =	ssyncadd.s32 $0xFFFFF380  }
0x461: {  	[spmem:s9], [sflag:s21] =	dma.local [hbm:s30], $0xC80  }
0x462: {  	_ =	swait.ge [sflag:s14], $0xC80  }
0x463: {  	s31 =	sld [smem:$0x7F1]  }
0x464: {  	[sflag:s14] =	ssyncset.done $0x0  }
0x465: {  	[sflag:s14] =	ssyncadd.s32 $0xFFFFF380  }
0x466: {  	[hbm:s31], [sflag:s26] =	dma.local [spmem:s10], $0xC80  }
0x467: {  	_ =	swait.ge [sflag:s7], $0xC80  }
0x468: {  	s20 =	sld [smem:$0x7F2]  }
0x469: {  	[sflag:s7] =	ssyncset.done $0x0  }
0x46a: {  	[sflag:s7] =	ssyncadd.s32 $0xFFFFF380  }
0x46b: {  	[spmem:s19], [sflag:s17] =	dma.local [hbm:s20], $0xC80  }
0x46c: {  	_ =	swait.ge [sflag:s12], $0xC80  }
0x46d: {  	s30 =	sld [smem:$0x7F3]  }
0x46e: {  	[sflag:s12] =	ssyncset.done $0x0  }
0x46f: {  	[sflag:s12] =	ssyncadd.s32 $0xFFFFF380  }
0x470: {  	[hbm:s30], [sflag:s23] =	dma.local [spmem:s9], $0xC80  }
0x471: {  	_ =	swait.ge [sflag:s6], $0xC80  }
0x472: {  	s31 =	sld [smem:$0x7F4]  }
0x473: {  	[sflag:s6] =	ssyncset.done $0x0  }
0x474: {  	[sflag:s6] =	ssyncadd.s32 $0xFFFFF380  }
0x475: {  	[spmem:s15], [sflag:s22] =	dma.local [hbm:s31], $0xC80  }
0x476: {  	_ =	swait.ge [sflag:s18], $0xC80  }
0x477: {  	s20 =	sld [smem:$0x7F5]  }
0x478: {  	[sflag:s18] =	ssyncset.done $0x0  }
0x479: {  	[sflag:s18] =	ssyncadd.s32 $0xFFFFF380  }
0x47a: {  	[hbm:s20], [sflag:s24] =	dma.local [spmem:s19], $0xC80  }
0x47b: {  	_ =	swait.ge [sflag:s4], $0xC80  }
0x47c: {  	s30 =	sld [smem:$0x7F6]  }
0x47d: {  	[sflag:s4] =	ssyncset.done $0x0  }
0x47e: {  	[sflag:s4] =	ssyncadd.s32 $0xFFFFF380  }
0x47f: {  	[spmem:s10], [sflag:s1] =	dma.local [hbm:s30], $0xC80  }
0x480: {  	_ =	swait.ge [sflag:s16], $0xC80  }
0x481: {  	s31 =	sld [smem:$0x7F7]  }
0x482: {  	[sflag:s16] =	ssyncset.done $0x0  }
0x483: {  	[sflag:s16] =	ssyncadd.s32 $0xFFFFF380  }
0x484: {  	[hbm:s31], [sflag:s25] =	dma.local [spmem:s15], $0xC80  }
0x485: {  	_ =	swait.ge [sflag:s3], $0xC80  }
0x486: {  	s20 =	sld [smem:$0x7F8]  }
0x487: {  	[sflag:s3] =	ssyncset.done $0x0  }
0x488: {  	[sflag:s3] =	ssyncadd.s32 $0xFFFFF380  }
0x489: {  	[spmem:s9], [sflag:s21] =	dma.local [hbm:s20], $0xC80  }
0x48a: {  	_ =	swait.ge [sflag:s14], $0xC80  }
0x48b: {  	s30 =	sld [smem:$0x7F9]  }
0x48c: {  	[sflag:s14] =	ssyncset.done $0x0  }
0x48d: {  	[sflag:s14] =	ssyncadd.s32 $0xFFFFF380  }
0x48e: {  	[hbm:s30], [sflag:s26] =	dma.local [spmem:s10], $0xC80  }
0x48f: {  	_ =	swait.ge [sflag:s7], $0xC80  }
0x490: {  	s31 =	sld [smem:$0x7FA]  }
0x491: {  	[sflag:s7] =	ssyncset.done $0x0  }
0x492: {  	[sflag:s7] =	ssyncadd.s32 $0xFFFFF380  }
0x493: {  	[spmem:s19], [sflag:s17] =	dma.local [hbm:s31], $0xC80  }
0x494: {  	_ =	swait.ge [sflag:s12], $0xC80  }
0x495: {  	s20 =	sld [smem:$0x7FB]  }
0x496: {  	[sflag:s12] =	ssyncset.done $0x0  }
0x497: {  	[sflag:s12] =	ssyncadd.s32 $0xFFFFF380  }
0x498: {  	[hbm:s20], [sflag:s23] =	dma.local [spmem:s9], $0xC80  }
0x499: {  	_ =	swait.ge [sflag:s6], $0xC80  }
0x49a: {  	s30 =	sld [smem:$0x7FC]  }
0x49b: {  	[sflag:s6] =	ssyncset.done $0x0  }
0x49c: {  	[sflag:s6] =	ssyncadd.s32 $0xFFFFF380  }
0x49d: {  	[spmem:s15], [sflag:s22] =	dma.local [hbm:s30], $0xC80  }
0x49e: {  	_ =	swait.ge [sflag:s18], $0xC80  }
0x49f: {  	s31 =	sld [smem:$0x7FD]  }
0x4a0: {  	[sflag:s18] =	ssyncset.done $0x0  }
0x4a1: {  	[sflag:s18] =	ssyncadd.s32 $0xFFFFF380  }
0x4a2: {  	[hbm:s31], [sflag:s24] =	dma.local [spmem:s19], $0xC80  }
0x4a3: {  	_ =	swait.ge [sflag:s4], $0xC80  }
0x4a4: {  	[sflag:s4] =	ssyncset.done $0x0  }
0x4a5: {  	[sflag:s4] =	ssyncadd.s32 $0xFFFFF380  }
0x4a6: {  	[spmem:s10], [sflag:s1] =	dma.local [hbm:s13], $0xC80  }
0x4a7: {  	_ =	swait.ge [sflag:s16], $0xC80  }
0x4a8: {  	[sflag:s16] =	ssyncset.done $0x0  }
0x4a9: {  	[sflag:s16] =	ssyncadd.s32 $0xFFFFF380  }
0x4aa: {  	[hbm:s11], [sflag:s25] =	dma.local [spmem:s15], $0xC80  }
0x4ab: {  	_ =	swait.ge [sflag:s3], $0xC80  }
0x4ac: {  	[sflag:s3] =	ssyncset.done $0x0  }
0x4ad: {  	[sflag:s3] =	ssyncadd.s32 $0xFFFFF380  }
0x4ae: {  	[spmem:s9], [sflag:s21] =	dma.local [hbm:s8], $0xC80  }
0x4af: {  	_ =	swait.ge [sflag:s14], $0xC80  }
0x4b0: {  	[sflag:s14] =	ssyncset.done $0x0  }
0x4b1: {  	[sflag:s14] =	ssyncadd.s32 $0xFFFFF380  }
0x4b2: {  	[hbm:s5], [sflag:s26] =	dma.local [spmem:s10], $0xC80  }
0x4b3: {  	_ =	swait.ge [sflag:s12], $0xC80  }
0x4b4: {  	[sflag:s12] =	ssyncset.done $0x0  }
0x4b5: {  	[sflag:s12] =	ssyncadd.s32 $0xFFFFF380  }
0x4b6: {  	[hbm:s2], [sflag:s23] =	dma.local [spmem:s9], $0xC80  }
0x4b7: {  	_ =	swait.ge [sflag:s7], $0xC80  }
0x4b8: {  	[sflag:s7] =	ssyncset.done $0x0  }
0x4b9: {  	[sflag:s7] =	ssyncadd.s32 $0xFFFFF380  }
0x4ba: {  	_ =	swait.ge [sflag:s6], $0xC80  }
0x4bb: {  	[sflag:s6] =	ssyncset.done $0x0  }
0x4bc: {  	[sflag:s6] =	ssyncadd.s32 $0xFFFFF380  }
0x4bd: {  	_ =	swait.ge [sflag:s4], $0xC80  }
0x4be: {  	[sflag:s4] =	ssyncset.done $0x0  }
0x4bf: {  	[sflag:s4] =	ssyncadd.s32 $0xFFFFF380  }
0x4c0: {  	_ =	swait.ge [sflag:s3], $0xC80  }
0x4c1: {  	[sflag:s3] =	ssyncset.done $0x0  }
0x4c2: {  	[sflag:s3] =	ssyncadd.s32 $0xFFFFF380  }
0x4c3: {  	_ =	sfence.sel $0x180000  }
0x4c4: {  	[bflag:$0x0] =	sbarrier.arrive $0xFFFF  }
0x4c5: {  	p0 =	sne.s32 s28, $0x0;
	_ =	strace $0x90000047  }
0x4c6: {  	s0 =	sadd.s32 @!p0 $0x100000, s29;
	[bflag:$0x2] =	sbarrier.arrive $0xFFFF  }
0x4c7: {  	[sflag:s0] =	ssyncadd.tile.s32 @!p0 $0x1;
	_ =	shalt  }
.LBB2_2:
.Ltmp3:
0x4c8: {  	(pc) =	sbr.rel .LBB2_5-.Ltmp3, $2  }
0x4c9: {  	_ =	sdelay $0x2  }
0x4ca: {  	s28 =	stileid.u32;
	s29 =	rddreg [dreg:$0x3]  }
.Lfunc_end2:
_tile_overlayer_lowered:
.L_overlay_start_2:
0x4cb: {  	(tag) =	ssettag $0x2  }
0x4cc: {  	s0 =	rddreg [dreg:$0x0];
	s2 =	stileid.u32  }
0x4cd: {  	s1 =	rddreg [dreg:$0x1];
	p0 =	sne.s32 s2, $0x0  }
0x4ce: {  	s3 =	rddreg [dreg:$0x2];
	[bflag:$0x3] =	sbarrier.arrive $0xFFFF;
	s2 =	simm.s32 @!p0 $0x1C09  }
0x4cf: {  	[timem:s3], [sflag:s2] =	dma.local @!p0 [hbm:s0], s1  }
0x4d0: {  	s0 =	simm.s32 @!p0 $0x9  }
0x4d1: {  	_ =	swait.ge @!p0 [sflag:s0], s1  }
0x4d2: {  	s1 =	ssub.s32 @!p0 $0x0, s1;
	[sflag:s0] =	ssyncset.done @!p0 $0x0  }
0x4d3: {  	[sflag:s0] =	ssyncadd.s32 @!p0 s1  }
0x4d4: {  	[bflag:$0x3] =	sbarrier.arrive $0xFFFF  }
0x4d5: {  	_ =	shalt  }

</sc_bundles>
